<compile_context>
chip_gen: v7x
topology: tpu7x:2x2x1
jax: 0.10.2.dev20260603
libtpu: 0.0.44.dev20260713+nightly
codegen_flags: <defaults>
</compile_context>

<pallas_src>
import functools

import jax
import jax.numpy as jnp
from jax import lax
from jax.experimental import pallas as pl
from jax.experimental.pallas import tpu as pltpu
from jax.experimental.pallas import tpu_sc as plsc

_B, _H, _T, _D = 2, 16, 4096, 64
_NC, _W = 32, 128
_BH = _B * _H
_R = _BH * _NC
_NWORK = 32
_RPW = _R // _NWORK


def _cumsum_lanes(x):
    n = 1
    t = x.shape[1]
    while n < t:
        x = x + jnp.pad(x, ((0, 0), (n, 0)))[:, :t]
        n *= 2
    return x


def _route_body(q_ref, k_ref, means_ref, mq_ref, mk_ref, den_ref, aux_ref):
    means = means_ref[0]
    msq = jnp.sum(means * means, axis=1)
    aux = jnp.float32(0.0)
    for half in range(2):
        src = q_ref if half == 0 else k_ref
        x = src[0]
        ssq = jnp.sum(x * x, axis=1, keepdims=True)
        xn = x / jnp.maximum(jnp.sqrt(ssq), 1e-12)
        dt = lax.dot_general(means, xn, (((1,), (1,)), ((), ())),
                             preferred_element_type=jnp.float32)
        mx = jnp.max(dt, axis=0)
        cio = lax.broadcasted_iota(jnp.int32, (_NC, _T), 0)
        amin = jnp.min(jnp.where(dt == mx[None, :], cio, _NC), axis=0)
        msel = jnp.sum(jnp.where(cio == amin[None, :], msq[:, None], 0.0), axis=0)
        xnsq = jnp.sum(xn * xn, axis=1)
        aux = aux + jnp.sum(xnsq) - 2.0 * jnp.sum(mx) + jnp.sum(msel)
        u = lax.bitcast_convert_type(dt, jnp.uint32)
        key = jnp.where(u >= jnp.uint32(0x80000000), ~u, u | jnp.uint32(0x80000000))
        kk = jnp.zeros((_NC, 1), jnp.uint32)
        for bit in range(31, -1, -1):
            cand = kk | jnp.uint32(1 << bit)
            cnt = jnp.sum((key >= cand).astype(jnp.float32), axis=1, keepdims=True)
            kk = jnp.where(cnt >= float(_W), cand, kk)
        gt = key > kk
        eq = key == kk
        n_gt = jnp.sum(gt.astype(jnp.int32), axis=1, keepdims=True)
        extra = _W - n_gt
        eqrank = _cumsum_lanes(eq.astype(jnp.int32))
        mask = gt | (eq & (eqrank <= extra))
        pos = _cumsum_lanes(mask.astype(jnp.int32)) - 1
        posm = jnp.where(mask, pos, -1)
        if half == 0:
            mq_ref[0] = posm
            ones = jnp.ones((_NC, 1), jnp.float32)
            den_ref[0] = lax.dot_general(mask.astype(jnp.float32), ones,
                                         (((0,), (0,)), ((), ())),
                                         preferred_element_type=jnp.float32)
        else:
            mk_ref[0] = posm
    aux_ref[0] = jnp.full((1, 128), aux, jnp.float32)


def _route_call(qf, kf, means):
    return pl.pallas_call(
        _route_body,
        grid=(_BH,),
        in_specs=[
            pl.BlockSpec((1, _T, _D), lambda i: (i, 0, 0)),
            pl.BlockSpec((1, _T, _D), lambda i: (i, 0, 0)),
            pl.BlockSpec((1, _NC, _D), lambda i: (i % _H, 0, 0)),
        ],
        out_specs=[
            pl.BlockSpec((1, _NC, _T), lambda i: (i, 0, 0)),
            pl.BlockSpec((1, _NC, _T), lambda i: (i, 0, 0)),
            pl.BlockSpec((1, _T, 1), lambda i: (i, 0, 0)),
            pl.BlockSpec((1, 1, 128), lambda i: (i, 0, 0)),
        ],
        out_shape=[
            jax.ShapeDtypeStruct((_BH, _NC, _T), jnp.int32),
            jax.ShapeDtypeStruct((_BH, _NC, _T), jnp.int32),
            jax.ShapeDtypeStruct((_BH, _T, 1), jnp.float32),
            jax.ShapeDtypeStruct((_BH, 1, 128), jnp.float32),
        ],
    )(qf, kf, means)


def _gather_call(mq, mk, qflat, kflat, vflat):
    mesh = plsc.VectorSubcoreMesh(core_axis_name="c", subcore_axis_name="s")

    @functools.partial(
        pl.kernel,
        mesh=mesh,
        out_type=[
            jax.ShapeDtypeStruct((_R, _W), jnp.int32),
            jax.ShapeDtypeStruct((_R, _W, 128), jnp.float32),
            jax.ShapeDtypeStruct((_R, _W, 128), jnp.float32),
            jax.ShapeDtypeStruct((_R, _W, 128), jnp.float32),
        ],
        scratch_types=[
            pltpu.VMEM((2 * _T,), jnp.int32),
            pltpu.VMEM((2 * _T,), jnp.int32),
            pltpu.VMEM((_W,), jnp.int32),
            pltpu.VMEM((_W,), jnp.int32),
            pltpu.VMEM((_W,), jnp.int32),
            pltpu.VMEM((_W, 128), jnp.float32),
            pltpu.VMEM((_W, 128), jnp.float32),
            pltpu.VMEM((_W, 128), jnp.float32),
            pltpu.SemaphoreType.DMA,
            pltpu.SemaphoreType.DMA,
            pltpu.SemaphoreType.DMA,
            pltpu.SemaphoreType.DMA,
            pltpu.SemaphoreType.DMA,
        ],
        compiler_params=pltpu.CompilerParams(needs_layout_passes=False),
    )
    def body(mq_hbm, mk_hbm, qf_hbm, kf_hbm, vf_hbm,
             idxq_hbm, qg_hbm, kg_hbm, vg_hbm,
             pmq_v, pmk_v, loc_v, gq_v, gk_v, rq_v, rk_v, rv_v,
             sem1, sem2, sem3, semq, semk):
        wid = lax.axis_index("s") * 2 + lax.axis_index("c")
        r0 = wid * _RPW
        rlast = r0 + _RPW - 1

        def compact(pm_buf, off, dst_v):
            def chunk(i, carry):
                pm = pm_buf[pl.ds(off + i * 16, 16)]
                m = pm >= 0
                idxs = i * 16 + lax.iota(jnp.int32, 16)
                plsc.store_scatter(dst_v, [pm], idxs, mask=m)
                return carry

            lax.fori_loop(0, _T // 16, chunk, 0)

        pltpu.async_copy(mq_hbm.at[r0], pmq_v.at[pl.ds(0, _T)], semq)
        pltpu.async_copy(mk_hbm.at[r0], pmk_v.at[pl.ds(0, _T)], semk)

        def do_row(j, carry):
            r = r0 + j
            sl = lax.rem(j, 2)
            nsl = lax.rem(j + 1, 2)
            rn = jnp.minimum(r + 1, rlast)
            base = (r // _NC) * _T
            pltpu.make_async_copy(mq_hbm.at[r], pmq_v.at[pl.ds(sl * _T, _T)], semq).wait()
            compact(pmq_v, sl * _T, loc_v)
            for u in range(_W // 16):
                gq_v[pl.ds(u * 16, 16)] = loc_v[pl.ds(u * 16, 16)] + base
            pltpu.async_copy(qf_hbm.at[gq_v], rq_v, sem1)
            pltpu.sync_copy(loc_v, idxq_hbm.at[r])
            pltpu.make_async_copy(mk_hbm.at[r], pmk_v.at[pl.ds(sl * _T, _T)], semk).wait()
            compact(pmk_v, sl * _T, gk_v)
            for u in range(_W // 16):
                gk_v[pl.ds(u * 16, 16)] = gk_v[pl.ds(u * 16, 16)] + base
            pltpu.async_copy(kf_hbm.at[gk_v], rk_v, sem2)
            pltpu.async_copy(vf_hbm.at[gk_v], rv_v, sem3)
            pltpu.async_copy(mq_hbm.at[rn], pmq_v.at[pl.ds(nsl * _T, _T)], semq)
            pltpu.async_copy(mk_hbm.at[rn], pmk_v.at[pl.ds(nsl * _T, _T)], semk)
            pltpu.make_async_copy(qf_hbm.at[gq_v], rq_v, sem1).wait()
            pltpu.sync_copy(rq_v, qg_hbm.at[r])
            pltpu.make_async_copy(kf_hbm.at[gk_v], rk_v, sem2).wait()
            pltpu.sync_copy(rk_v, kg_hbm.at[r])
            pltpu.make_async_copy(vf_hbm.at[gk_v], rv_v, sem3).wait()
            pltpu.sync_copy(rv_v, vg_hbm.at[r])
            return carry

        lax.fori_loop(0, _RPW, do_row, 0)
        pltpu.make_async_copy(mq_hbm.at[rlast], pmq_v.at[pl.ds((_RPW % 2) * _T, _T)], semq).wait()
        pltpu.make_async_copy(mk_hbm.at[rlast], pmk_v.at[pl.ds((_RPW % 2) * _T, _T)], semk).wait()

    return body(mq, mk, qflat, kflat, vflat)


_G = 8


def _attn_body(qg_ref, kg_ref, vg_ref, mk_ref, mv_ref, bo_ref):
    scale = jnp.float32(_D ** -0.5)
    for g in range(_G):
        qx = qg_ref[g]
        kx = kg_ref[g]
        vx = vg_ref[g]
        mk = mk_ref[g]
        mv = mv_ref[g]
        dots = lax.dot_general(qx, kx, (((1,), (1,)), ((), ())),
                               preferred_element_type=jnp.float32) * scale
        dm = lax.dot_general(qx, mk, (((1,), (1,)), ((), ())),
                             preferred_element_type=jnp.float32) * scale
        m = jnp.maximum(jnp.max(dots, axis=1, keepdims=True), dm)
        ekv = jnp.exp(dots - m)
        em = jnp.exp(dm - m)
        den = jnp.sum(ekv, axis=1, keepdims=True) + em
        bo_ref[g] = (lax.dot_general(ekv, vx, (((1,), (0,)), ((), ())),
                                     preferred_element_type=jnp.float32) + em * mv) / den


def _attn_call(qg, kg, vg, mem_key, mem_value):
    pad3 = ((0, 0), (0, 0), (0, 128 - _D))
    mk2 = jnp.pad(mem_key.reshape(_H * _NC, 1, _D), pad3)
    mv2 = jnp.pad(mem_value.reshape(_H * _NC, 1, _D), pad3)
    nmem_blocks = (_H * _NC) // _G
    return pl.pallas_call(
        _attn_body,
        grid=(_R // _G,),
        in_specs=[
            pl.BlockSpec((_G, _W, 128), lambda i: (i, 0, 0)),
            pl.BlockSpec((_G, _W, 128), lambda i: (i, 0, 0)),
            pl.BlockSpec((_G, _W, 128), lambda i: (i, 0, 0)),
            pl.BlockSpec((_G, 1, 128), lambda i: (i % nmem_blocks, 0, 0)),
            pl.BlockSpec((_G, 1, 128), lambda i: (i % nmem_blocks, 0, 0)),
        ],
        out_specs=pl.BlockSpec((_G, _W, 128), lambda i: (i, 0, 0)),
        out_shape=jax.ShapeDtypeStruct((_R, _W, 128), jnp.float32),
    )(qg, kg, vg, mk2, mv2)


def _scatter_call(bo4, idx3, zrows):
    mesh = plsc.VectorSubcoreMesh(core_axis_name="c", subcore_axis_name="s")

    @functools.partial(
        pl.kernel,
        mesh=mesh,
        out_type=jax.ShapeDtypeStruct((_BH * 32, _W, 128), jnp.float32),
        scratch_types=[
            pltpu.VMEM((2, _W, 128), jnp.float32),
            pltpu.VMEM((2, _W), jnp.int32),
            pltpu.VMEM((256, 128), jnp.float32),
            pltpu.VMEM_SHARED((_T, 128), jnp.float32),
        ],
        compiler_params=pltpu.CompilerParams(needs_layout_passes=False),
    )
    def body(bo_hbm, idx_hbm, z_hbm, numer_hbm, rows_sc, idx_v, zero_v, accum):
        c = lax.axis_index("c")
        s = lax.axis_index("s")
        pltpu.sync_copy(z_hbm, zero_v)

        def do_bh(t, carry):
            bh = c * (_BH // 2) + t
            pltpu.sync_copy(zero_v, accum.at[pl.ds(s * 256, 256)])
            plsc.subcore_barrier()
            pltpu.sync_copy(bo_hbm.at[bh, pl.ds(s * 2, 2)], rows_sc)
            pltpu.sync_copy(idx_hbm.at[bh, pl.ds(s * 2, 2)], idx_v)
            for u in range(2):
                pltpu.sync_copy(rows_sc.at[u], accum.at[idx_v.at[u]], add=True)
            plsc.subcore_barrier()
            for u in range(2):
                pltpu.sync_copy(accum.at[pl.ds(s * 256 + u * _W, _W)], rows_sc.at[u])
                pltpu.sync_copy(rows_sc.at[u], numer_hbm.at[(bh * 16 + s) * 2 + u])
            return carry

        lax.fori_loop(0, _BH // 2, do_bh, 0)

    return body(bo4, idx3, zrows)


def _div_body(num_ref, den_ref, o_ref):
    o_ref[0] = num_ref[0][:, :_D] / (den_ref[0] + 1e-5)


def _div_call(numer, den):
    return pl.pallas_call(
        _div_body,
        grid=(_BH,),
        in_specs=[
            pl.BlockSpec((1, _T, 128), lambda i: (i, 0, 0)),
            pl.BlockSpec((1, _T, 1), lambda i: (i, 0, 0)),
        ],
        out_specs=pl.BlockSpec((1, _T, _D), lambda i: (i, 0, 0)),
        out_shape=jax.ShapeDtypeStruct((_BH, _T, _D), jnp.float32),
    )(numer, den)


def kernel(q, k, v, means, mem_key, mem_value):
    qf = q.reshape(_BH, _T, _D)
    kf = k.reshape(_BH, _T, _D)
    vf = v.reshape(_BH, _T, _D)
    mq, mk_, den, auxp = _route_call(qf, kf, means)
    aux_loss = jnp.sum(auxp[:, 0, 0]) / float(_BH * 2 * _T * _D)
    pad = ((0, 0), (0, 128 - _D))
    idxq, qg, kg, vg = _gather_call(
        mq.reshape(_R, _T), mk_.reshape(_R, _T),
        jnp.pad(qf.reshape(_BH * _T, _D), pad),
        jnp.pad(kf.reshape(_BH * _T, _D), pad),
        jnp.pad(vf.reshape(_BH * _T, _D), pad))
    bo = _attn_call(qg, kg, vg, mem_key, mem_value)
    zrows = jnp.zeros((256, 128), jnp.float32)
    numer = _scatter_call(bo.reshape(_BH, _NC, _W, 128),
                          idxq.reshape(_BH, _NC, _W), zrows)
    out = _div_call(numer.reshape(_BH, _T, 128), den)
    return out.reshape(_B, _H, _T, _D), aux_loss

# --- scband reference (transcript-rebuilt; emitter-appended) ---
"""Pipeline reference for scband-kmeans-attention-20452634264208 (READ-ONLY COPY).

The authoritative reference and input builder live on the scoring server;
editing this copy changes nothing except your own understanding.
"""

import jax, jax.numpy as jnp
import numpy as np

B, H, T, D = 2, 16, 4096, 64
NC, WSZ = 32, 128
NMEM = 1


def setup_inputs(seed: int = 0) -> dict:
    key = jax.random.key(seed)
    ks = jax.random.split(key, 6)
    q = jax.random.normal(ks[0], (B, H, T, D), dtype=jnp.float32)
    k = jax.random.normal(ks[1], (B, H, T, D), dtype=jnp.float32)
    v = jax.random.normal(ks[2], (B, H, T, D), dtype=jnp.float32)
    means = jax.random.normal(ks[3], (H, NC, D), dtype=jnp.float32)
    mem_key = jax.random.normal(ks[4], (H, NC, NMEM, D), dtype=jnp.float32)
    mem_value = jax.random.normal(ks[5], (H, NC, NMEM, D), dtype=jnp.float32)
    return {"q": q, "k": k, "v": v, "means": means, "mem_key": mem_key, "mem_value": mem_value}


def _l2norm(x, eps=1e-12):
    n = jnp.sqrt(jnp.sum(x * x, axis=-1, keepdims=True))
    return x / jnp.maximum(n, eps)


def _distribution(dists, wsz):
    # dists: [b, h, l, nc]; topk along l (dim -2), transpose, flatten -> [b, h, nc*wsz]
    dt = jnp.swapaxes(dists, -1, -2)  # [b, h, nc, l]
    _, idx = jax.lax.top_k(dt, wsz)   # [b, h, nc, wsz]
    return idx.reshape(idx.shape[0], idx.shape[1], -1)


def _batched_index_select(values, indices):
    # values: [b, h, t, d]; indices: [b, h, L] -> [b, h, L, d]
    return jnp.take_along_axis(values, indices[..., None], axis=2)


def _forward(q, k, v, means, mem_key, mem_value):
    b, h, t, d = q.shape
    # Kmeans forward (initted=True path, world_size=1, update_means=False)
    x = jnp.concatenate([q, k], axis=2)              # [b, h, 2t, d]
    xn = _l2norm(x)
    dists = jnp.einsum('bhld,hcd->bhlc', xn, means)  # no_grad in torch; only feeds integer indices
    buckets = jnp.argmax(dists, axis=-1)             # [b, h, 2t]
    means_exp = jnp.broadcast_to(means[None], (b,) + means.shape)  # [b, h, nc, d]
    routed = jnp.take_along_axis(means_exp, buckets[..., None], axis=2)
    aux_loss = jnp.mean((xn - routed) ** 2)          # / world_size(=1)
    q_dists, k_dists = dists[:, :, :t], dists[:, :, t:]
    indices = _distribution(q_dists, WSZ)            # [b, h, nc*wsz]
    kv_indices = _distribution(k_dists, WSZ)
    qg = _batched_index_select(q, indices).reshape(b, h, NC, -1, d)
    kg = _batched_index_select(k, kv_indices).reshape(b, h, NC, -1, d)
    vg = _batched_index_select(v, kv_indices).reshape(b, h, NC, -1, d)
    mk = jnp.broadcast_to(mem_key[None], (b,) + mem_key.shape)
    mv = jnp.broadcast_to(mem_value[None], (b,) + mem_value.shape)
    kg = jnp.concatenate([mk, kg], axis=3)
    vg = jnp.concatenate([mv, vg], axis=3)
    dots = jnp.einsum('bhnid,bhnjd->bhnij', qg, kg) * (d ** -0.5)
    attn = jax.nn.softmax(dots, axis=-1)
    bo = jnp.einsum('bhnij,bhnjd->bhnid', attn, vg)
    so = bo.reshape(b, h, -1, d)                     # [b, h, nc*wsz, d]
    # scatter_mean into zeros [b, h, t, d] along dim -2, eps=1e-5
    bi = jnp.arange(b)[:, None, None]
    hi = jnp.arange(h)[None, :, None]
    numer = jnp.zeros((b, h, t, d), q.dtype).at[bi, hi, indices].add(so)
    denom = jnp.zeros((b, h, t, d), q.dtype).at[bi, hi, indices].add(jnp.ones_like(so))
    out = numer / (denom + 1e-05)
    return out, aux_loss


def reference(q, k, v, means, mem_key, mem_value):
    return _forward(q, k, v, means, mem_key, mem_value)

if __name__ == "__main__":
    import jax
    _d = setup_inputs()
    print(jax.jit(kernel)(*tuple(_d.values())))

</pallas_src>

<mosaic_0001>
#map = affine_map<(d0, d1) -> (0, 0, 0, 0)>
#map1 = affine_map<(d0, d1) -> (0, 0, 0)>
#map2 = affine_map<(d0, d1) -> (0, 0)>
module attributes {stable_mosaic.version = 14 : i64} {
  func.func @body(%arg0: i32, %arg1: i32, %arg2: memref<32x32x128x128xf32, #tpu.memory_space<hbm>>, %arg3: memref<32x32x128xi32, #tpu.memory_space<hbm>>, %arg4: memref<256x128xf32, #tpu.memory_space<hbm>>, %arg5: memref<1024x128x128xf32, #tpu.memory_space<hbm>>, %arg6: memref<2x128x128xf32, #tpu.memory_space<vmem>>, %arg7: memref<2x128xi32, #tpu.memory_space<vmem>>, %arg8: memref<256x128xf32, #tpu.memory_space<vmem>>, %arg9: memref<4096x128xf32, #tpu.memory_space<vmem_shared>>) attributes {dimension_semantics = [#tpu.dimension_semantics<core_parallel>, #tpu.dimension_semantics<subcore_parallel>], iteration_bounds = array<i64: 2, 16>, scalar_prefetch = 0 : i64, scratch_operands = 4 : i64, tpu.core_type = #tpu.core_type<sc_vector_subcore>, window_params = [{transform_indices = #map}, {transform_indices = #map1}, {transform_indices = #map2}, {transform_indices = #map1}]} {
    "tpu.region"() ({
      %run_scoped3A = tpu.sem_alloc : memref<!tpu.dma_semaphore, #tpu.memory_space<semaphore_mem>>
      tpu.enqueue_dma source(%arg4 : memref<256x128xf32, #tpu.memory_space<hbm>>) target(%arg8 : memref<256x128xf32, #tpu.memory_space<vmem>>) target_semaphore(%run_scoped3A : memref<!tpu.dma_semaphore, #tpu.memory_space<semaphore_mem>>)
      tpu.wait_dma2 semaphore(%run_scoped3A : memref<!tpu.dma_semaphore, #tpu.memory_space<semaphore_mem>>) src(%arg4 : memref<256x128xf32, #tpu.memory_space<hbm>>) dst(%arg8 : memref<256x128xf32, #tpu.memory_space<vmem>>)
      tpu.yield
    }) : () -> ()
    %scan3A = arith.constant 0 : i32
    %scan3A_0 = arith.constant 0 : i32
    %scan3A_1 = arith.constant 16 : i32
    %scan3A_2 = arith.addi %scan3A_0, %scan3A_1 : i32
    %scan3A_3 = arith.constant 1 : i32
    scf.for %scan3A_5 = %scan3A_0 to %scan3A_2 step %scan3A_3  : i32 {
      %mul3A = arith.constant 16 : i32
      %mul3A_6 = arith.muli %arg0, %mul3A : i32
      %add3A = arith.addi %mul3A_6, %scan3A_5 : i32
      %mul3A_7 = arith.constant 256 : i32
      %mul3A_8 = arith.muli %arg1, %mul3A_7 : i32
      "tpu.region"() ({
        %run_scoped3A_43 = tpu.sem_alloc : memref<!tpu.dma_semaphore, #tpu.memory_space<semaphore_mem>>
        %dma_start3A = arith.constant 0 : i32
        %dma_start3A_44 = tpu.memref_slice %arg9[%mul3A_8, %dma_start3A] : memref<4096x128xf32, #tpu.memory_space<vmem_shared>> -> memref<256x128xf32, #tpu.memory_space<vmem_shared>>
        %dma_start3A_45 = arith.constant 0 : i32
        %dma_start3A_46 = tpu.memref_slice %arg9[%mul3A_8, %dma_start3A_45] : memref<4096x128xf32, #tpu.memory_space<vmem_shared>> -> memref<256x128xf32, #tpu.memory_space<vmem_shared>>
        tpu.enqueue_dma source(%arg8 : memref<256x128xf32, #tpu.memory_space<vmem>>) target(%dma_start3A_46 : memref<256x128xf32, #tpu.memory_space<vmem_shared>>) target_semaphore(%run_scoped3A_43 : memref<!tpu.dma_semaphore, #tpu.memory_space<semaphore_mem>>)
        %dma_wait3A = arith.constant 0 : i32
        %dma_wait3A_47 = tpu.memref_slice %arg9[%mul3A_8, %dma_wait3A] : memref<4096x128xf32, #tpu.memory_space<vmem_shared>> -> memref<256x128xf32, #tpu.memory_space<vmem_shared>>
        %dma_wait3A_48 = arith.constant 0 : i32
        %dma_wait3A_49 = tpu.memref_slice %arg9[%mul3A_8, %dma_wait3A_48] : memref<4096x128xf32, #tpu.memory_space<vmem_shared>> -> memref<256x128xf32, #tpu.memory_space<vmem_shared>>
        tpu.wait_dma2 semaphore(%run_scoped3A_43 : memref<!tpu.dma_semaphore, #tpu.memory_space<semaphore_mem>>) src(%arg8 : memref<256x128xf32, #tpu.memory_space<vmem>>) dst(%dma_wait3A_49 : memref<256x128xf32, #tpu.memory_space<vmem_shared>>)
        tpu.yield
      }) : () -> ()
      %barrier3A = arith.constant 0 : index
      tpu.barrier barrier_id(%barrier3A)
      %mul3A_9 = arith.constant 2 : i32
      %mul3A_10 = arith.muli %arg1, %mul3A_9 : i32
      "tpu.region"() ({
        %run_scoped3A_43 = tpu.sem_alloc : memref<!tpu.dma_semaphore, #tpu.memory_space<semaphore_mem>>
        %dma_start3A = arith.constant 0 : i32
        %dma_start3A_44 = arith.constant 0 : i32
        %dma_start3A_45 = tpu.memref_slice %arg2[%add3A, %mul3A_10, %dma_start3A, %dma_start3A_44] : memref<32x32x128x128xf32, #tpu.memory_space<hbm>> -> memref<1x2x128x128xf32, #tpu.memory_space<hbm>>
        %dma_start3A_46 = tpu.memref_squeeze %dma_start3A_45 : memref<1x2x128x128xf32, #tpu.memory_space<hbm>> -> memref<2x128x128xf32, #tpu.memory_space<hbm>>
        %dma_start3A_47 = arith.constant 0 : i32
        %dma_start3A_48 = arith.constant 0 : i32
        %dma_start3A_49 = tpu.memref_slice %arg2[%add3A, %mul3A_10, %dma_start3A_47, %dma_start3A_48] : memref<32x32x128x128xf32, #tpu.memory_space<hbm>> -> memref<1x2x128x128xf32, #tpu.memory_space<hbm>>
        %dma_start3A_50 = tpu.memref_squeeze %dma_start3A_49 : memref<1x2x128x128xf32, #tpu.memory_space<hbm>> -> memref<2x128x128xf32, #tpu.memory_space<hbm>>
        tpu.enqueue_dma source(%dma_start3A_50 : memref<2x128x128xf32, #tpu.memory_space<hbm>>) target(%arg6 : memref<2x128x128xf32, #tpu.memory_space<vmem>>) target_semaphore(%run_scoped3A_43 : memref<!tpu.dma_semaphore, #tpu.memory_space<semaphore_mem>>)
        %dma_wait3A = arith.constant 0 : i32
        %dma_wait3A_51 = arith.constant 0 : i32
        %dma_wait3A_52 = tpu.memref_slice %arg2[%add3A, %mul3A_10, %dma_wait3A, %dma_wait3A_51] : memref<32x32x128x128xf32, #tpu.memory_space<hbm>> -> memref<1x2x128x128xf32, #tpu.memory_space<hbm>>
        %dma_wait3A_53 = tpu.memref_squeeze %dma_wait3A_52 : memref<1x2x128x128xf32, #tpu.memory_space<hbm>> -> memref<2x128x128xf32, #tpu.memory_space<hbm>>
        %dma_wait3A_54 = arith.constant 0 : i32
        %dma_wait3A_55 = arith.constant 0 : i32
        %dma_wait3A_56 = tpu.memref_slice %arg2[%add3A, %mul3A_10, %dma_wait3A_54, %dma_wait3A_55] : memref<32x32x128x128xf32, #tpu.memory_space<hbm>> -> memref<1x2x128x128xf32, #tpu.memory_space<hbm>>
        %dma_wait3A_57 = tpu.memref_squeeze %dma_wait3A_56 : memref<1x2x128x128xf32, #tpu.memory_space<hbm>> -> memref<2x128x128xf32, #tpu.memory_space<hbm>>
        tpu.wait_dma2 semaphore(%run_scoped3A_43 : memref<!tpu.dma_semaphore, #tpu.memory_space<semaphore_mem>>) src(%dma_wait3A_57 : memref<2x128x128xf32, #tpu.memory_space<hbm>>) dst(%arg6 : memref<2x128x128xf32, #tpu.memory_space<vmem>>)
        tpu.yield
      }) : () -> ()
      %mul3A_11 = arith.constant 2 : i32
      %mul3A_12 = arith.muli %arg1, %mul3A_11 : i32
      "tpu.region"() ({
        %run_scoped3A_43 = tpu.sem_alloc : memref<!tpu.dma_semaphore, #tpu.memory_space<semaphore_mem>>
        %dma_start3A = arith.constant 0 : i32
        %dma_start3A_44 = tpu.memref_slice %arg3[%add3A, %mul3A_12, %dma_start3A] : memref<32x32x128xi32, #tpu.memory_space<hbm>> -> memref<1x2x128xi32, #tpu.memory_space<hbm>>
        %dma_start3A_45 = tpu.memref_squeeze %dma_start3A_44 : memref<1x2x128xi32, #tpu.memory_space<hbm>> -> memref<2x128xi32, #tpu.memory_space<hbm>>
        %dma_start3A_46 = arith.constant 0 : i32
        %dma_start3A_47 = tpu.memref_slice %arg3[%add3A, %mul3A_12, %dma_start3A_46] : memref<32x32x128xi32, #tpu.memory_space<hbm>> -> memref<1x2x128xi32, #tpu.memory_space<hbm>>
        %dma_start3A_48 = tpu.memref_squeeze %dma_start3A_47 : memref<1x2x128xi32, #tpu.memory_space<hbm>> -> memref<2x128xi32, #tpu.memory_space<hbm>>
        tpu.enqueue_dma source(%dma_start3A_48 : memref<2x128xi32, #tpu.memory_space<hbm>>) target(%arg7 : memref<2x128xi32, #tpu.memory_space<vmem>>) target_semaphore(%run_scoped3A_43 : memref<!tpu.dma_semaphore, #tpu.memory_space<semaphore_mem>>)
        %dma_wait3A = arith.constant 0 : i32
        %dma_wait3A_49 = tpu.memref_slice %arg3[%add3A, %mul3A_12, %dma_wait3A] : memref<32x32x128xi32, #tpu.memory_space<hbm>> -> memref<1x2x128xi32, #tpu.memory_space<hbm>>
        %dma_wait3A_50 = tpu.memref_squeeze %dma_wait3A_49 : memref<1x2x128xi32, #tpu.memory_space<hbm>> -> memref<2x128xi32, #tpu.memory_space<hbm>>
        %dma_wait3A_51 = arith.constant 0 : i32
        %dma_wait3A_52 = tpu.memref_slice %arg3[%add3A, %mul3A_12, %dma_wait3A_51] : memref<32x32x128xi32, #tpu.memory_space<hbm>> -> memref<1x2x128xi32, #tpu.memory_space<hbm>>
        %dma_wait3A_53 = tpu.memref_squeeze %dma_wait3A_52 : memref<1x2x128xi32, #tpu.memory_space<hbm>> -> memref<2x128xi32, #tpu.memory_space<hbm>>
        tpu.wait_dma2 semaphore(%run_scoped3A_43 : memref<!tpu.dma_semaphore, #tpu.memory_space<semaphore_mem>>) src(%dma_wait3A_53 : memref<2x128xi32, #tpu.memory_space<hbm>>) dst(%arg7 : memref<2x128xi32, #tpu.memory_space<vmem>>)
        tpu.yield
      }) : () -> ()
      %run_scoped3A = arith.constant 0 : i32
      %run_scoped3A_13 = arith.constant 0 : i32
      "tpu.region"() ({
        %run_scoped3A_43 = tpu.sem_alloc : memref<!tpu.dma_semaphore, #tpu.memory_space<semaphore_mem>>
        %dma_start3A = arith.constant 0 : i32
        %dma_start3A_44 = arith.constant 0 : i32
        %dma_start3A_45 = tpu.memref_slice %arg6[%run_scoped3A, %dma_start3A, %dma_start3A_44] : memref<2x128x128xf32, #tpu.memory_space<vmem>> -> memref<1x128x128xf32, #tpu.memory_space<vmem>>
        %dma_start3A_46 = tpu.memref_squeeze %dma_start3A_45 : memref<1x128x128xf32, #tpu.memory_space<vmem>> -> memref<128x128xf32, #tpu.memory_space<vmem>>
        %dma_start3A_47 = arith.constant 0 : i32
        %dma_start3A_48 = tpu.memref_slice %arg7[%run_scoped3A_13, %dma_start3A_47] : memref<2x128xi32, #tpu.memory_space<vmem>> -> memref<1x128xi32, #tpu.memory_space<vmem>>
        %dma_start3A_49 = tpu.memref_squeeze %dma_start3A_48 : memref<1x128xi32, #tpu.memory_space<vmem>> -> memref<128xi32, #tpu.memory_space<vmem>>
        %dma_start3A_50 = arith.constant 0 : i32
        %dma_start3A_51 = arith.constant 0 : i32
        %dma_start3A_52 = tpu.memref_slice %arg9[%dma_start3A_50, %dma_start3A_51] : memref<4096x128xf32, #tpu.memory_space<vmem_shared>> -> memref<4096x128xf32, #tpu.memory_space<vmem_shared>>
        tpu.enqueue_indirect_dma source(%dma_start3A_46 : memref<128x128xf32, #tpu.memory_space<vmem>>) target(%dma_start3A_52 : memref<4096x128xf32, #tpu.memory_space<vmem_shared>>) offsets(%dma_start3A_49 : memref<128xi32, #tpu.memory_space<vmem>>) semaphore(%run_scoped3A_43 : memref<!tpu.dma_semaphore, #tpu.memory_space<semaphore_mem>>) {add = true}
        %dma_wait3A = arith.constant 0 : i32
        %dma_wait3A_53 = arith.constant 0 : i32
        %dma_wait3A_54 = tpu.memref_slice %arg6[%run_scoped3A, %dma_wait3A, %dma_wait3A_53] : memref<2x128x128xf32, #tpu.memory_space<vmem>> -> memref<1x128x128xf32, #tpu.memory_space<vmem>>
        %dma_wait3A_55 = tpu.memref_squeeze %dma_wait3A_54 : memref<1x128x128xf32, #tpu.memory_space<vmem>> -> memref<128x128xf32, #tpu.memory_space<vmem>>
        %dma_wait3A_56 = arith.constant 0 : i32
        %dma_wait3A_57 = tpu.memref_slice %arg7[%run_scoped3A_13, %dma_wait3A_56] : memref<2x128xi32, #tpu.memory_space<vmem>> -> memref<1x128xi32, #tpu.memory_space<vmem>>
        %dma_wait3A_58 = tpu.memref_squeeze %dma_wait3A_57 : memref<1x128xi32, #tpu.memory_space<vmem>> -> memref<128xi32, #tpu.memory_space<vmem>>
        %dma_wait3A_59 = arith.constant 0 : i32
        %dma_wait3A_60 = arith.constant 0 : i32
        %dma_wait3A_61 = tpu.memref_slice %arg9[%dma_wait3A_59, %dma_wait3A_60] : memref<4096x128xf32, #tpu.memory_space<vmem_shared>> -> memref<4096x128xf32, #tpu.memory_space<vmem_shared>>
        tpu.wait_indirect_dma semaphore(%run_scoped3A_43 : memref<!tpu.dma_semaphore, #tpu.memory_space<semaphore_mem>>) src(%dma_wait3A_55 : memref<128x128xf32, #tpu.memory_space<vmem>>) dst(%dma_wait3A_61 : memref<4096x128xf32, #tpu.memory_space<vmem_shared>>)
        tpu.yield
      }) : () -> ()
      %run_scoped3A_14 = arith.constant 1 : i32
      %run_scoped3A_15 = arith.constant 1 : i32
      "tpu.region"() ({
        %run_scoped3A_43 = tpu.sem_alloc : memref<!tpu.dma_semaphore, #tpu.memory_space<semaphore_mem>>
        %dma_start3A = arith.constant 0 : i32
        %dma_start3A_44 = arith.constant 0 : i32
        %dma_start3A_45 = tpu.memref_slice %arg6[%run_scoped3A_14, %dma_start3A, %dma_start3A_44] : memref<2x128x128xf32, #tpu.memory_space<vmem>> -> memref<1x128x128xf32, #tpu.memory_space<vmem>>
        %dma_start3A_46 = tpu.memref_squeeze %dma_start3A_45 : memref<1x128x128xf32, #tpu.memory_space<vmem>> -> memref<128x128xf32, #tpu.memory_space<vmem>>
        %dma_start3A_47 = arith.constant 0 : i32
        %dma_start3A_48 = tpu.memref_slice %arg7[%run_scoped3A_15, %dma_start3A_47] : memref<2x128xi32, #tpu.memory_space<vmem>> -> memref<1x128xi32, #tpu.memory_space<vmem>>
        %dma_start3A_49 = tpu.memref_squeeze %dma_start3A_48 : memref<1x128xi32, #tpu.memory_space<vmem>> -> memref<128xi32, #tpu.memory_space<vmem>>
        %dma_start3A_50 = arith.constant 0 : i32
        %dma_start3A_51 = arith.constant 0 : i32
        %dma_start3A_52 = tpu.memref_slice %arg9[%dma_start3A_50, %dma_start3A_51] : memref<4096x128xf32, #tpu.memory_space<vmem_shared>> -> memref<4096x128xf32, #tpu.memory_space<vmem_shared>>
        tpu.enqueue_indirect_dma source(%dma_start3A_46 : memref<128x128xf32, #tpu.memory_space<vmem>>) target(%dma_start3A_52 : memref<4096x128xf32, #tpu.memory_space<vmem_shared>>) offsets(%dma_start3A_49 : memref<128xi32, #tpu.memory_space<vmem>>) semaphore(%run_scoped3A_43 : memref<!tpu.dma_semaphore, #tpu.memory_space<semaphore_mem>>) {add = true}
        %dma_wait3A = arith.constant 0 : i32
        %dma_wait3A_53 = arith.constant 0 : i32
        %dma_wait3A_54 = tpu.memref_slice %arg6[%run_scoped3A_14, %dma_wait3A, %dma_wait3A_53] : memref<2x128x128xf32, #tpu.memory_space<vmem>> -> memref<1x128x128xf32, #tpu.memory_space<vmem>>
        %dma_wait3A_55 = tpu.memref_squeeze %dma_wait3A_54 : memref<1x128x128xf32, #tpu.memory_space<vmem>> -> memref<128x128xf32, #tpu.memory_space<vmem>>
        %dma_wait3A_56 = arith.constant 0 : i32
        %dma_wait3A_57 = tpu.memref_slice %arg7[%run_scoped3A_15, %dma_wait3A_56] : memref<2x128xi32, #tpu.memory_space<vmem>> -> memref<1x128xi32, #tpu.memory_space<vmem>>
        %dma_wait3A_58 = tpu.memref_squeeze %dma_wait3A_57 : memref<1x128xi32, #tpu.memory_space<vmem>> -> memref<128xi32, #tpu.memory_space<vmem>>
        %dma_wait3A_59 = arith.constant 0 : i32
        %dma_wait3A_60 = arith.constant 0 : i32
        %dma_wait3A_61 = tpu.memref_slice %arg9[%dma_wait3A_59, %dma_wait3A_60] : memref<4096x128xf32, #tpu.memory_space<vmem_shared>> -> memref<4096x128xf32, #tpu.memory_space<vmem_shared>>
        tpu.wait_indirect_dma semaphore(%run_scoped3A_43 : memref<!tpu.dma_semaphore, #tpu.memory_space<semaphore_mem>>) src(%dma_wait3A_55 : memref<128x128xf32, #tpu.memory_space<vmem>>) dst(%dma_wait3A_61 : memref<4096x128xf32, #tpu.memory_space<vmem_shared>>)
        tpu.yield
      }) : () -> ()
      %barrier3A_16 = arith.constant 0 : index
      tpu.barrier barrier_id(%barrier3A_16)
      %mul3A_17 = arith.constant 256 : i32
      %mul3A_18 = arith.muli %arg1, %mul3A_17 : i32
      %add3A_19 = arith.constant 0 : i32
      %add3A_20 = arith.addi %mul3A_18, %add3A_19 : i32
      %run_scoped3A_21 = arith.constant 0 : i32
      "tpu.region"() ({
        %run_scoped3A_43 = tpu.sem_alloc : memref<!tpu.dma_semaphore, #tpu.memory_space<semaphore_mem>>
        %dma_start3A = arith.constant 0 : i32
        %dma_start3A_44 = arith.constant 0 : i32
        %dma_start3A_45 = tpu.memref_slice %arg6[%run_scoped3A_21, %dma_start3A, %dma_start3A_44] : memref<2x128x128xf32, #tpu.memory_space<vmem>> -> memref<1x128x128xf32, #tpu.memory_space<vmem>>
        %dma_start3A_46 = tpu.memref_squeeze %dma_start3A_45 : memref<1x128x128xf32, #tpu.memory_space<vmem>> -> memref<128x128xf32, #tpu.memory_space<vmem>>
        %dma_start3A_47 = arith.constant 0 : i32
        %dma_start3A_48 = tpu.memref_slice %arg9[%add3A_20, %dma_start3A_47] : memref<4096x128xf32, #tpu.memory_space<vmem_shared>> -> memref<128x128xf32, #tpu.memory_space<vmem_shared>>
        %dma_start3A_49 = arith.constant 0 : i32
        %dma_start3A_50 = arith.constant 0 : i32
        %dma_start3A_51 = tpu.memref_slice %arg6[%run_scoped3A_21, %dma_start3A_49, %dma_start3A_50] : memref<2x128x128xf32, #tpu.memory_space<vmem>> -> memref<1x128x128xf32, #tpu.memory_space<vmem>>
        %dma_start3A_52 = tpu.memref_squeeze %dma_start3A_51 : memref<1x128x128xf32, #tpu.memory_space<vmem>> -> memref<128x128xf32, #tpu.memory_space<vmem>>
        %dma_start3A_53 = arith.constant 0 : i32
        %dma_start3A_54 = tpu.memref_slice %arg9[%add3A_20, %dma_start3A_53] : memref<4096x128xf32, #tpu.memory_space<vmem_shared>> -> memref<128x128xf32, #tpu.memory_space<vmem_shared>>
        tpu.enqueue_dma source(%dma_start3A_54 : memref<128x128xf32, #tpu.memory_space<vmem_shared>>) target(%dma_start3A_52 : memref<128x128xf32, #tpu.memory_space<vmem>>) target_semaphore(%run_scoped3A_43 : memref<!tpu.dma_semaphore, #tpu.memory_space<semaphore_mem>>)
        %dma_wait3A = arith.constant 0 : i32
        %dma_wait3A_55 = arith.constant 0 : i32
        %dma_wait3A_56 = tpu.memref_slice %arg6[%run_scoped3A_21, %dma_wait3A, %dma_wait3A_55] : memref<2x128x128xf32, #tpu.memory_space<vmem>> -> memref<1x128x128xf32, #tpu.memory_space<vmem>>
        %dma_wait3A_57 = tpu.memref_squeeze %dma_wait3A_56 : memref<1x128x128xf32, #tpu.memory_space<vmem>> -> memref<128x128xf32, #tpu.memory_space<vmem>>
        %dma_wait3A_58 = arith.constant 0 : i32
        %dma_wait3A_59 = tpu.memref_slice %arg9[%add3A_20, %dma_wait3A_58] : memref<4096x128xf32, #tpu.memory_space<vmem_shared>> -> memref<128x128xf32, #tpu.memory_space<vmem_shared>>
        %dma_wait3A_60 = arith.constant 0 : i32
        %dma_wait3A_61 = arith.constant 0 : i32
        %dma_wait3A_62 = tpu.memref_slice %arg6[%run_scoped3A_21, %dma_wait3A_60, %dma_wait3A_61] : memref<2x128x128xf32, #tpu.memory_space<vmem>> -> memref<1x128x128xf32, #tpu.memory_space<vmem>>
        %dma_wait3A_63 = tpu.memref_squeeze %dma_wait3A_62 : memref<1x128x128xf32, #tpu.memory_space<vmem>> -> memref<128x128xf32, #tpu.memory_space<vmem>>
        %dma_wait3A_64 = arith.constant 0 : i32
        %dma_wait3A_65 = tpu.memref_slice %arg9[%add3A_20, %dma_wait3A_64] : memref<4096x128xf32, #tpu.memory_space<vmem_shared>> -> memref<128x128xf32, #tpu.memory_space<vmem_shared>>
        tpu.wait_dma2 semaphore(%run_scoped3A_43 : memref<!tpu.dma_semaphore, #tpu.memory_space<semaphore_mem>>) src(%dma_wait3A_65 : memref<128x128xf32, #tpu.memory_space<vmem_shared>>) dst(%dma_wait3A_63 : memref<128x128xf32, #tpu.memory_space<vmem>>)
        tpu.yield
      }) : () -> ()
      %mul3A_22 = arith.constant 16 : i32
      %mul3A_23 = arith.muli %add3A, %mul3A_22 : i32
      %add3A_24 = arith.addi %mul3A_23, %arg1 : i32
      %mul3A_25 = arith.constant 2 : i32
      %mul3A_26 = arith.muli %add3A_24, %mul3A_25 : i32
      %add3A_27 = arith.constant 0 : i32
      %add3A_28 = arith.addi %mul3A_26, %add3A_27 : i32
      %run_scoped3A_29 = arith.constant 0 : i32
      "tpu.region"() ({
        %run_scoped3A_43 = tpu.sem_alloc : memref<!tpu.dma_semaphore, #tpu.memory_space<semaphore_mem>>
        %dma_start3A = arith.constant 0 : i32
        %dma_start3A_44 = arith.constant 0 : i32
        %dma_start3A_45 = tpu.memref_slice %arg6[%run_scoped3A_29, %dma_start3A, %dma_start3A_44] : memref<2x128x128xf32, #tpu.memory_space<vmem>> -> memref<1x128x128xf32, #tpu.memory_space<vmem>>
        %dma_start3A_46 = tpu.memref_squeeze %dma_start3A_45 : memref<1x128x128xf32, #tpu.memory_space<vmem>> -> memref<128x128xf32, #tpu.memory_space<vmem>>
        %dma_start3A_47 = arith.constant 0 : i32
        %dma_start3A_48 = arith.constant 0 : i32
        %dma_start3A_49 = tpu.memref_slice %arg5[%add3A_28, %dma_start3A_47, %dma_start3A_48] : memref<1024x128x128xf32, #tpu.memory_space<hbm>> -> memref<1x128x128xf32, #tpu.memory_space<hbm>>
        %dma_start3A_50 = tpu.memref_squeeze %dma_start3A_49 : memref<1x128x128xf32, #tpu.memory_space<hbm>> -> memref<128x128xf32, #tpu.memory_space<hbm>>
        %dma_start3A_51 = arith.constant 0 : i32
        %dma_start3A_52 = arith.constant 0 : i32
        %dma_start3A_53 = tpu.memref_slice %arg5[%add3A_28, %dma_start3A_51, %dma_start3A_52] : memref<1024x128x128xf32, #tpu.memory_space<hbm>> -> memref<1x128x128xf32, #tpu.memory_space<hbm>>
        %dma_start3A_54 = tpu.memref_squeeze %dma_start3A_53 : memref<1x128x128xf32, #tpu.memory_space<hbm>> -> memref<128x128xf32, #tpu.memory_space<hbm>>
        %dma_start3A_55 = arith.constant 0 : i32
        %dma_start3A_56 = arith.constant 0 : i32
        %dma_start3A_57 = tpu.memref_slice %arg6[%run_scoped3A_29, %dma_start3A_55, %dma_start3A_56] : memref<2x128x128xf32, #tpu.memory_space<vmem>> -> memref<1x128x128xf32, #tpu.memory_space<vmem>>
        %dma_start3A_58 = tpu.memref_squeeze %dma_start3A_57 : memref<1x128x128xf32, #tpu.memory_space<vmem>> -> memref<128x128xf32, #tpu.memory_space<vmem>>
        tpu.enqueue_dma source(%dma_start3A_58 : memref<128x128xf32, #tpu.memory_space<vmem>>) target(%dma_start3A_54 : memref<128x128xf32, #tpu.memory_space<hbm>>) target_semaphore(%run_scoped3A_43 : memref<!tpu.dma_semaphore, #tpu.memory_space<semaphore_mem>>)
        %dma_wait3A = arith.constant 0 : i32
        %dma_wait3A_59 = arith.constant 0 : i32
        %dma_wait3A_60 = tpu.memref_slice %arg6[%run_scoped3A_29, %dma_wait3A, %dma_wait3A_59] : memref<2x128x128xf32, #tpu.memory_space<vmem>> -> memref<1x128x128xf32, #tpu.memory_space<vmem>>
        %dma_wait3A_61 = tpu.memref_squeeze %dma_wait3A_60 : memref<1x128x128xf32, #tpu.memory_space<vmem>> -> memref<128x128xf32, #tpu.memory_space<vmem>>
        %dma_wait3A_62 = arith.constant 0 : i32
        %dma_wait3A_63 = arith.constant 0 : i32
        %dma_wait3A_64 = tpu.memref_slice %arg5[%add3A_28, %dma_wait3A_62, %dma_wait3A_63] : memref<1024x128x128xf32, #tpu.memory_space<hbm>> -> memref<1x128x128xf32, #tpu.memory_space<hbm>>
        %dma_wait3A_65 = tpu.memref_squeeze %dma_wait3A_64 : memref<1x128x128xf32, #tpu.memory_space<hbm>> -> memref<128x128xf32, #tpu.memory_space<hbm>>
        %dma_wait3A_66 = arith.constant 0 : i32
        %dma_wait3A_67 = arith.constant 0 : i32
        %dma_wait3A_68 = tpu.memref_slice %arg5[%add3A_28, %dma_wait3A_66, %dma_wait3A_67] : memref<1024x128x128xf32, #tpu.memory_space<hbm>> -> memref<1x128x128xf32, #tpu.memory_space<hbm>>
        %dma_wait3A_69 = tpu.memref_squeeze %dma_wait3A_68 : memref<1x128x128xf32, #tpu.memory_space<hbm>> -> memref<128x128xf32, #tpu.memory_space<hbm>>
        %dma_wait3A_70 = arith.constant 0 : i32
        %dma_wait3A_71 = arith.constant 0 : i32
        %dma_wait3A_72 = tpu.memref_slice %arg6[%run_scoped3A_29, %dma_wait3A_70, %dma_wait3A_71] : memref<2x128x128xf32, #tpu.memory_space<vmem>> -> memref<1x128x128xf32, #tpu.memory_space<vmem>>
        %dma_wait3A_73 = tpu.memref_squeeze %dma_wait3A_72 : memref<1x128x128xf32, #tpu.memory_space<vmem>> -> memref<128x128xf32, #tpu.memory_space<vmem>>
        tpu.wait_dma2 semaphore(%run_scoped3A_43 : memref<!tpu.dma_semaphore, #tpu.memory_space<semaphore_mem>>) src(%dma_wait3A_73 : memref<128x128xf32, #tpu.memory_space<vmem>>) dst(%dma_wait3A_69 : memref<128x128xf32, #tpu.memory_space<hbm>>)
        tpu.yield
      }) : () -> ()
      %mul3A_30 = arith.constant 256 : i32
      %mul3A_31 = arith.muli %arg1, %mul3A_30 : i32
      %add3A_32 = arith.constant 128 : i32
      %add3A_33 = arith.addi %mul3A_31, %add3A_32 : i32
      %run_scoped3A_34 = arith.constant 1 : i32
      "tpu.region"() ({
        %run_scoped3A_43 = tpu.sem_alloc : memref<!tpu.dma_semaphore, #tpu.memory_space<semaphore_mem>>
        %dma_start3A = arith.constant 0 : i32
        %dma_start3A_44 = arith.constant 0 : i32
        %dma_start3A_45 = tpu.memref_slice %arg6[%run_scoped3A_34, %dma_start3A, %dma_start3A_44] : memref<2x128x128xf32, #tpu.memory_space<vmem>> -> memref<1x128x128xf32, #tpu.memory_space<vmem>>
        %dma_start3A_46 = tpu.memref_squeeze %dma_start3A_45 : memref<1x128x128xf32, #tpu.memory_space<vmem>> -> memref<128x128xf32, #tpu.memory_space<vmem>>
        %dma_start3A_47 = arith.constant 0 : i32
        %dma_start3A_48 = tpu.memref_slice %arg9[%add3A_33, %dma_start3A_47] : memref<4096x128xf32, #tpu.memory_space<vmem_shared>> -> memref<128x128xf32, #tpu.memory_space<vmem_shared>>
        %dma_start3A_49 = arith.constant 0 : i32
        %dma_start3A_50 = arith.constant 0 : i32
        %dma_start3A_51 = tpu.memref_slice %arg6[%run_scoped3A_34, %dma_start3A_49, %dma_start3A_50] : memref<2x128x128xf32, #tpu.memory_space<vmem>> -> memref<1x128x128xf32, #tpu.memory_space<vmem>>
        %dma_start3A_52 = tpu.memref_squeeze %dma_start3A_51 : memref<1x128x128xf32, #tpu.memory_space<vmem>> -> memref<128x128xf32, #tpu.memory_space<vmem>>
        %dma_start3A_53 = arith.constant 0 : i32
        %dma_start3A_54 = tpu.memref_slice %arg9[%add3A_33, %dma_start3A_53] : memref<4096x128xf32, #tpu.memory_space<vmem_shared>> -> memref<128x128xf32, #tpu.memory_space<vmem_shared>>
        tpu.enqueue_dma source(%dma_start3A_54 : memref<128x128xf32, #tpu.memory_space<vmem_shared>>) target(%dma_start3A_52 : memref<128x128xf32, #tpu.memory_space<vmem>>) target_semaphore(%run_scoped3A_43 : memref<!tpu.dma_semaphore, #tpu.memory_space<semaphore_mem>>)
        %dma_wait3A = arith.constant 0 : i32
        %dma_wait3A_55 = arith.constant 0 : i32
        %dma_wait3A_56 = tpu.memref_slice %arg6[%run_scoped3A_34, %dma_wait3A, %dma_wait3A_55] : memref<2x128x128xf32, #tpu.memory_space<vmem>> -> memref<1x128x128xf32, #tpu.memory_space<vmem>>
        %dma_wait3A_57 = tpu.memref_squeeze %dma_wait3A_56 : memref<1x128x128xf32, #tpu.memory_space<vmem>> -> memref<128x128xf32, #tpu.memory_space<vmem>>
        %dma_wait3A_58 = arith.constant 0 : i32
        %dma_wait3A_59 = tpu.memref_slice %arg9[%add3A_33, %dma_wait3A_58] : memref<4096x128xf32, #tpu.memory_space<vmem_shared>> -> memref<128x128xf32, #tpu.memory_space<vmem_shared>>
        %dma_wait3A_60 = arith.constant 0 : i32
        %dma_wait3A_61 = arith.constant 0 : i32
        %dma_wait3A_62 = tpu.memref_slice %arg6[%run_scoped3A_34, %dma_wait3A_60, %dma_wait3A_61] : memref<2x128x128xf32, #tpu.memory_space<vmem>> -> memref<1x128x128xf32, #tpu.memory_space<vmem>>
        %dma_wait3A_63 = tpu.memref_squeeze %dma_wait3A_62 : memref<1x128x128xf32, #tpu.memory_space<vmem>> -> memref<128x128xf32, #tpu.memory_space<vmem>>
        %dma_wait3A_64 = arith.constant 0 : i32
        %dma_wait3A_65 = tpu.memref_slice %arg9[%add3A_33, %dma_wait3A_64] : memref<4096x128xf32, #tpu.memory_space<vmem_shared>> -> memref<128x128xf32, #tpu.memory_space<vmem_shared>>
        tpu.wait_dma2 semaphore(%run_scoped3A_43 : memref<!tpu.dma_semaphore, #tpu.memory_space<semaphore_mem>>) src(%dma_wait3A_65 : memref<128x128xf32, #tpu.memory_space<vmem_shared>>) dst(%dma_wait3A_63 : memref<128x128xf32, #tpu.memory_space<vmem>>)
        tpu.yield
      }) : () -> ()
      %mul3A_35 = arith.constant 16 : i32
      %mul3A_36 = arith.muli %add3A, %mul3A_35 : i32
      %add3A_37 = arith.addi %mul3A_36, %arg1 : i32
      %mul3A_38 = arith.constant 2 : i32
      %mul3A_39 = arith.muli %add3A_37, %mul3A_38 : i32
      %add3A_40 = arith.constant 1 : i32
      %add3A_41 = arith.addi %mul3A_39, %add3A_40 : i32
      %run_scoped3A_42 = arith.constant 1 : i32
      "tpu.region"() ({
        %run_scoped3A_43 = tpu.sem_alloc : memref<!tpu.dma_semaphore, #tpu.memory_space<semaphore_mem>>
        %dma_start3A = arith.constant 0 : i32
        %dma_start3A_44 = arith.constant 0 : i32
        %dma_start3A_45 = tpu.memref_slice %arg6[%run_scoped3A_42, %dma_start3A, %dma_start3A_44] : memref<2x128x128xf32, #tpu.memory_space<vmem>> -> memref<1x128x128xf32, #tpu.memory_space<vmem>>
        %dma_start3A_46 = tpu.memref_squeeze %dma_start3A_45 : memref<1x128x128xf32, #tpu.memory_space<vmem>> -> memref<128x128xf32, #tpu.memory_space<vmem>>
        %dma_start3A_47 = arith.constant 0 : i32
        %dma_start3A_48 = arith.constant 0 : i32
        %dma_start3A_49 = tpu.memref_slice %arg5[%add3A_41, %dma_start3A_47, %dma_start3A_48] : memref<1024x128x128xf32, #tpu.memory_space<hbm>> -> memref<1x128x128xf32, #tpu.memory_space<hbm>>
        %dma_start3A_50 = tpu.memref_squeeze %dma_start3A_49 : memref<1x128x128xf32, #tpu.memory_space<hbm>> -> memref<128x128xf32, #tpu.memory_space<hbm>>
        %dma_start3A_51 = arith.constant 0 : i32
        %dma_start3A_52 = arith.constant 0 : i32
        %dma_start3A_53 = tpu.memref_slice %arg5[%add3A_41, %dma_start3A_51, %dma_start3A_52] : memref<1024x128x128xf32, #tpu.memory_space<hbm>> -> memref<1x128x128xf32, #tpu.memory_space<hbm>>
        %dma_start3A_54 = tpu.memref_squeeze %dma_start3A_53 : memref<1x128x128xf32, #tpu.memory_space<hbm>> -> memref<128x128xf32, #tpu.memory_space<hbm>>
        %dma_start3A_55 = arith.constant 0 : i32
        %dma_start3A_56 = arith.constant 0 : i32
        %dma_start3A_57 = tpu.memref_slice %arg6[%run_scoped3A_42, %dma_start3A_55, %dma_start3A_56] : memref<2x128x128xf32, #tpu.memory_space<vmem>> -> memref<1x128x128xf32, #tpu.memory_space<vmem>>
        %dma_start3A_58 = tpu.memref_squeeze %dma_start3A_57 : memref<1x128x128xf32, #tpu.memory_space<vmem>> -> memref<128x128xf32, #tpu.memory_space<vmem>>
        tpu.enqueue_dma source(%dma_start3A_58 : memref<128x128xf32, #tpu.memory_space<vmem>>) target(%dma_start3A_54 : memref<128x128xf32, #tpu.memory_space<hbm>>) target_semaphore(%run_scoped3A_43 : memref<!tpu.dma_semaphore, #tpu.memory_space<semaphore_mem>>)
        %dma_wait3A = arith.constant 0 : i32
        %dma_wait3A_59 = arith.constant 0 : i32
        %dma_wait3A_60 = tpu.memref_slice %arg6[%run_scoped3A_42, %dma_wait3A, %dma_wait3A_59] : memref<2x128x128xf32, #tpu.memory_space<vmem>> -> memref<1x128x128xf32, #tpu.memory_space<vmem>>
        %dma_wait3A_61 = tpu.memref_squeeze %dma_wait3A_60 : memref<1x128x128xf32, #tpu.memory_space<vmem>> -> memref<128x128xf32, #tpu.memory_space<vmem>>
        %dma_wait3A_62 = arith.constant 0 : i32
        %dma_wait3A_63 = arith.constant 0 : i32
        %dma_wait3A_64 = tpu.memref_slice %arg5[%add3A_41, %dma_wait3A_62, %dma_wait3A_63] : memref<1024x128x128xf32, #tpu.memory_space<hbm>> -> memref<1x128x128xf32, #tpu.memory_space<hbm>>
        %dma_wait3A_65 = tpu.memref_squeeze %dma_wait3A_64 : memref<1x128x128xf32, #tpu.memory_space<hbm>> -> memref<128x128xf32, #tpu.memory_space<hbm>>
        %dma_wait3A_66 = arith.constant 0 : i32
        %dma_wait3A_67 = arith.constant 0 : i32
        %dma_wait3A_68 = tpu.memref_slice %arg5[%add3A_41, %dma_wait3A_66, %dma_wait3A_67] : memref<1024x128x128xf32, #tpu.memory_space<hbm>> -> memref<1x128x128xf32, #tpu.memory_space<hbm>>
        %dma_wait3A_69 = tpu.memref_squeeze %dma_wait3A_68 : memref<1x128x128xf32, #tpu.memory_space<hbm>> -> memref<128x128xf32, #tpu.memory_space<hbm>>
        %dma_wait3A_70 = arith.constant 0 : i32
        %dma_wait3A_71 = arith.constant 0 : i32
        %dma_wait3A_72 = tpu.memref_slice %arg6[%run_scoped3A_42, %dma_wait3A_70, %dma_wait3A_71] : memref<2x128x128xf32, #tpu.memory_space<vmem>> -> memref<1x128x128xf32, #tpu.memory_space<vmem>>
        %dma_wait3A_73 = tpu.memref_squeeze %dma_wait3A_72 : memref<1x128x128xf32, #tpu.memory_space<vmem>> -> memref<128x128xf32, #tpu.memory_space<vmem>>
        tpu.wait_dma2 semaphore(%run_scoped3A_43 : memref<!tpu.dma_semaphore, #tpu.memory_space<semaphore_mem>>) src(%dma_wait3A_73 : memref<128x128xf32, #tpu.memory_space<vmem>>) dst(%dma_wait3A_69 : memref<128x128xf32, #tpu.memory_space<hbm>>)
        tpu.yield
      }) : () -> ()
    }
    %scan3A_4 = arith.constant 16 : i32
    return
  }
}

#map = affine_map<(d0, d1) -> (0, 0)>
#map1 = affine_map<(d0, d1) -> (0, 0, 0)>
module attributes {stable_mosaic.version = 14 : i64} {
  func.func @body(%arg0: i32, %arg1: i32, %arg2: memref<1024x4096xi32, #tpu.memory_space<hbm>>, %arg3: memref<1024x4096xi32, #tpu.memory_space<hbm>>, %arg4: memref<131072x128xf32, #tpu.memory_space<hbm>>, %arg5: memref<131072x128xf32, #tpu.memory_space<hbm>>, %arg6: memref<131072x128xf32, #tpu.memory_space<hbm>>, %arg7: memref<1024x128xi32, #tpu.memory_space<hbm>>, %arg8: memref<1024x128x128xf32, #tpu.memory_space<hbm>>, %arg9: memref<1024x128x128xf32, #tpu.memory_space<hbm>>, %arg10: memref<1024x128x128xf32, #tpu.memory_space<hbm>>, %arg11: memref<8192xi32, #tpu.memory_space<vmem>>, %arg12: memref<8192xi32, #tpu.memory_space<vmem>>, %arg13: memref<128xi32, #tpu.memory_space<vmem>>, %arg14: memref<128xi32, #tpu.memory_space<vmem>>, %arg15: memref<128xi32, #tpu.memory_space<vmem>>, %arg16: memref<128x128xf32, #tpu.memory_space<vmem>>, %arg17: memref<128x128xf32, #tpu.memory_space<vmem>>, %arg18: memref<128x128xf32, #tpu.memory_space<vmem>>, %arg19: memref<!tpu.dma_semaphore, #tpu.memory_space<semaphore_mem>>, %arg20: memref<!tpu.dma_semaphore, #tpu.memory_space<semaphore_mem>>, %arg21: memref<!tpu.dma_semaphore, #tpu.memory_space<semaphore_mem>>, %arg22: memref<!tpu.dma_semaphore, #tpu.memory_space<semaphore_mem>>, %arg23: memref<!tpu.dma_semaphore, #tpu.memory_space<semaphore_mem>>) attributes {dimension_semantics = [#tpu.dimension_semantics<core_parallel>, #tpu.dimension_semantics<subcore_parallel>], iteration_bounds = array<i64: 2, 16>, scalar_prefetch = 0 : i64, scratch_operands = 13 : i64, tpu.core_type = #tpu.core_type<sc_vector_subcore>, window_params = [{transform_indices = #map}, {transform_indices = #map}, {transform_indices = #map}, {transform_indices = #map}, {transform_indices = #map}, {transform_indices = #map}, {transform_indices = #map1}, {transform_indices = #map1}, {transform_indices = #map1}]} {
    %mul3A = arith.constant 2 : i32
    %mul3A_0 = arith.muli %arg1, %mul3A : i32
    %add3A = arith.addi %mul3A_0, %arg0 : i32
    %mul3A_1 = arith.constant 32 : i32
    %mul3A_2 = arith.muli %add3A, %mul3A_1 : i32
    %add3A_3 = arith.constant 32 : i32
    %add3A_4 = arith.addi %mul3A_2, %add3A_3 : i32
    %sub3A = arith.constant 1 : i32
    %sub3A_5 = arith.subi %add3A_4, %sub3A : i32
    %dma_start3A = arith.constant 0 : i32
    %dma_start3A_6 = tpu.memref_slice %arg11[%dma_start3A] : memref<8192xi32, #tpu.memory_space<vmem>> -> memref<4096xi32, #tpu.memory_space<vmem>>
    %dma_start3A_7 = arith.constant 0 : i32
    %dma_start3A_8 = tpu.memref_slice %arg2[%mul3A_2, %dma_start3A_7] : memref<1024x4096xi32, #tpu.memory_space<hbm>> -> memref<1x4096xi32, #tpu.memory_space<hbm>>
    %dma_start3A_9 = tpu.memref_squeeze %dma_start3A_8 : memref<1x4096xi32, #tpu.memory_space<hbm>> -> memref<4096xi32, #tpu.memory_space<hbm>>
    %dma_start3A_10 = arith.constant 0 : i32
    %dma_start3A_11 = tpu.memref_slice %arg11[%dma_start3A_10] : memref<8192xi32, #tpu.memory_space<vmem>> -> memref<4096xi32, #tpu.memory_space<vmem>>
    %dma_start3A_12 = arith.constant 0 : i32
    %dma_start3A_13 = tpu.memref_slice %arg2[%mul3A_2, %dma_start3A_12] : memref<1024x4096xi32, #tpu.memory_space<hbm>> -> memref<1x4096xi32, #tpu.memory_space<hbm>>
    %dma_start3A_14 = tpu.memref_squeeze %dma_start3A_13 : memref<1x4096xi32, #tpu.memory_space<hbm>> -> memref<4096xi32, #tpu.memory_space<hbm>>
    tpu.enqueue_dma source(%dma_start3A_14 : memref<4096xi32, #tpu.memory_space<hbm>>) target(%dma_start3A_11 : memref<4096xi32, #tpu.memory_space<vmem>>) target_semaphore(%arg22 : memref<!tpu.dma_semaphore, #tpu.memory_space<semaphore_mem>>)
    %dma_start3A_15 = arith.constant 0 : i32
    %dma_start3A_16 = tpu.memref_slice %arg12[%dma_start3A_15] : memref<8192xi32, #tpu.memory_space<vmem>> -> memref<4096xi32, #tpu.memory_space<vmem>>
    %dma_start3A_17 = arith.constant 0 : i32
    %dma_start3A_18 = tpu.memref_slice %arg3[%mul3A_2, %dma_start3A_17] : memref<1024x4096xi32, #tpu.memory_space<hbm>> -> memref<1x4096xi32, #tpu.memory_space<hbm>>
    %dma_start3A_19 = tpu.memref_squeeze %dma_start3A_18 : memref<1x4096xi32, #tpu.memory_space<hbm>> -> memref<4096xi32, #tpu.memory_space<hbm>>
    %dma_start3A_20 = arith.constant 0 : i32
    %dma_start3A_21 = tpu.memref_slice %arg12[%dma_start3A_20] : memref<8192xi32, #tpu.memory_space<vmem>> -> memref<4096xi32, #tpu.memory_space<vmem>>
    %dma_start3A_22 = arith.constant 0 : i32
    %dma_start3A_23 = tpu.memref_slice %arg3[%mul3A_2, %dma_start3A_22] : memref<1024x4096xi32, #tpu.memory_space<hbm>> -> memref<1x4096xi32, #tpu.memory_space<hbm>>
    %dma_start3A_24 = tpu.memref_squeeze %dma_start3A_23 : memref<1x4096xi32, #tpu.memory_space<hbm>> -> memref<4096xi32, #tpu.memory_space<hbm>>
    tpu.enqueue_dma source(%dma_start3A_24 : memref<4096xi32, #tpu.memory_space<hbm>>) target(%dma_start3A_21 : memref<4096xi32, #tpu.memory_space<vmem>>) target_semaphore(%arg23 : memref<!tpu.dma_semaphore, #tpu.memory_space<semaphore_mem>>)
    %scan3A = arith.constant 0 : i32
    %scan3A_25 = arith.constant 0 : i32
    %scan3A_26 = arith.constant 32 : i32
    %scan3A_27 = arith.addi %scan3A_25, %scan3A_26 : i32
    %scan3A_28 = arith.constant 1 : i32
    scf.for %scan3A_49 = %scan3A_25 to %scan3A_27 step %scan3A_28  : i32 {
      %add3A_50 = arith.addi %mul3A_2, %scan3A_49 : i32
      %rem3A = arith.constant 2 : i32
      %rem3A_51 = arith.remsi %scan3A_49, %rem3A : i32
      %add3A_52 = arith.constant 1 : i32
      %add3A_53 = arith.addi %scan3A_49, %add3A_52 : i32
      %rem3A_54 = arith.constant 2 : i32
      %rem3A_55 = arith.remsi %add3A_53, %rem3A_54 : i32
      %add3A_56 = arith.constant 1 : i32
      %add3A_57 = arith.addi %add3A_50, %add3A_56 : i32
      %min3A = arith.minsi %add3A_57, %sub3A_5 : i32
      %jit3A = arith.constant 32 : i32
      %div3A = arith.divsi %add3A_50, %jit3A : i32
      %sign3A = arith.constant 0 : i32
      %sign3A_58 = arith.cmpi sgt, %add3A_50, %sign3A : i32
      %sign3A_59 = arith.extui %sign3A_58 : i1 to i32
      %sign3A_60 = arith.constant 0 : i32
      %sign3A_61 = arith.cmpi slt, %add3A_50, %sign3A_60 : i32
      %sign3A_62 = arith.extui %sign3A_61 : i1 to i32
      %sign3A_63 = arith.subi %sign3A_59, %sign3A_62 : i32
      %sign3A_64 = arith.constant 0 : i32
      %sign3A_65 = arith.cmpi sgt, %jit3A, %sign3A_64 : i32
      %sign3A_66 = arith.extui %sign3A_65 : i1 to i32
      %sign3A_67 = arith.constant 0 : i32
      %sign3A_68 = arith.cmpi slt, %jit3A, %sign3A_67 : i32
      %sign3A_69 = arith.extui %sign3A_68 : i1 to i32
      %sign3A_70 = arith.subi %sign3A_66, %sign3A_69 : i32
      %ne3A = arith.cmpi ne, %sign3A_63, %sign3A_70 : i32
      %rem3A_71 = arith.remsi %add3A_50, %jit3A : i32
      %ne3A_72 = arith.constant 0 : i32
      %ne3A_73 = arith.cmpi ne, %rem3A_71, %ne3A_72 : i32
      %and3A = arith.andi %ne3A, %ne3A_73 : i1
      %sub3A_74 = arith.constant 1 : i32
      %sub3A_75 = arith.subi %div3A, %sub3A_74 : i32
      %select_n3A = arith.select %and3A, %sub3A_75, %div3A : i32
      %mul3A_76 = arith.constant 4096 : i32
      %mul3A_77 = arith.muli %select_n3A, %mul3A_76 : i32
      %mul3A_78 = arith.constant 4096 : i32
      %mul3A_79 = arith.muli %rem3A_51, %mul3A_78 : i32
      %dma_wait3A_80 = tpu.memref_slice %arg11[%mul3A_79] : memref<8192xi32, #tpu.memory_space<vmem>> -> memref<4096xi32, #tpu.memory_space<vmem>>
      %dma_wait3A_81 = arith.constant 0 : i32
      %dma_wait3A_82 = tpu.memref_slice %arg2[%add3A_50, %dma_wait3A_81] : memref<1024x4096xi32, #tpu.memory_space<hbm>> -> memref<1x4096xi32, #tpu.memory_space<hbm>>
      %dma_wait3A_83 = tpu.memref_squeeze %dma_wait3A_82 : memref<1x4096xi32, #tpu.memory_space<hbm>> -> memref<4096xi32, #tpu.memory_space<hbm>>
      %dma_wait3A_84 = tpu.memref_slice %arg11[%mul3A_79] : memref<8192xi32, #tpu.memory_space<vmem>> -> memref<4096xi32, #tpu.memory_space<vmem>>
      %dma_wait3A_85 = arith.constant 0 : i32
      %dma_wait3A_86 = tpu.memref_slice %arg2[%add3A_50, %dma_wait3A_85] : memref<1024x4096xi32, #tpu.memory_space<hbm>> -> memref<1x4096xi32, #tpu.memory_space<hbm>>
      %dma_wait3A_87 = tpu.memref_squeeze %dma_wait3A_86 : memref<1x4096xi32, #tpu.memory_space<hbm>> -> memref<4096xi32, #tpu.memory_space<hbm>>
      tpu.wait_dma2 semaphore(%arg22 : memref<!tpu.dma_semaphore, #tpu.memory_space<semaphore_mem>>) src(%dma_wait3A_87 : memref<4096xi32, #tpu.memory_space<hbm>>) dst(%dma_wait3A_84 : memref<4096xi32, #tpu.memory_space<vmem>>)
      %mul3A_88 = arith.constant 4096 : i32
      %mul3A_89 = arith.muli %rem3A_51, %mul3A_88 : i32
      %scan3A_90 = arith.constant 0 : i32
      %scan3A_91 = arith.constant 0 : i32
      %scan3A_92 = arith.constant 256 : i32
      %scan3A_93 = arith.addi %scan3A_91, %scan3A_92 : i32
      %scan3A_94 = arith.constant 1 : i32
      scf.for %scan3A_246 = %scan3A_91 to %scan3A_93 step %scan3A_94  : i32 {
        %mul3A_247 = arith.constant 16 : i32
        %mul3A_248 = arith.muli %scan3A_246, %mul3A_247 : i32
        %add3A_249 = arith.addi %mul3A_89, %mul3A_248 : i32
        %get3A_250 = arith.index_cast %add3A_249 : i32 to index
        %get3A_251 = tpu.vector_load %arg11[%get3A_250] {strides = array<i32>} : memref<8192xi32, #tpu.memory_space<vmem>>, vector<16xi32>,
        %ge3A = arith.constant 0 : i32
        %ge3A_252 = vector.broadcast %ge3A : i32 to vector<16xi32>
        %ge3A_253 = arith.cmpi sge, %get3A_251, %ge3A_252 : vector<16xi32>
        %mul3A_254 = arith.constant 16 : i32
        %mul3A_255 = arith.muli %scan3A_246, %mul3A_254 : i32
        %iota3A = tpu.iota {dimensions = array<i32: 0>} : vector<16xi32>
        %add3A_256 = vector.broadcast %mul3A_255 : i32 to vector<16xi32>
        %add3A_257 = arith.addi %add3A_256, %iota3A : vector<16xi32>
        tpu.vector_store_idx %arg13[%get3A_251], %add3A_257 masked %ge3A_253 : memref<128xi32, #tpu.memory_space<vmem>>[vector<16xi32>], vector<16xi32>, vector<16xi1>
      }
      %scan3A_95 = arith.constant 256 : i32
      %get3A = arith.constant 0 : index
      %get3A_96 = tpu.vector_load %arg13[%get3A] {strides = array<i32>} : memref<128xi32, #tpu.memory_space<vmem>>, vector<16xi32>,
      %add3A_97 = vector.broadcast %mul3A_77 : i32 to vector<16xi32>
      %add3A_98 = arith.addi %get3A_96, %add3A_97 : vector<16xi32>
      %swap3A = arith.constant 0 : index
      %swap3A_99 = tpu.vector_load %arg14[%swap3A] {strides = array<i32>} : memref<128xi32, #tpu.memory_space<vmem>>, vector<16xi32>,
      tpu.vector_store %arg14[%swap3A], %add3A_98 {strides = array<i32>} : memref<128xi32, #tpu.memory_space<vmem>>, vector<16xi32>,
      %get3A_100 = arith.constant 16 : index
      %get3A_101 = tpu.vector_load %arg13[%get3A_100] {strides = array<i32>} : memref<128xi32, #tpu.memory_space<vmem>>, vector<16xi32>,
      %add3A_102 = vector.broadcast %mul3A_77 : i32 to vector<16xi32>
      %add3A_103 = arith.addi %get3A_101, %add3A_102 : vector<16xi32>
      %swap3A_104 = arith.constant 16 : index
      %swap3A_105 = tpu.vector_load %arg14[%swap3A_104] {strides = array<i32>} : memref<128xi32, #tpu.memory_space<vmem>>, vector<16xi32>,
      tpu.vector_store %arg14[%swap3A_104], %add3A_103 {strides = array<i32>} : memref<128xi32, #tpu.memory_space<vmem>>, vector<16xi32>,
      %get3A_106 = arith.constant 32 : index
      %get3A_107 = tpu.vector_load %arg13[%get3A_106] {strides = array<i32>} : memref<128xi32, #tpu.memory_space<vmem>>, vector<16xi32>,
      %add3A_108 = vector.broadcast %mul3A_77 : i32 to vector<16xi32>
      %add3A_109 = arith.addi %get3A_107, %add3A_108 : vector<16xi32>
      %swap3A_110 = arith.constant 32 : index
      %swap3A_111 = tpu.vector_load %arg14[%swap3A_110] {strides = array<i32>} : memref<128xi32, #tpu.memory_space<vmem>>, vector<16xi32>,
      tpu.vector_store %arg14[%swap3A_110], %add3A_109 {strides = array<i32>} : memref<128xi32, #tpu.memory_space<vmem>>, vector<16xi32>,
      %get3A_112 = arith.constant 48 : index
      %get3A_113 = tpu.vector_load %arg13[%get3A_112] {strides = array<i32>} : memref<128xi32, #tpu.memory_space<vmem>>, vector<16xi32>,
      %add3A_114 = vector.broadcast %mul3A_77 : i32 to vector<16xi32>
      %add3A_115 = arith.addi %get3A_113, %add3A_114 : vector<16xi32>
      %swap3A_116 = arith.constant 48 : index
      %swap3A_117 = tpu.vector_load %arg14[%swap3A_116] {strides = array<i32>} : memref<128xi32, #tpu.memory_space<vmem>>, vector<16xi32>,
      tpu.vector_store %arg14[%swap3A_116], %add3A_115 {strides = array<i32>} : memref<128xi32, #tpu.memory_space<vmem>>, vector<16xi32>,
      %get3A_118 = arith.constant 64 : index
      %get3A_119 = tpu.vector_load %arg13[%get3A_118] {strides = array<i32>} : memref<128xi32, #tpu.memory_space<vmem>>, vector<16xi32>,
      %add3A_120 = vector.broadcast %mul3A_77 : i32 to vector<16xi32>
      %add3A_121 = arith.addi %get3A_119, %add3A_120 : vector<16xi32>
      %swap3A_122 = arith.constant 64 : index
      %swap3A_123 = tpu.vector_load %arg14[%swap3A_122] {strides = array<i32>} : memref<128xi32, #tpu.memory_space<vmem>>, vector<16xi32>,
      tpu.vector_store %arg14[%swap3A_122], %add3A_121 {strides = array<i32>} : memref<128xi32, #tpu.memory_space<vmem>>, vector<16xi32>,
      %get3A_124 = arith.constant 80 : index
      %get3A_125 = tpu.vector_load %arg13[%get3A_124] {strides = array<i32>} : memref<128xi32, #tpu.memory_space<vmem>>, vector<16xi32>,
      %add3A_126 = vector.broadcast %mul3A_77 : i32 to vector<16xi32>
      %add3A_127 = arith.addi %get3A_125, %add3A_126 : vector<16xi32>
      %swap3A_128 = arith.constant 80 : index
      %swap3A_129 = tpu.vector_load %arg14[%swap3A_128] {strides = array<i32>} : memref<128xi32, #tpu.memory_space<vmem>>, vector<16xi32>,
      tpu.vector_store %arg14[%swap3A_128], %add3A_127 {strides = array<i32>} : memref<128xi32, #tpu.memory_space<vmem>>, vector<16xi32>,
      %get3A_130 = arith.constant 96 : index
      %get3A_131 = tpu.vector_load %arg13[%get3A_130] {strides = array<i32>} : memref<128xi32, #tpu.memory_space<vmem>>, vector<16xi32>,
      %add3A_132 = vector.broadcast %mul3A_77 : i32 to vector<16xi32>
      %add3A_133 = arith.addi %get3A_131, %add3A_132 : vector<16xi32>
      %swap3A_134 = arith.constant 96 : index
      %swap3A_135 = tpu.vector_load %arg14[%swap3A_134] {strides = array<i32>} : memref<128xi32, #tpu.memory_space<vmem>>, vector<16xi32>,
      tpu.vector_store %arg14[%swap3A_134], %add3A_133 {strides = array<i32>} : memref<128xi32, #tpu.memory_space<vmem>>, vector<16xi32>,
      %get3A_136 = arith.constant 112 : index
      %get3A_137 = tpu.vector_load %arg13[%get3A_136] {strides = array<i32>} : memref<128xi32, #tpu.memory_space<vmem>>, vector<16xi32>,
      %add3A_138 = vector.broadcast %mul3A_77 : i32 to vector<16xi32>
      %add3A_139 = arith.addi %get3A_137, %add3A_138 : vector<16xi32>
      %swap3A_140 = arith.constant 112 : index
      %swap3A_141 = tpu.vector_load %arg14[%swap3A_140] {strides = array<i32>} : memref<128xi32, #tpu.memory_space<vmem>>, vector<16xi32>,
      tpu.vector_store %arg14[%swap3A_140], %add3A_139 {strides = array<i32>} : memref<128xi32, #tpu.memory_space<vmem>>, vector<16xi32>,
      %dma_start3A_142 = arith.constant 0 : i32
      %dma_start3A_143 = arith.constant 0 : i32
      %dma_start3A_144 = tpu.memref_slice %arg4[%dma_start3A_142, %dma_start3A_143] : memref<131072x128xf32, #tpu.memory_space<hbm>> -> memref<131072x128xf32, #tpu.memory_space<hbm>>
      tpu.enqueue_indirect_dma source(%dma_start3A_144 : memref<131072x128xf32, #tpu.memory_space<hbm>>) target(%arg16 : memref<128x128xf32, #tpu.memory_space<vmem>>) offsets(%arg14 : memref<128xi32, #tpu.memory_space<vmem>>) semaphore(%arg19 : memref<!tpu.dma_semaphore, #tpu.memory_space<semaphore_mem>>)
      "tpu.region"() ({
        %run_scoped3A = tpu.sem_alloc : memref<!tpu.dma_semaphore, #tpu.memory_space<semaphore_mem>>
        %dma_start3A_246 = arith.constant 0 : i32
        %dma_start3A_247 = tpu.memref_slice %arg7[%add3A_50, %dma_start3A_246] : memref<1024x128xi32, #tpu.memory_space<hbm>> -> memref<1x128xi32, #tpu.memory_space<hbm>>
        %dma_start3A_248 = tpu.memref_squeeze %dma_start3A_247 : memref<1x128xi32, #tpu.memory_space<hbm>> -> memref<128xi32, #tpu.memory_space<hbm>>
        %dma_start3A_249 = arith.constant 0 : i32
        %dma_start3A_250 = tpu.memref_slice %arg7[%add3A_50, %dma_start3A_249] : memref<1024x128xi32, #tpu.memory_space<hbm>> -> memref<1x128xi32, #tpu.memory_space<hbm>>
        %dma_start3A_251 = tpu.memref_squeeze %dma_start3A_250 : memref<1x128xi32, #tpu.memory_space<hbm>> -> memref<128xi32, #tpu.memory_space<hbm>>
        tpu.enqueue_dma source(%arg13 : memref<128xi32, #tpu.memory_space<vmem>>) target(%dma_start3A_251 : memref<128xi32, #tpu.memory_space<hbm>>) target_semaphore(%run_scoped3A : memref<!tpu.dma_semaphore, #tpu.memory_space<semaphore_mem>>)
        %dma_wait3A_252 = arith.constant 0 : i32
        %dma_wait3A_253 = tpu.memref_slice %arg7[%add3A_50, %dma_wait3A_252] : memref<1024x128xi32, #tpu.memory_space<hbm>> -> memref<1x128xi32, #tpu.memory_space<hbm>>
        %dma_wait3A_254 = tpu.memref_squeeze %dma_wait3A_253 : memref<1x128xi32, #tpu.memory_space<hbm>> -> memref<128xi32, #tpu.memory_space<hbm>>
        %dma_wait3A_255 = arith.constant 0 : i32
        %dma_wait3A_256 = tpu.memref_slice %arg7[%add3A_50, %dma_wait3A_255] : memref<1024x128xi32, #tpu.memory_space<hbm>> -> memref<1x128xi32, #tpu.memory_space<hbm>>
        %dma_wait3A_257 = tpu.memref_squeeze %dma_wait3A_256 : memref<1x128xi32, #tpu.memory_space<hbm>> -> memref<128xi32, #tpu.memory_space<hbm>>
        tpu.wait_dma2 semaphore(%run_scoped3A : memref<!tpu.dma_semaphore, #tpu.memory_space<semaphore_mem>>) src(%arg13 : memref<128xi32, #tpu.memory_space<vmem>>) dst(%dma_wait3A_257 : memref<128xi32, #tpu.memory_space<hbm>>)
        tpu.yield
      }) : () -> ()
      %mul3A_145 = arith.constant 4096 : i32
      %mul3A_146 = arith.muli %rem3A_51, %mul3A_145 : i32
      %dma_wait3A_147 = tpu.memref_slice %arg12[%mul3A_146] : memref<8192xi32, #tpu.memory_space<vmem>> -> memref<4096xi32, #tpu.memory_space<vmem>>
      %dma_wait3A_148 = arith.constant 0 : i32
      %dma_wait3A_149 = tpu.memref_slice %arg3[%add3A_50, %dma_wait3A_148] : memref<1024x4096xi32, #tpu.memory_space<hbm>> -> memref<1x4096xi32, #tpu.memory_space<hbm>>
      %dma_wait3A_150 = tpu.memref_squeeze %dma_wait3A_149 : memref<1x4096xi32, #tpu.memory_space<hbm>> -> memref<4096xi32, #tpu.memory_space<hbm>>
      %dma_wait3A_151 = tpu.memref_slice %arg12[%mul3A_146] : memref<8192xi32, #tpu.memory_space<vmem>> -> memref<4096xi32, #tpu.memory_space<vmem>>
      %dma_wait3A_152 = arith.constant 0 : i32
      %dma_wait3A_153 = tpu.memref_slice %arg3[%add3A_50, %dma_wait3A_152] : memref<1024x4096xi32, #tpu.memory_space<hbm>> -> memref<1x4096xi32, #tpu.memory_space<hbm>>
      %dma_wait3A_154 = tpu.memref_squeeze %dma_wait3A_153 : memref<1x4096xi32, #tpu.memory_space<hbm>> -> memref<4096xi32, #tpu.memory_space<hbm>>
      tpu.wait_dma2 semaphore(%arg23 : memref<!tpu.dma_semaphore, #tpu.memory_space<semaphore_mem>>) src(%dma_wait3A_154 : memref<4096xi32, #tpu.memory_space<hbm>>) dst(%dma_wait3A_151 : memref<4096xi32, #tpu.memory_space<vmem>>)
      %mul3A_155 = arith.constant 4096 : i32
      %mul3A_156 = arith.muli %rem3A_51, %mul3A_155 : i32
      %scan3A_157 = arith.constant 0 : i32
      %scan3A_158 = arith.constant 0 : i32
      %scan3A_159 = arith.constant 256 : i32
      %scan3A_160 = arith.addi %scan3A_158, %scan3A_159 : i32
      %scan3A_161 = arith.constant 1 : i32
      scf.for %scan3A_246 = %scan3A_158 to %scan3A_160 step %scan3A_161  : i32 {
        %mul3A_247 = arith.constant 16 : i32
        %mul3A_248 = arith.muli %scan3A_246, %mul3A_247 : i32
        %add3A_249 = arith.addi %mul3A_156, %mul3A_248 : i32
        %get3A_250 = arith.index_cast %add3A_249 : i32 to index
        %get3A_251 = tpu.vector_load %arg12[%get3A_250] {strides = array<i32>} : memref<8192xi32, #tpu.memory_space<vmem>>, vector<16xi32>,
        %ge3A = arith.constant 0 : i32
        %ge3A_252 = vector.broadcast %ge3A : i32 to vector<16xi32>
        %ge3A_253 = arith.cmpi sge, %get3A_251, %ge3A_252 : vector<16xi32>
        %mul3A_254 = arith.constant 16 : i32
        %mul3A_255 = arith.muli %scan3A_246, %mul3A_254 : i32
        %iota3A = tpu.iota {dimensions = array<i32: 0>} : vector<16xi32>
        %add3A_256 = vector.broadcast %mul3A_255 : i32 to vector<16xi32>
        %add3A_257 = arith.addi %add3A_256, %iota3A : vector<16xi32>
        tpu.vector_store_idx %arg15[%get3A_251], %add3A_257 masked %ge3A_253 : memref<128xi32, #tpu.memory_space<vmem>>[vector<16xi32>], vector<16xi32>, vector<16xi1>
      }
      %scan3A_162 = arith.constant 256 : i32
      %get3A_163 = arith.constant 0 : index
      %get3A_164 = tpu.vector_load %arg15[%get3A_163] {strides = array<i32>} : memref<128xi32, #tpu.memory_space<vmem>>, vector<16xi32>,
      %add3A_165 = vector.broadcast %mul3A_77 : i32 to vector<16xi32>
      %add3A_166 = arith.addi %get3A_164, %add3A_165 : vector<16xi32>
      %swap3A_167 = arith.constant 0 : index
      %swap3A_168 = tpu.vector_load %arg15[%swap3A_167] {strides = array<i32>} : memref<128xi32, #tpu.memory_space<vmem>>, vector<16xi32>,
      tpu.vector_store %arg15[%swap3A_167], %add3A_166 {strides = array<i32>} : memref<128xi32, #tpu.memory_space<vmem>>, vector<16xi32>,
      %get3A_169 = arith.constant 16 : index
      %get3A_170 = tpu.vector_load %arg15[%get3A_169] {strides = array<i32>} : memref<128xi32, #tpu.memory_space<vmem>>, vector<16xi32>,
      %add3A_171 = vector.broadcast %mul3A_77 : i32 to vector<16xi32>
      %add3A_172 = arith.addi %get3A_170, %add3A_171 : vector<16xi32>
      %swap3A_173 = arith.constant 16 : index
      %swap3A_174 = tpu.vector_load %arg15[%swap3A_173] {strides = array<i32>} : memref<128xi32, #tpu.memory_space<vmem>>, vector<16xi32>,
      tpu.vector_store %arg15[%swap3A_173], %add3A_172 {strides = array<i32>} : memref<128xi32, #tpu.memory_space<vmem>>, vector<16xi32>,
      %get3A_175 = arith.constant 32 : index
      %get3A_176 = tpu.vector_load %arg15[%get3A_175] {strides = array<i32>} : memref<128xi32, #tpu.memory_space<vmem>>, vector<16xi32>,
      %add3A_177 = vector.broadcast %mul3A_77 : i32 to vector<16xi32>
      %add3A_178 = arith.addi %get3A_176, %add3A_177 : vector<16xi32>
      %swap3A_179 = arith.constant 32 : index
      %swap3A_180 = tpu.vector_load %arg15[%swap3A_179] {strides = array<i32>} : memref<128xi32, #tpu.memory_space<vmem>>, vector<16xi32>,
      tpu.vector_store %arg15[%swap3A_179], %add3A_178 {strides = array<i32>} : memref<128xi32, #tpu.memory_space<vmem>>, vector<16xi32>,
      %get3A_181 = arith.constant 48 : index
      %get3A_182 = tpu.vector_load %arg15[%get3A_181] {strides = array<i32>} : memref<128xi32, #tpu.memory_space<vmem>>, vector<16xi32>,
      %add3A_183 = vector.broadcast %mul3A_77 : i32 to vector<16xi32>
      %add3A_184 = arith.addi %get3A_182, %add3A_183 : vector<16xi32>
      %swap3A_185 = arith.constant 48 : index
      %swap3A_186 = tpu.vector_load %arg15[%swap3A_185] {strides = array<i32>} : memref<128xi32, #tpu.memory_space<vmem>>, vector<16xi32>,
      tpu.vector_store %arg15[%swap3A_185], %add3A_184 {strides = array<i32>} : memref<128xi32, #tpu.memory_space<vmem>>, vector<16xi32>,
      %get3A_187 = arith.constant 64 : index
      %get3A_188 = tpu.vector_load %arg15[%get3A_187] {strides = array<i32>} : memref<128xi32, #tpu.memory_space<vmem>>, vector<16xi32>,
      %add3A_189 = vector.broadcast %mul3A_77 : i32 to vector<16xi32>
      %add3A_190 = arith.addi %get3A_188, %add3A_189 : vector<16xi32>
      %swap3A_191 = arith.constant 64 : index
      %swap3A_192 = tpu.vector_load %arg15[%swap3A_191] {strides = array<i32>} : memref<128xi32, #tpu.memory_space<vmem>>, vector<16xi32>,
      tpu.vector_store %arg15[%swap3A_191], %add3A_190 {strides = array<i32>} : memref<128xi32, #tpu.memory_space<vmem>>, vector<16xi32>,
      %get3A_193 = arith.constant 80 : index
      %get3A_194 = tpu.vector_load %arg15[%get3A_193] {strides = array<i32>} : memref<128xi32, #tpu.memory_space<vmem>>, vector<16xi32>,
      %add3A_195 = vector.broadcast %mul3A_77 : i32 to vector<16xi32>
      %add3A_196 = arith.addi %get3A_194, %add3A_195 : vector<16xi32>
      %swap3A_197 = arith.constant 80 : index
      %swap3A_198 = tpu.vector_load %arg15[%swap3A_197] {strides = array<i32>} : memref<128xi32, #tpu.memory_space<vmem>>, vector<16xi32>,
      tpu.vector_store %arg15[%swap3A_197], %add3A_196 {strides = array<i32>} : memref<128xi32, #tpu.memory_space<vmem>>, vector<16xi32>,
      %get3A_199 = arith.constant 96 : index
      %get3A_200 = tpu.vector_load %arg15[%get3A_199] {strides = array<i32>} : memref<128xi32, #tpu.memory_space<vmem>>, vector<16xi32>,
      %add3A_201 = vector.broadcast %mul3A_77 : i32 to vector<16xi32>
      %add3A_202 = arith.addi %get3A_200, %add3A_201 : vector<16xi32>
      %swap3A_203 = arith.constant 96 : index
      %swap3A_204 = tpu.vector_load %arg15[%swap3A_203] {strides = array<i32>} : memref<128xi32, #tpu.memory_space<vmem>>, vector<16xi32>,
      tpu.vector_store %arg15[%swap3A_203], %add3A_202 {strides = array<i32>} : memref<128xi32, #tpu.memory_space<vmem>>, vector<16xi32>,
      %get3A_205 = arith.constant 112 : index
      %get3A_206 = tpu.vector_load %arg15[%get3A_205] {strides = array<i32>} : memref<128xi32, #tpu.memory_space<vmem>>, vector<16xi32>,
      %add3A_207 = vector.broadcast %mul3A_77 : i32 to vector<16xi32>
      %add3A_208 = arith.addi %get3A_206, %add3A_207 : vector<16xi32>
      %swap3A_209 = arith.constant 112 : index
      %swap3A_210 = tpu.vector_load %arg15[%swap3A_209] {strides = array<i32>} : memref<128xi32, #tpu.memory_space<vmem>>, vector<16xi32>,
      tpu.vector_store %arg15[%swap3A_209], %add3A_208 {strides = array<i32>} : memref<128xi32, #tpu.memory_space<vmem>>, vector<16xi32>,
      %dma_start3A_211 = arith.constant 0 : i32
      %dma_start3A_212 = arith.constant 0 : i32
      %dma_start3A_213 = tpu.memref_slice %arg5[%dma_start3A_211, %dma_start3A_212] : memref<131072x128xf32, #tpu.memory_space<hbm>> -> memref<131072x128xf32, #tpu.memory_space<hbm>>
      tpu.enqueue_indirect_dma source(%dma_start3A_213 : memref<131072x128xf32, #tpu.memory_space<hbm>>) target(%arg17 : memref<128x128xf32, #tpu.memory_space<vmem>>) offsets(%arg15 : memref<128xi32, #tpu.memory_space<vmem>>) semaphore(%arg20 : memref<!tpu.dma_semaphore, #tpu.memory_space<semaphore_mem>>)
      %dma_start3A_214 = arith.constant 0 : i32
      %dma_start3A_215 = arith.constant 0 : i32
      %dma_start3A_216 = tpu.memref_slice %arg6[%dma_start3A_214, %dma_start3A_215] : memref<131072x128xf32, #tpu.memory_space<hbm>> -> memref<131072x128xf32, #tpu.memory_space<hbm>>
      tpu.enqueue_indirect_dma source(%dma_start3A_216 : memref<131072x128xf32, #tpu.memory_space<hbm>>) target(%arg18 : memref<128x128xf32, #tpu.memory_space<vmem>>) offsets(%arg15 : memref<128xi32, #tpu.memory_space<vmem>>) semaphore(%arg21 : memref<!tpu.dma_semaphore, #tpu.memory_space<semaphore_mem>>)
      %mul3A_217 = arith.constant 4096 : i32
      %mul3A_218 = arith.muli %rem3A_55, %mul3A_217 : i32
      %dma_start3A_219 = tpu.memref_slice %arg11[%mul3A_218] : memref<8192xi32, #tpu.memory_space<vmem>> -> memref<4096xi32, #tpu.memory_space<vmem>>
      %dma_start3A_220 = arith.constant 0 : i32
      %dma_start3A_221 = tpu.memref_slice %arg2[%min3A, %dma_start3A_220] : memref<1024x4096xi32, #tpu.memory_space<hbm>> -> memref<1x4096xi32, #tpu.memory_space<hbm>>
      %dma_start3A_222 = tpu.memref_squeeze %dma_start3A_221 : memref<1x4096xi32, #tpu.memory_space<hbm>> -> memref<4096xi32, #tpu.memory_space<hbm>>
      %dma_start3A_223 = tpu.memref_slice %arg11[%mul3A_218] : memref<8192xi32, #tpu.memory_space<vmem>> -> memref<4096xi32, #tpu.memory_space<vmem>>
      %dma_start3A_224 = arith.constant 0 : i32
      %dma_start3A_225 = tpu.memref_slice %arg2[%min3A, %dma_start3A_224] : memref<1024x4096xi32, #tpu.memory_space<hbm>> -> memref<1x4096xi32, #tpu.memory_space<hbm>>
      %dma_start3A_226 = tpu.memref_squeeze %dma_start3A_225 : memref<1x4096xi32, #tpu.memory_space<hbm>> -> memref<4096xi32, #tpu.memory_space<hbm>>
      tpu.enqueue_dma source(%dma_start3A_226 : memref<4096xi32, #tpu.memory_space<hbm>>) target(%dma_start3A_223 : memref<4096xi32, #tpu.memory_space<vmem>>) target_semaphore(%arg22 : memref<!tpu.dma_semaphore, #tpu.memory_space<semaphore_mem>>)
      %mul3A_227 = arith.constant 4096 : i32
      %mul3A_228 = arith.muli %rem3A_55, %mul3A_227 : i32
      %dma_start3A_229 = tpu.memref_slice %arg12[%mul3A_228] : memref<8192xi32, #tpu.memory_space<vmem>> -> memref<4096xi32, #tpu.memory_space<vmem>>
      %dma_start3A_230 = arith.constant 0 : i32
      %dma_start3A_231 = tpu.memref_slice %arg3[%min3A, %dma_start3A_230] : memref<1024x4096xi32, #tpu.memory_space<hbm>> -> memref<1x4096xi32, #tpu.memory_space<hbm>>
      %dma_start3A_232 = tpu.memref_squeeze %dma_start3A_231 : memref<1x4096xi32, #tpu.memory_space<hbm>> -> memref<4096xi32, #tpu.memory_space<hbm>>
      %dma_start3A_233 = tpu.memref_slice %arg12[%mul3A_228] : memref<8192xi32, #tpu.memory_space<vmem>> -> memref<4096xi32, #tpu.memory_space<vmem>>
      %dma_start3A_234 = arith.constant 0 : i32
      %dma_start3A_235 = tpu.memref_slice %arg3[%min3A, %dma_start3A_234] : memref<1024x4096xi32, #tpu.memory_space<hbm>> -> memref<1x4096xi32, #tpu.memory_space<hbm>>
      %dma_start3A_236 = tpu.memref_squeeze %dma_start3A_235 : memref<1x4096xi32, #tpu.memory_space<hbm>> -> memref<4096xi32, #tpu.memory_space<hbm>>
      tpu.enqueue_dma source(%dma_start3A_236 : memref<4096xi32, #tpu.memory_space<hbm>>) target(%dma_start3A_233 : memref<4096xi32, #tpu.memory_space<vmem>>) target_semaphore(%arg23 : memref<!tpu.dma_semaphore, #tpu.memory_space<semaphore_mem>>)
      %dma_wait3A_237 = arith.constant 0 : i32
      %dma_wait3A_238 = arith.constant 0 : i32
      %dma_wait3A_239 = tpu.memref_slice %arg4[%dma_wait3A_237, %dma_wait3A_238] : memref<131072x128xf32, #tpu.memory_space<hbm>> -> memref<131072x128xf32, #tpu.memory_space<hbm>>
      tpu.wait_indirect_dma semaphore(%arg19 : memref<!tpu.dma_semaphore, #tpu.memory_space<semaphore_mem>>) src(%dma_wait3A_239 : memref<131072x128xf32, #tpu.memory_space<hbm>>) dst(%arg16 : memref<128x128xf32, #tpu.memory_space<vmem>>)
      "tpu.region"() ({
        %run_scoped3A = tpu.sem_alloc : memref<!tpu.dma_semaphore, #tpu.memory_space<semaphore_mem>>
        %dma_start3A_246 = arith.constant 0 : i32
        %dma_start3A_247 = arith.constant 0 : i32
        %dma_start3A_248 = tpu.memref_slice %arg8[%add3A_50, %dma_start3A_246, %dma_start3A_247] : memref<1024x128x128xf32, #tpu.memory_space<hbm>> -> memref<1x128x128xf32, #tpu.memory_space<hbm>>
        %dma_start3A_249 = tpu.memref_squeeze %dma_start3A_248 : memref<1x128x128xf32, #tpu.memory_space<hbm>> -> memref<128x128xf32, #tpu.memory_space<hbm>>
        %dma_start3A_250 = arith.constant 0 : i32
        %dma_start3A_251 = arith.constant 0 : i32
        %dma_start3A_252 = tpu.memref_slice %arg8[%add3A_50, %dma_start3A_250, %dma_start3A_251] : memref<1024x128x128xf32, #tpu.memory_space<hbm>> -> memref<1x128x128xf32, #tpu.memory_space<hbm>>
        %dma_start3A_253 = tpu.memref_squeeze %dma_start3A_252 : memref<1x128x128xf32, #tpu.memory_space<hbm>> -> memref<128x128xf32, #tpu.memory_space<hbm>>
        tpu.enqueue_dma source(%arg16 : memref<128x128xf32, #tpu.memory_space<vmem>>) target(%dma_start3A_253 : memref<128x128xf32, #tpu.memory_space<hbm>>) target_semaphore(%run_scoped3A : memref<!tpu.dma_semaphore, #tpu.memory_space<semaphore_mem>>)
        %dma_wait3A_254 = arith.constant 0 : i32
        %dma_wait3A_255 = arith.constant 0 : i32
        %dma_wait3A_256 = tpu.memref_slice %arg8[%add3A_50, %dma_wait3A_254, %dma_wait3A_255] : memref<1024x128x128xf32, #tpu.memory_space<hbm>> -> memref<1x128x128xf32, #tpu.memory_space<hbm>>
        %dma_wait3A_257 = tpu.memref_squeeze %dma_wait3A_256 : memref<1x128x128xf32, #tpu.memory_space<hbm>> -> memref<128x128xf32, #tpu.memory_space<hbm>>
        %dma_wait3A_258 = arith.constant 0 : i32
        %dma_wait3A_259 = arith.constant 0 : i32
        %dma_wait3A_260 = tpu.memref_slice %arg8[%add3A_50, %dma_wait3A_258, %dma_wait3A_259] : memref<1024x128x128xf32, #tpu.memory_space<hbm>> -> memref<1x128x128xf32, #tpu.memory_space<hbm>>
        %dma_wait3A_261 = tpu.memref_squeeze %dma_wait3A_260 : memref<1x128x128xf32, #tpu.memory_space<hbm>> -> memref<128x128xf32, #tpu.memory_space<hbm>>
        tpu.wait_dma2 semaphore(%run_scoped3A : memref<!tpu.dma_semaphore, #tpu.memory_space<semaphore_mem>>) src(%arg16 : memref<128x128xf32, #tpu.memory_space<vmem>>) dst(%dma_wait3A_261 : memref<128x128xf32, #tpu.memory_space<hbm>>)
        tpu.yield
      }) : () -> ()
      %dma_wait3A_240 = arith.constant 0 : i32
      %dma_wait3A_241 = arith.constant 0 : i32
      %dma_wait3A_242 = tpu.memref_slice %arg5[%dma_wait3A_240, %dma_wait3A_241] : memref<131072x128xf32, #tpu.memory_space<hbm>> -> memref<131072x128xf32, #tpu.memory_space<hbm>>
      tpu.wait_indirect_dma semaphore(%arg20 : memref<!tpu.dma_semaphore, #tpu.memory_space<semaphore_mem>>) src(%dma_wait3A_242 : memref<131072x128xf32, #tpu.memory_space<hbm>>) dst(%arg17 : memref<128x128xf32, #tpu.memory_space<vmem>>)
      "tpu.region"() ({
        %run_scoped3A = tpu.sem_alloc : memref<!tpu.dma_semaphore, #tpu.memory_space<semaphore_mem>>
        %dma_start3A_246 = arith.constant 0 : i32
        %dma_start3A_247 = arith.constant 0 : i32
        %dma_start3A_248 = tpu.memref_slice %arg9[%add3A_50, %dma_start3A_246, %dma_start3A_247] : memref<1024x128x128xf32, #tpu.memory_space<hbm>> -> memref<1x128x128xf32, #tpu.memory_space<hbm>>
        %dma_start3A_249 = tpu.memref_squeeze %dma_start3A_248 : memref<1x128x128xf32, #tpu.memory_space<hbm>> -> memref<128x128xf32, #tpu.memory_space<hbm>>
        %dma_start3A_250 = arith.constant 0 : i32
        %dma_start3A_251 = arith.constant 0 : i32
        %dma_start3A_252 = tpu.memref_slice %arg9[%add3A_50, %dma_start3A_250, %dma_start3A_251] : memref<1024x128x128xf32, #tpu.memory_space<hbm>> -> memref<1x128x128xf32, #tpu.memory_space<hbm>>
        %dma_start3A_253 = tpu.memref_squeeze %dma_start3A_252 : memref<1x128x128xf32, #tpu.memory_space<hbm>> -> memref<128x128xf32, #tpu.memory_space<hbm>>
        tpu.enqueue_dma source(%arg17 : memref<128x128xf32, #tpu.memory_space<vmem>>) target(%dma_start3A_253 : memref<128x128xf32, #tpu.memory_space<hbm>>) target_semaphore(%run_scoped3A : memref<!tpu.dma_semaphore, #tpu.memory_space<semaphore_mem>>)
        %dma_wait3A_254 = arith.constant 0 : i32
        %dma_wait3A_255 = arith.constant 0 : i32
        %dma_wait3A_256 = tpu.memref_slice %arg9[%add3A_50, %dma_wait3A_254, %dma_wait3A_255] : memref<1024x128x128xf32, #tpu.memory_space<hbm>> -> memref<1x128x128xf32, #tpu.memory_space<hbm>>
        %dma_wait3A_257 = tpu.memref_squeeze %dma_wait3A_256 : memref<1x128x128xf32, #tpu.memory_space<hbm>> -> memref<128x128xf32, #tpu.memory_space<hbm>>
        %dma_wait3A_258 = arith.constant 0 : i32
        %dma_wait3A_259 = arith.constant 0 : i32
        %dma_wait3A_260 = tpu.memref_slice %arg9[%add3A_50, %dma_wait3A_258, %dma_wait3A_259] : memref<1024x128x128xf32, #tpu.memory_space<hbm>> -> memref<1x128x128xf32, #tpu.memory_space<hbm>>
        %dma_wait3A_261 = tpu.memref_squeeze %dma_wait3A_260 : memref<1x128x128xf32, #tpu.memory_space<hbm>> -> memref<128x128xf32, #tpu.memory_space<hbm>>
        tpu.wait_dma2 semaphore(%run_scoped3A : memref<!tpu.dma_semaphore, #tpu.memory_space<semaphore_mem>>) src(%arg17 : memref<128x128xf32, #tpu.memory_space<vmem>>) dst(%dma_wait3A_261 : memref<128x128xf32, #tpu.memory_space<hbm>>)
        tpu.yield
      }) : () -> ()
      %dma_wait3A_243 = arith.constant 0 : i32
      %dma_wait3A_244 = arith.constant 0 : i32
      %dma_wait3A_245 = tpu.memref_slice %arg6[%dma_wait3A_243, %dma_wait3A_244] : memref<131072x128xf32, #tpu.memory_space<hbm>> -> memref<131072x128xf32, #tpu.memory_space<hbm>>
      tpu.wait_indirect_dma semaphore(%arg21 : memref<!tpu.dma_semaphore, #tpu.memory_space<semaphore_mem>>) src(%dma_wait3A_245 : memref<131072x128xf32, #tpu.memory_space<hbm>>) dst(%arg18 : memref<128x128xf32, #tpu.memory_space<vmem>>)
      "tpu.region"() ({
        %run_scoped3A = tpu.sem_alloc : memref<!tpu.dma_semaphore, #tpu.memory_space<semaphore_mem>>
        %dma_start3A_246 = arith.constant 0 : i32
        %dma_start3A_247 = arith.constant 0 : i32
        %dma_start3A_248 = tpu.memref_slice %arg10[%add3A_50, %dma_start3A_246, %dma_start3A_247] : memref<1024x128x128xf32, #tpu.memory_space<hbm>> -> memref<1x128x128xf32, #tpu.memory_space<hbm>>
        %dma_start3A_249 = tpu.memref_squeeze %dma_start3A_248 : memref<1x128x128xf32, #tpu.memory_space<hbm>> -> memref<128x128xf32, #tpu.memory_space<hbm>>
        %dma_start3A_250 = arith.constant 0 : i32
        %dma_start3A_251 = arith.constant 0 : i32
        %dma_start3A_252 = tpu.memref_slice %arg10[%add3A_50, %dma_start3A_250, %dma_start3A_251] : memref<1024x128x128xf32, #tpu.memory_space<hbm>> -> memref<1x128x128xf32, #tpu.memory_space<hbm>>
        %dma_start3A_253 = tpu.memref_squeeze %dma_start3A_252 : memref<1x128x128xf32, #tpu.memory_space<hbm>> -> memref<128x128xf32, #tpu.memory_space<hbm>>
        tpu.enqueue_dma source(%arg18 : memref<128x128xf32, #tpu.memory_space<vmem>>) target(%dma_start3A_253 : memref<128x128xf32, #tpu.memory_space<hbm>>) target_semaphore(%run_scoped3A : memref<!tpu.dma_semaphore, #tpu.memory_space<semaphore_mem>>)
        %dma_wait3A_254 = arith.constant 0 : i32
        %dma_wait3A_255 = arith.constant 0 : i32
        %dma_wait3A_256 = tpu.memref_slice %arg10[%add3A_50, %dma_wait3A_254, %dma_wait3A_255] : memref<1024x128x128xf32, #tpu.memory_space<hbm>> -> memref<1x128x128xf32, #tpu.memory_space<hbm>>
        %dma_wait3A_257 = tpu.memref_squeeze %dma_wait3A_256 : memref<1x128x128xf32, #tpu.memory_space<hbm>> -> memref<128x128xf32, #tpu.memory_space<hbm>>
        %dma_wait3A_258 = arith.constant 0 : i32
        %dma_wait3A_259 = arith.constant 0 : i32
        %dma_wait3A_260 = tpu.memref_slice %arg10[%add3A_50, %dma_wait3A_258, %dma_wait3A_259] : memref<1024x128x128xf32, #tpu.memory_space<hbm>> -> memref<1x128x128xf32, #tpu.memory_space<hbm>>
        %dma_wait3A_261 = tpu.memref_squeeze %dma_wait3A_260 : memref<1x128x128xf32, #tpu.memory_space<hbm>> -> memref<128x128xf32, #tpu.memory_space<hbm>>
        tpu.wait_dma2 semaphore(%run_scoped3A : memref<!tpu.dma_semaphore, #tpu.memory_space<semaphore_mem>>) src(%arg18 : memref<128x128xf32, #tpu.memory_space<vmem>>) dst(%dma_wait3A_261 : memref<128x128xf32, #tpu.memory_space<hbm>>)
        tpu.yield
      }) : () -> ()
    }
    %scan3A_29 = arith.constant 32 : i32
    %dma_wait3A = arith.constant 0 : i32
    %dma_wait3A_30 = tpu.memref_slice %arg11[%dma_wait3A] : memref<8192xi32, #tpu.memory_space<vmem>> -> memref<4096xi32, #tpu.memory_space<vmem>>
    %dma_wait3A_31 = arith.constant 0 : i32
    %dma_wait3A_32 = tpu.memref_slice %arg2[%sub3A_5, %dma_wait3A_31] : memref<1024x4096xi32, #tpu.memory_space<hbm>> -> memref<1x4096xi32, #tpu.memory_space<hbm>>
    %dma_wait3A_33 = tpu.memref_squeeze %dma_wait3A_32 : memref<1x4096xi32, #tpu.memory_space<hbm>> -> memref<4096xi32, #tpu.memory_space<hbm>>
    %dma_wait3A_34 = arith.constant 0 : i32
    %dma_wait3A_35 = tpu.memref_slice %arg11[%dma_wait3A_34] : memref<8192xi32, #tpu.memory_space<vmem>> -> memref<4096xi32, #tpu.memory_space<vmem>>
    %dma_wait3A_36 = arith.constant 0 : i32
    %dma_wait3A_37 = tpu.memref_slice %arg2[%sub3A_5, %dma_wait3A_36] : memref<1024x4096xi32, #tpu.memory_space<hbm>> -> memref<1x4096xi32, #tpu.memory_space<hbm>>
    %dma_wait3A_38 = tpu.memref_squeeze %dma_wait3A_37 : memref<1x4096xi32, #tpu.memory_space<hbm>> -> memref<4096xi32, #tpu.memory_space<hbm>>
    tpu.wait_dma2 semaphore(%arg22 : memref<!tpu.dma_semaphore, #tpu.memory_space<semaphore_mem>>) src(%dma_wait3A_38 : memref<4096xi32, #tpu.memory_space<hbm>>) dst(%dma_wait3A_35 : memref<4096xi32, #tpu.memory_space<vmem>>)
    %dma_wait3A_39 = arith.constant 0 : i32
    %dma_wait3A_40 = tpu.memref_slice %arg12[%dma_wait3A_39] : memref<8192xi32, #tpu.memory_space<vmem>> -> memref<4096xi32, #tpu.memory_space<vmem>>
    %dma_wait3A_41 = arith.constant 0 : i32
    %dma_wait3A_42 = tpu.memref_slice %arg3[%sub3A_5, %dma_wait3A_41] : memref<1024x4096xi32, #tpu.memory_space<hbm>> -> memref<1x4096xi32, #tpu.memory_space<hbm>>
    %dma_wait3A_43 = tpu.memref_squeeze %dma_wait3A_42 : memref<1x4096xi32, #tpu.memory_space<hbm>> -> memref<4096xi32, #tpu.memory_space<hbm>>
    %dma_wait3A_44 = arith.constant 0 : i32
    %dma_wait3A_45 = tpu.memref_slice %arg12[%dma_wait3A_44] : memref<8192xi32, #tpu.memory_space<vmem>> -> memref<4096xi32, #tpu.memory_space<vmem>>
    %dma_wait3A_46 = arith.constant 0 : i32
    %dma_wait3A_47 = tpu.memref_slice %arg3[%sub3A_5, %dma_wait3A_46] : memref<1024x4096xi32, #tpu.memory_space<hbm>> -> memref<1x4096xi32, #tpu.memory_space<hbm>>
    %dma_wait3A_48 = tpu.memref_squeeze %dma_wait3A_47 : memref<1x4096xi32, #tpu.memory_space<hbm>> -> memref<4096xi32, #tpu.memory_space<hbm>>
    tpu.wait_dma2 semaphore(%arg23 : memref<!tpu.dma_semaphore, #tpu.memory_space<semaphore_mem>>) src(%dma_wait3A_48 : memref<4096xi32, #tpu.memory_space<hbm>>) dst(%dma_wait3A_45 : memref<4096xi32, #tpu.memory_space<vmem>>)
    return
  }
}

module attributes {stable_mosaic.version = 14 : i64} {
  func.func @_route_body(%arg0: i32, %arg1: memref<1x4096x64xf32, #tpu.memory_space<vmem>>, %arg2: memref<1x4096x64xf32, #tpu.memory_space<vmem>>, %arg3: memref<1x32x64xf32, #tpu.memory_space<vmem>>, %arg4: memref<1x32x4096xi32, #tpu.memory_space<vmem>>, %arg5: memref<1x32x4096xi32, #tpu.memory_space<vmem>>, %arg6: memref<1x4096x1xf32, #tpu.memory_space<vmem>>, %arg7: memref<1x1x128xf32, #tpu.memory_space<vmem>>) attributes {dimension_semantics = [#tpu.dimension_semantics<arbitrary>], iteration_bounds = array<i64: 32>, scalar_prefetch = 0 : i64, scratch_operands = 0 : i64, tpu.core_type = #tpu.core_type<tc>, window_params = [{transform_indices = @transform_0, window_bounds = array<i64: 1, 4096, 64>}, {transform_indices = @transform_1, window_bounds = array<i64: 1, 4096, 64>}, {transform_indices = @transform_2, window_bounds = array<i64: 1, 32, 64>}, {transform_indices = @transform_3, window_bounds = array<i64: 1, 32, 4096>}, {transform_indices = @transform_4, window_bounds = array<i64: 1, 32, 4096>}, {transform_indices = @transform_5, window_bounds = array<i64: 1, 4096, 1>}, {transform_indices = @transform_6, window_bounds = array<i64: 1, 1, 128>}]} {
    %get3A = arith.constant 0 : index
    %get3A_0 = arith.constant 0 : index
    %get3A_1 = arith.constant 0 : index
    %get3A_2 = vector.load %arg3[%get3A, %get3A_0, %get3A_1] : memref<1x32x64xf32, #tpu.memory_space<vmem>>, vector<1x32x64xf32>
    %get3A_3 = vector.shape_cast %get3A_2 : vector<1x32x64xf32> to vector<32x64xf32>
    %mul3A = arith.mulf %get3A_3, %get3A_3 : vector<32x64xf32>
    %reduce_sum3A = arith.constant dense<0.000000e+00> : vector<32xf32>
    %reduce_sum3A_4 = vector.multi_reduction <add>, %mul3A, %reduce_sum3A [1] : vector<32x64xf32> to vector<32xf32>
    %get3A_5 = arith.constant 0 : index
    %get3A_6 = arith.constant 0 : index
    %get3A_7 = arith.constant 0 : index
    %get3A_8 = vector.load %arg1[%get3A_5, %get3A_6, %get3A_7] : memref<1x4096x64xf32, #tpu.memory_space<vmem>>, vector<1x4096x64xf32>
    %get3A_9 = vector.shape_cast %get3A_8 : vector<1x4096x64xf32> to vector<4096x64xf32>
    %mul3A_10 = arith.mulf %get3A_9, %get3A_9 : vector<4096x64xf32>
    %reduce_sum3A_11 = arith.constant dense<0.000000e+00> : vector<4096xf32>
    %reduce_sum3A_12 = vector.multi_reduction <add>, %mul3A_10, %reduce_sum3A_11 [1] : vector<4096x64xf32> to vector<4096xf32>
    %broadcast_in_dim3A = vector.shape_cast %reduce_sum3A_12 : vector<4096xf32> to vector<4096x1xf32>
    %sqrt3A = math.sqrt %broadcast_in_dim3A : vector<4096x1xf32>
    %max3A = arith.constant 9.99999996E-13 : f32
    %max3A_13 = vector.broadcast %max3A : f32 to vector<4096x1xf32>
    %max3A_14 = arith.maximumf %sqrt3A, %max3A_13 : vector<4096x1xf32>
    %div3A = vector.broadcast %max3A_14 : vector<4096x1xf32> to vector<4096x64xf32>
    %div3A_15 = arith.divf %get3A_9, %div3A : vector<4096x64xf32>
    %dot_general3A = arith.constant dense<0.000000e+00> : vector<32x4096xf32>
    %dot_general3A_16 = tpu.matmul %get3A_3, %div3A_15, %dot_general3A {dimension_numbers = #tpu.dot_dimension_numbers<[1], [1], [0], [0], [0, 0, 1, 0], [], []>, transpose_lhs_hint = false} : vector<32x64xf32>, vector<4096x64xf32>, vector<32x4096xf32> -> vector<32x4096xf32>
    %reduce_max3A = arith.constant dense<0xFF800000> : vector<4096xf32>
    %reduce_max3A_17 = vector.multi_reduction <maximumf>, %dot_general3A_16, %reduce_max3A [0] : vector<32x4096xf32> to vector<4096xf32>
    %iota3A = tpu.iota {dimensions = array<i32: 0>} : vector<32x4096xi32>
    %broadcast_in_dim3A_18 = vector.shape_cast %reduce_max3A_17 : vector<4096xf32> to vector<1x4096xf32>
    %eq3A = vector.broadcast %broadcast_in_dim3A_18 : vector<1x4096xf32> to vector<32x4096xf32>
    %eq3A_19 = arith.cmpf oeq, %dot_general3A_16, %eq3A : vector<32x4096xf32>
    %jit3A = arith.constant 32 : i32
    %broadcast_in_dim3A_20 = vector.broadcast %jit3A : i32 to vector<32x4096xi32>
    %select_n3A = arith.select %eq3A_19, %iota3A, %broadcast_in_dim3A_20 : vector<32x4096xi1>, vector<32x4096xi32>
    %reduce_min3A = arith.constant dense<2147483647> : vector<4096xi32>
    %reduce_min3A_21 = vector.multi_reduction <minsi>, %select_n3A, %reduce_min3A [0] : vector<32x4096xi32> to vector<4096xi32>
    %broadcast_in_dim3A_22 = vector.shape_cast %reduce_min3A_21 : vector<4096xi32> to vector<1x4096xi32>
    %eq3A_23 = vector.broadcast %broadcast_in_dim3A_22 : vector<1x4096xi32> to vector<32x4096xi32>
    %eq3A_24 = arith.cmpi eq, %iota3A, %eq3A_23 : vector<32x4096xi32>
    %broadcast_in_dim3A_25 = vector.shape_cast %reduce_sum3A_4 : vector<32xf32> to vector<32x1xf32>
    %jit3A_26 = arith.constant 0.000000e+00 : f32
    %broadcast_in_dim3A_27 = vector.shape_cast %broadcast_in_dim3A_25 : vector<32x1xf32> to vector<32x1xf32>
    %broadcast_in_dim3A_28 = vector.broadcast %broadcast_in_dim3A_27 : vector<32x1xf32> to vector<32x4096xf32>
    %broadcast_in_dim3A_29 = vector.broadcast %jit3A_26 : f32 to vector<32x4096xf32>
    %select_n3A_30 = arith.select %eq3A_24, %broadcast_in_dim3A_28, %broadcast_in_dim3A_29 : vector<32x4096xi1>, vector<32x4096xf32>
    %reduce_sum3A_31 = arith.constant dense<0.000000e+00> : vector<4096xf32>
    %reduce_sum3A_32 = vector.multi_reduction <add>, %select_n3A_30, %reduce_sum3A_31 [0] : vector<32x4096xf32> to vector<4096xf32>
    %mul3A_33 = arith.mulf %div3A_15, %div3A_15 : vector<4096x64xf32>
    %reduce_sum3A_34 = arith.constant dense<0.000000e+00> : vector<4096xf32>
    %reduce_sum3A_35 = vector.multi_reduction <add>, %mul3A_33, %reduce_sum3A_34 [1] : vector<4096x64xf32> to vector<4096xf32>
    %reduce_sum3A_36 = vector.shape_cast %reduce_sum3A_35 : vector<4096xf32> to vector<1x4096xf32>
    %reduce_sum3A_37 = arith.constant dense<0.000000e+00> : vector<1xf32>
    %reduce_sum3A_38 = vector.multi_reduction <add>, %reduce_sum3A_36, %reduce_sum3A_37 [1] : vector<1x4096xf32> to vector<1xf32>
    %reduce_sum3A_39 = vector.shape_cast %reduce_sum3A_38 : vector<1xf32> to vector<1x1xf32>
    %reduce_sum3A_40 = vector.extract %reduce_sum3A_39[0, 0] : f32 from vector<1x1xf32>
    %add3A = arith.constant 0.000000e+00 : f32
    %add3A_41 = arith.addf %add3A, %reduce_sum3A_40 : f32
    %reduce_sum3A_42 = vector.shape_cast %reduce_max3A_17 : vector<4096xf32> to vector<1x4096xf32>
    %reduce_sum3A_43 = arith.constant dense<0.000000e+00> : vector<1xf32>
    %reduce_sum3A_44 = vector.multi_reduction <add>, %reduce_sum3A_42, %reduce_sum3A_43 [1] : vector<1x4096xf32> to vector<1xf32>
    %reduce_sum3A_45 = vector.shape_cast %reduce_sum3A_44 : vector<1xf32> to vector<1x1xf32>
    %reduce_sum3A_46 = vector.extract %reduce_sum3A_45[0, 0] : f32 from vector<1x1xf32>
    %mul3A_47 = arith.constant 2.000000e+00 : f32
    %mul3A_48 = arith.mulf %mul3A_47, %reduce_sum3A_46 : f32
    %sub3A = arith.subf %add3A_41, %mul3A_48 : f32
    %reduce_sum3A_49 = vector.shape_cast %reduce_sum3A_32 : vector<4096xf32> to vector<1x4096xf32>
    %reduce_sum3A_50 = arith.constant dense<0.000000e+00> : vector<1xf32>
    %reduce_sum3A_51 = vector.multi_reduction <add>, %reduce_sum3A_49, %reduce_sum3A_50 [1] : vector<1x4096xf32> to vector<1xf32>
    %reduce_sum3A_52 = vector.shape_cast %reduce_sum3A_51 : vector<1xf32> to vector<1x1xf32>
    %reduce_sum3A_53 = vector.extract %reduce_sum3A_52[0, 0] : f32 from vector<1x1xf32>
    %add3A_54 = arith.addf %sub3A, %reduce_sum3A_53 : f32
    %bitcast_convert_type3A = tpu.bitcast %dot_general3A_16 : vector<32x4096xf32> -> vector<32x4096xi32>
    %ge3A = arith.constant -2147483648 : i32
    %ge3A_55 = vector.broadcast %ge3A : i32 to vector<32x4096xi32>
    %ge3A_56 = arith.cmpi uge, %bitcast_convert_type3A, %ge3A_55 : vector<32x4096xi32>
    %not3A = arith.constant dense<-1> : vector<32x4096xi32>
    %not3A_57 = arith.xori %bitcast_convert_type3A, %not3A : vector<32x4096xi32>
    %or3A = arith.constant -2147483648 : i32
    %or3A_58 = vector.broadcast %or3A : i32 to vector<32x4096xi32>
    %or3A_59 = arith.ori %bitcast_convert_type3A, %or3A_58 : vector<32x4096xi32>
    %select_n3A_60 = arith.select %ge3A_56, %not3A_57, %or3A_59 : vector<32x4096xi1>, vector<32x4096xi32>
    %broadcast_in_dim3A_61 = arith.constant 0 : i32
    %broadcast_in_dim3A_62 = vector.broadcast %broadcast_in_dim3A_61 : i32 to vector<32x1xi32>
    %or3A_63 = arith.constant -2147483648 : i32
    %or3A_64 = vector.broadcast %or3A_63 : i32 to vector<32x1xi32>
    %or3A_65 = arith.ori %broadcast_in_dim3A_62, %or3A_64 : vector<32x1xi32>
    %ge3A_66 = vector.broadcast %or3A_65 : vector<32x1xi32> to vector<32x4096xi32>
    %ge3A_67 = arith.cmpi uge, %select_n3A_60, %ge3A_66 : vector<32x4096xi32>
    %convert_element_type3A = arith.extui %ge3A_67 : vector<32x4096xi1> to vector<32x4096xi32>
    %convert_element_type3A_68 = arith.sitofp %convert_element_type3A : vector<32x4096xi32> to vector<32x4096xf32>
    %reduce_sum3A_69 = arith.constant dense<0.000000e+00> : vector<32xf32>
    %reduce_sum3A_70 = vector.multi_reduction <add>, %convert_element_type3A_68, %reduce_sum3A_69 [1] : vector<32x4096xf32> to vector<32xf32>
    %broadcast_in_dim3A_71 = vector.shape_cast %reduce_sum3A_70 : vector<32xf32> to vector<32x1xf32>
    %ge3A_72 = arith.constant 1.280000e+02 : f32
    %ge3A_73 = vector.broadcast %ge3A_72 : f32 to vector<32x1xf32>
    %ge3A_74 = arith.cmpf oge, %broadcast_in_dim3A_71, %ge3A_73 : vector<32x1xf32>
    %select_n3A_75 = arith.select %ge3A_74, %or3A_65, %broadcast_in_dim3A_62 : vector<32x1xi1>, vector<32x1xi32>
    %or3A_76 = arith.constant 1073741824 : i32
    %or3A_77 = vector.broadcast %or3A_76 : i32 to vector<32x1xi32>
    %or3A_78 = arith.ori %select_n3A_75, %or3A_77 : vector<32x1xi32>
    %ge3A_79 = vector.broadcast %or3A_78 : vector<32x1xi32> to vector<32x4096xi32>
    %ge3A_80 = arith.cmpi uge, %select_n3A_60, %ge3A_79 : vector<32x4096xi32>
    %convert_element_type3A_81 = arith.extui %ge3A_80 : vector<32x4096xi1> to vector<32x4096xi32>
    %convert_element_type3A_82 = arith.sitofp %convert_element_type3A_81 : vector<32x4096xi32> to vector<32x4096xf32>
    %reduce_sum3A_83 = arith.constant dense<0.000000e+00> : vector<32xf32>
    %reduce_sum3A_84 = vector.multi_reduction <add>, %convert_element_type3A_82, %reduce_sum3A_83 [1] : vector<32x4096xf32> to vector<32xf32>
    %broadcast_in_dim3A_85 = vector.shape_cast %reduce_sum3A_84 : vector<32xf32> to vector<32x1xf32>
    %ge3A_86 = arith.constant 1.280000e+02 : f32
    %ge3A_87 = vector.broadcast %ge3A_86 : f32 to vector<32x1xf32>
    %ge3A_88 = arith.cmpf oge, %broadcast_in_dim3A_85, %ge3A_87 : vector<32x1xf32>
    %select_n3A_89 = arith.select %ge3A_88, %or3A_78, %select_n3A_75 : vector<32x1xi1>, vector<32x1xi32>
    %or3A_90 = arith.constant 536870912 : i32
    %or3A_91 = vector.broadcast %or3A_90 : i32 to vector<32x1xi32>
    %or3A_92 = arith.ori %select_n3A_89, %or3A_91 : vector<32x1xi32>
    %ge3A_93 = vector.broadcast %or3A_92 : vector<32x1xi32> to vector<32x4096xi32>
    %ge3A_94 = arith.cmpi uge, %select_n3A_60, %ge3A_93 : vector<32x4096xi32>
    %convert_element_type3A_95 = arith.extui %ge3A_94 : vector<32x4096xi1> to vector<32x4096xi32>
    %convert_element_type3A_96 = arith.sitofp %convert_element_type3A_95 : vector<32x4096xi32> to vector<32x4096xf32>
    %reduce_sum3A_97 = arith.constant dense<0.000000e+00> : vector<32xf32>
    %reduce_sum3A_98 = vector.multi_reduction <add>, %convert_element_type3A_96, %reduce_sum3A_97 [1] : vector<32x4096xf32> to vector<32xf32>
    %broadcast_in_dim3A_99 = vector.shape_cast %reduce_sum3A_98 : vector<32xf32> to vector<32x1xf32>
    %ge3A_100 = arith.constant 1.280000e+02 : f32
    %ge3A_101 = vector.broadcast %ge3A_100 : f32 to vector<32x1xf32>
    %ge3A_102 = arith.cmpf oge, %broadcast_in_dim3A_99, %ge3A_101 : vector<32x1xf32>
    %select_n3A_103 = arith.select %ge3A_102, %or3A_92, %select_n3A_89 : vector<32x1xi1>, vector<32x1xi32>
    %or3A_104 = arith.constant 268435456 : i32
    %or3A_105 = vector.broadcast %or3A_104 : i32 to vector<32x1xi32>
    %or3A_106 = arith.ori %select_n3A_103, %or3A_105 : vector<32x1xi32>
    %ge3A_107 = vector.broadcast %or3A_106 : vector<32x1xi32> to vector<32x4096xi32>
    %ge3A_108 = arith.cmpi uge, %select_n3A_60, %ge3A_107 : vector<32x4096xi32>
    %convert_element_type3A_109 = arith.extui %ge3A_108 : vector<32x4096xi1> to vector<32x4096xi32>
    %convert_element_type3A_110 = arith.sitofp %convert_element_type3A_109 : vector<32x4096xi32> to vector<32x4096xf32>
    %reduce_sum3A_111 = arith.constant dense<0.000000e+00> : vector<32xf32>
    %reduce_sum3A_112 = vector.multi_reduction <add>, %convert_element_type3A_110, %reduce_sum3A_111 [1] : vector<32x4096xf32> to vector<32xf32>
    %broadcast_in_dim3A_113 = vector.shape_cast %reduce_sum3A_112 : vector<32xf32> to vector<32x1xf32>
    %ge3A_114 = arith.constant 1.280000e+02 : f32
    %ge3A_115 = vector.broadcast %ge3A_114 : f32 to vector<32x1xf32>
    %ge3A_116 = arith.cmpf oge, %broadcast_in_dim3A_113, %ge3A_115 : vector<32x1xf32>
    %select_n3A_117 = arith.select %ge3A_116, %or3A_106, %select_n3A_103 : vector<32x1xi1>, vector<32x1xi32>
    %or3A_118 = arith.constant 134217728 : i32
    %or3A_119 = vector.broadcast %or3A_118 : i32 to vector<32x1xi32>
    %or3A_120 = arith.ori %select_n3A_117, %or3A_119 : vector<32x1xi32>
    %ge3A_121 = vector.broadcast %or3A_120 : vector<32x1xi32> to vector<32x4096xi32>
    %ge3A_122 = arith.cmpi uge, %select_n3A_60, %ge3A_121 : vector<32x4096xi32>
    %convert_element_type3A_123 = arith.extui %ge3A_122 : vector<32x4096xi1> to vector<32x4096xi32>
    %convert_element_type3A_124 = arith.sitofp %convert_element_type3A_123 : vector<32x4096xi32> to vector<32x4096xf32>
    %reduce_sum3A_125 = arith.constant dense<0.000000e+00> : vector<32xf32>
    %reduce_sum3A_126 = vector.multi_reduction <add>, %convert_element_type3A_124, %reduce_sum3A_125 [1] : vector<32x4096xf32> to vector<32xf32>
    %broadcast_in_dim3A_127 = vector.shape_cast %reduce_sum3A_126 : vector<32xf32> to vector<32x1xf32>
    %ge3A_128 = arith.constant 1.280000e+02 : f32
    %ge3A_129 = vector.broadcast %ge3A_128 : f32 to vector<32x1xf32>
    %ge3A_130 = arith.cmpf oge, %broadcast_in_dim3A_127, %ge3A_129 : vector<32x1xf32>
    %select_n3A_131 = arith.select %ge3A_130, %or3A_120, %select_n3A_117 : vector<32x1xi1>, vector<32x1xi32>
    %or3A_132 = arith.constant 67108864 : i32
    %or3A_133 = vector.broadcast %or3A_132 : i32 to vector<32x1xi32>
    %or3A_134 = arith.ori %select_n3A_131, %or3A_133 : vector<32x1xi32>
    %ge3A_135 = vector.broadcast %or3A_134 : vector<32x1xi32> to vector<32x4096xi32>
    %ge3A_136 = arith.cmpi uge, %select_n3A_60, %ge3A_135 : vector<32x4096xi32>
    %convert_element_type3A_137 = arith.extui %ge3A_136 : vector<32x4096xi1> to vector<32x4096xi32>
    %convert_element_type3A_138 = arith.sitofp %convert_element_type3A_137 : vector<32x4096xi32> to vector<32x4096xf32>
    %reduce_sum3A_139 = arith.constant dense<0.000000e+00> : vector<32xf32>
    %reduce_sum3A_140 = vector.multi_reduction <add>, %convert_element_type3A_138, %reduce_sum3A_139 [1] : vector<32x4096xf32> to vector<32xf32>
    %broadcast_in_dim3A_141 = vector.shape_cast %reduce_sum3A_140 : vector<32xf32> to vector<32x1xf32>
    %ge3A_142 = arith.constant 1.280000e+02 : f32
    %ge3A_143 = vector.broadcast %ge3A_142 : f32 to vector<32x1xf32>
    %ge3A_144 = arith.cmpf oge, %broadcast_in_dim3A_141, %ge3A_143 : vector<32x1xf32>
    %select_n3A_145 = arith.select %ge3A_144, %or3A_134, %select_n3A_131 : vector<32x1xi1>, vector<32x1xi32>
    %or3A_146 = arith.constant 33554432 : i32
    %or3A_147 = vector.broadcast %or3A_146 : i32 to vector<32x1xi32>
    %or3A_148 = arith.ori %select_n3A_145, %or3A_147 : vector<32x1xi32>
    %ge3A_149 = vector.broadcast %or3A_148 : vector<32x1xi32> to vector<32x4096xi32>
    %ge3A_150 = arith.cmpi uge, %select_n3A_60, %ge3A_149 : vector<32x4096xi32>
    %convert_element_type3A_151 = arith.extui %ge3A_150 : vector<32x4096xi1> to vector<32x4096xi32>
    %convert_element_type3A_152 = arith.sitofp %convert_element_type3A_151 : vector<32x4096xi32> to vector<32x4096xf32>
    %reduce_sum3A_153 = arith.constant dense<0.000000e+00> : vector<32xf32>
    %reduce_sum3A_154 = vector.multi_reduction <add>, %convert_element_type3A_152, %reduce_sum3A_153 [1] : vector<32x4096xf32> to vector<32xf32>
    %broadcast_in_dim3A_155 = vector.shape_cast %reduce_sum3A_154 : vector<32xf32> to vector<32x1xf32>
    %ge3A_156 = arith.constant 1.280000e+02 : f32
    %ge3A_157 = vector.broadcast %ge3A_156 : f32 to vector<32x1xf32>
    %ge3A_158 = arith.cmpf oge, %broadcast_in_dim3A_155, %ge3A_157 : vector<32x1xf32>
    %select_n3A_159 = arith.select %ge3A_158, %or3A_148, %select_n3A_145 : vector<32x1xi1>, vector<32x1xi32>
    %or3A_160 = arith.constant 16777216 : i32
    %or3A_161 = vector.broadcast %or3A_160 : i32 to vector<32x1xi32>
    %or3A_162 = arith.ori %select_n3A_159, %or3A_161 : vector<32x1xi32>
    %ge3A_163 = vector.broadcast %or3A_162 : vector<32x1xi32> to vector<32x4096xi32>
    %ge3A_164 = arith.cmpi uge, %select_n3A_60, %ge3A_163 : vector<32x4096xi32>
    %convert_element_type3A_165 = arith.extui %ge3A_164 : vector<32x4096xi1> to vector<32x4096xi32>
    %convert_element_type3A_166 = arith.sitofp %convert_element_type3A_165 : vector<32x4096xi32> to vector<32x4096xf32>
    %reduce_sum3A_167 = arith.constant dense<0.000000e+00> : vector<32xf32>
    %reduce_sum3A_168 = vector.multi_reduction <add>, %convert_element_type3A_166, %reduce_sum3A_167 [1] : vector<32x4096xf32> to vector<32xf32>
    %broadcast_in_dim3A_169 = vector.shape_cast %reduce_sum3A_168 : vector<32xf32> to vector<32x1xf32>
    %ge3A_170 = arith.constant 1.280000e+02 : f32
    %ge3A_171 = vector.broadcast %ge3A_170 : f32 to vector<32x1xf32>
    %ge3A_172 = arith.cmpf oge, %broadcast_in_dim3A_169, %ge3A_171 : vector<32x1xf32>
    %select_n3A_173 = arith.select %ge3A_172, %or3A_162, %select_n3A_159 : vector<32x1xi1>, vector<32x1xi32>
    %or3A_174 = arith.constant 8388608 : i32
    %or3A_175 = vector.broadcast %or3A_174 : i32 to vector<32x1xi32>
    %or3A_176 = arith.ori %select_n3A_173, %or3A_175 : vector<32x1xi32>
    %ge3A_177 = vector.broadcast %or3A_176 : vector<32x1xi32> to vector<32x4096xi32>
    %ge3A_178 = arith.cmpi uge, %select_n3A_60, %ge3A_177 : vector<32x4096xi32>
    %convert_element_type3A_179 = arith.extui %ge3A_178 : vector<32x4096xi1> to vector<32x4096xi32>
    %convert_element_type3A_180 = arith.sitofp %convert_element_type3A_179 : vector<32x4096xi32> to vector<32x4096xf32>
    %reduce_sum3A_181 = arith.constant dense<0.000000e+00> : vector<32xf32>
    %reduce_sum3A_182 = vector.multi_reduction <add>, %convert_element_type3A_180, %reduce_sum3A_181 [1] : vector<32x4096xf32> to vector<32xf32>
    %broadcast_in_dim3A_183 = vector.shape_cast %reduce_sum3A_182 : vector<32xf32> to vector<32x1xf32>
    %ge3A_184 = arith.constant 1.280000e+02 : f32
    %ge3A_185 = vector.broadcast %ge3A_184 : f32 to vector<32x1xf32>
    %ge3A_186 = arith.cmpf oge, %broadcast_in_dim3A_183, %ge3A_185 : vector<32x1xf32>
    %select_n3A_187 = arith.select %ge3A_186, %or3A_176, %select_n3A_173 : vector<32x1xi1>, vector<32x1xi32>
    %or3A_188 = arith.constant 4194304 : i32
    %or3A_189 = vector.broadcast %or3A_188 : i32 to vector<32x1xi32>
    %or3A_190 = arith.ori %select_n3A_187, %or3A_189 : vector<32x1xi32>
    %ge3A_191 = vector.broadcast %or3A_190 : vector<32x1xi32> to vector<32x4096xi32>
    %ge3A_192 = arith.cmpi uge, %select_n3A_60, %ge3A_191 : vector<32x4096xi32>
    %convert_element_type3A_193 = arith.extui %ge3A_192 : vector<32x4096xi1> to vector<32x4096xi32>
    %convert_element_type3A_194 = arith.sitofp %convert_element_type3A_193 : vector<32x4096xi32> to vector<32x4096xf32>
    %reduce_sum3A_195 = arith.constant dense<0.000000e+00> : vector<32xf32>
    %reduce_sum3A_196 = vector.multi_reduction <add>, %convert_element_type3A_194, %reduce_sum3A_195 [1] : vector<32x4096xf32> to vector<32xf32>
    %broadcast_in_dim3A_197 = vector.shape_cast %reduce_sum3A_196 : vector<32xf32> to vector<32x1xf32>
    %ge3A_198 = arith.constant 1.280000e+02 : f32
    %ge3A_199 = vector.broadcast %ge3A_198 : f32 to vector<32x1xf32>
    %ge3A_200 = arith.cmpf oge, %broadcast_in_dim3A_197, %ge3A_199 : vector<32x1xf32>
    %select_n3A_201 = arith.select %ge3A_200, %or3A_190, %select_n3A_187 : vector<32x1xi1>, vector<32x1xi32>
    %or3A_202 = arith.constant 2097152 : i32
    %or3A_203 = vector.broadcast %or3A_202 : i32 to vector<32x1xi32>
    %or3A_204 = arith.ori %select_n3A_201, %or3A_203 : vector<32x1xi32>
    %ge3A_205 = vector.broadcast %or3A_204 : vector<32x1xi32> to vector<32x4096xi32>
    %ge3A_206 = arith.cmpi uge, %select_n3A_60, %ge3A_205 : vector<32x4096xi32>
    %convert_element_type3A_207 = arith.extui %ge3A_206 : vector<32x4096xi1> to vector<32x4096xi32>
    %convert_element_type3A_208 = arith.sitofp %convert_element_type3A_207 : vector<32x4096xi32> to vector<32x4096xf32>
    %reduce_sum3A_209 = arith.constant dense<0.000000e+00> : vector<32xf32>
    %reduce_sum3A_210 = vector.multi_reduction <add>, %convert_element_type3A_208, %reduce_sum3A_209 [1] : vector<32x4096xf32> to vector<32xf32>
    %broadcast_in_dim3A_211 = vector.shape_cast %reduce_sum3A_210 : vector<32xf32> to vector<32x1xf32>
    %ge3A_212 = arith.constant 1.280000e+02 : f32
    %ge3A_213 = vector.broadcast %ge3A_212 : f32 to vector<32x1xf32>
    %ge3A_214 = arith.cmpf oge, %broadcast_in_dim3A_211, %ge3A_213 : vector<32x1xf32>
    %select_n3A_215 = arith.select %ge3A_214, %or3A_204, %select_n3A_201 : vector<32x1xi1>, vector<32x1xi32>
    %or3A_216 = arith.constant 1048576 : i32
    %or3A_217 = vector.broadcast %or3A_216 : i32 to vector<32x1xi32>
    %or3A_218 = arith.ori %select_n3A_215, %or3A_217 : vector<32x1xi32>
    %ge3A_219 = vector.broadcast %or3A_218 : vector<32x1xi32> to vector<32x4096xi32>
    %ge3A_220 = arith.cmpi uge, %select_n3A_60, %ge3A_219 : vector<32x4096xi32>
    %convert_element_type3A_221 = arith.extui %ge3A_220 : vector<32x4096xi1> to vector<32x4096xi32>
    %convert_element_type3A_222 = arith.sitofp %convert_element_type3A_221 : vector<32x4096xi32> to vector<32x4096xf32>
    %reduce_sum3A_223 = arith.constant dense<0.000000e+00> : vector<32xf32>
    %reduce_sum3A_224 = vector.multi_reduction <add>, %convert_element_type3A_222, %reduce_sum3A_223 [1] : vector<32x4096xf32> to vector<32xf32>
    %broadcast_in_dim3A_225 = vector.shape_cast %reduce_sum3A_224 : vector<32xf32> to vector<32x1xf32>
    %ge3A_226 = arith.constant 1.280000e+02 : f32
    %ge3A_227 = vector.broadcast %ge3A_226 : f32 to vector<32x1xf32>
    %ge3A_228 = arith.cmpf oge, %broadcast_in_dim3A_225, %ge3A_227 : vector<32x1xf32>
    %select_n3A_229 = arith.select %ge3A_228, %or3A_218, %select_n3A_215 : vector<32x1xi1>, vector<32x1xi32>
    %or3A_230 = arith.constant 524288 : i32
    %or3A_231 = vector.broadcast %or3A_230 : i32 to vector<32x1xi32>
    %or3A_232 = arith.ori %select_n3A_229, %or3A_231 : vector<32x1xi32>
    %ge3A_233 = vector.broadcast %or3A_232 : vector<32x1xi32> to vector<32x4096xi32>
    %ge3A_234 = arith.cmpi uge, %select_n3A_60, %ge3A_233 : vector<32x4096xi32>
    %convert_element_type3A_235 = arith.extui %ge3A_234 : vector<32x4096xi1> to vector<32x4096xi32>
    %convert_element_type3A_236 = arith.sitofp %convert_element_type3A_235 : vector<32x4096xi32> to vector<32x4096xf32>
    %reduce_sum3A_237 = arith.constant dense<0.000000e+00> : vector<32xf32>
    %reduce_sum3A_238 = vector.multi_reduction <add>, %convert_element_type3A_236, %reduce_sum3A_237 [1] : vector<32x4096xf32> to vector<32xf32>
    %broadcast_in_dim3A_239 = vector.shape_cast %reduce_sum3A_238 : vector<32xf32> to vector<32x1xf32>
    %ge3A_240 = arith.constant 1.280000e+02 : f32
    %ge3A_241 = vector.broadcast %ge3A_240 : f32 to vector<32x1xf32>
    %ge3A_242 = arith.cmpf oge, %broadcast_in_dim3A_239, %ge3A_241 : vector<32x1xf32>
    %select_n3A_243 = arith.select %ge3A_242, %or3A_232, %select_n3A_229 : vector<32x1xi1>, vector<32x1xi32>
    %or3A_244 = arith.constant 262144 : i32
    %or3A_245 = vector.broadcast %or3A_244 : i32 to vector<32x1xi32>
    %or3A_246 = arith.ori %select_n3A_243, %or3A_245 : vector<32x1xi32>
    %ge3A_247 = vector.broadcast %or3A_246 : vector<32x1xi32> to vector<32x4096xi32>
    %ge3A_248 = arith.cmpi uge, %select_n3A_60, %ge3A_247 : vector<32x4096xi32>
    %convert_element_type3A_249 = arith.extui %ge3A_248 : vector<32x4096xi1> to vector<32x4096xi32>
    %convert_element_type3A_250 = arith.sitofp %convert_element_type3A_249 : vector<32x4096xi32> to vector<32x4096xf32>
    %reduce_sum3A_251 = arith.constant dense<0.000000e+00> : vector<32xf32>
    %reduce_sum3A_252 = vector.multi_reduction <add>, %convert_element_type3A_250, %reduce_sum3A_251 [1] : vector<32x4096xf32> to vector<32xf32>
    %broadcast_in_dim3A_253 = vector.shape_cast %reduce_sum3A_252 : vector<32xf32> to vector<32x1xf32>
    %ge3A_254 = arith.constant 1.280000e+02 : f32
    %ge3A_255 = vector.broadcast %ge3A_254 : f32 to vector<32x1xf32>
    %ge3A_256 = arith.cmpf oge, %broadcast_in_dim3A_253, %ge3A_255 : vector<32x1xf32>
    %select_n3A_257 = arith.select %ge3A_256, %or3A_246, %select_n3A_243 : vector<32x1xi1>, vector<32x1xi32>
    %or3A_258 = arith.constant 131072 : i32
    %or3A_259 = vector.broadcast %or3A_258 : i32 to vector<32x1xi32>
    %or3A_260 = arith.ori %select_n3A_257, %or3A_259 : vector<32x1xi32>
    %ge3A_261 = vector.broadcast %or3A_260 : vector<32x1xi32> to vector<32x4096xi32>
    %ge3A_262 = arith.cmpi uge, %select_n3A_60, %ge3A_261 : vector<32x4096xi32>
    %convert_element_type3A_263 = arith.extui %ge3A_262 : vector<32x4096xi1> to vector<32x4096xi32>
    %convert_element_type3A_264 = arith.sitofp %convert_element_type3A_263 : vector<32x4096xi32> to vector<32x4096xf32>
    %reduce_sum3A_265 = arith.constant dense<0.000000e+00> : vector<32xf32>
    %reduce_sum3A_266 = vector.multi_reduction <add>, %convert_element_type3A_264, %reduce_sum3A_265 [1] : vector<32x4096xf32> to vector<32xf32>
    %broadcast_in_dim3A_267 = vector.shape_cast %reduce_sum3A_266 : vector<32xf32> to vector<32x1xf32>
    %ge3A_268 = arith.constant 1.280000e+02 : f32
    %ge3A_269 = vector.broadcast %ge3A_268 : f32 to vector<32x1xf32>
    %ge3A_270 = arith.cmpf oge, %broadcast_in_dim3A_267, %ge3A_269 : vector<32x1xf32>
    %select_n3A_271 = arith.select %ge3A_270, %or3A_260, %select_n3A_257 : vector<32x1xi1>, vector<32x1xi32>
    %or3A_272 = arith.constant 65536 : i32
    %or3A_273 = vector.broadcast %or3A_272 : i32 to vector<32x1xi32>
    %or3A_274 = arith.ori %select_n3A_271, %or3A_273 : vector<32x1xi32>
    %ge3A_275 = vector.broadcast %or3A_274 : vector<32x1xi32> to vector<32x4096xi32>
    %ge3A_276 = arith.cmpi uge, %select_n3A_60, %ge3A_275 : vector<32x4096xi32>
    %convert_element_type3A_277 = arith.extui %ge3A_276 : vector<32x4096xi1> to vector<32x4096xi32>
    %convert_element_type3A_278 = arith.sitofp %convert_element_type3A_277 : vector<32x4096xi32> to vector<32x4096xf32>
    %reduce_sum3A_279 = arith.constant dense<0.000000e+00> : vector<32xf32>
    %reduce_sum3A_280 = vector.multi_reduction <add>, %convert_element_type3A_278, %reduce_sum3A_279 [1] : vector<32x4096xf32> to vector<32xf32>
    %broadcast_in_dim3A_281 = vector.shape_cast %reduce_sum3A_280 : vector<32xf32> to vector<32x1xf32>
    %ge3A_282 = arith.constant 1.280000e+02 : f32
    %ge3A_283 = vector.broadcast %ge3A_282 : f32 to vector<32x1xf32>
    %ge3A_284 = arith.cmpf oge, %broadcast_in_dim3A_281, %ge3A_283 : vector<32x1xf32>
    %select_n3A_285 = arith.select %ge3A_284, %or3A_274, %select_n3A_271 : vector<32x1xi1>, vector<32x1xi32>
    %or3A_286 = arith.constant 32768 : i32
    %or3A_287 = vector.broadcast %or3A_286 : i32 to vector<32x1xi32>
    %or3A_288 = arith.ori %select_n3A_285, %or3A_287 : vector<32x1xi32>
    %ge3A_289 = vector.broadcast %or3A_288 : vector<32x1xi32> to vector<32x4096xi32>
    %ge3A_290 = arith.cmpi uge, %select_n3A_60, %ge3A_289 : vector<32x4096xi32>
    %convert_element_type3A_291 = arith.extui %ge3A_290 : vector<32x4096xi1> to vector<32x4096xi32>
    %convert_element_type3A_292 = arith.sitofp %convert_element_type3A_291 : vector<32x4096xi32> to vector<32x4096xf32>
    %reduce_sum3A_293 = arith.constant dense<0.000000e+00> : vector<32xf32>
    %reduce_sum3A_294 = vector.multi_reduction <add>, %convert_element_type3A_292, %reduce_sum3A_293 [1] : vector<32x4096xf32> to vector<32xf32>
    %broadcast_in_dim3A_295 = vector.shape_cast %reduce_sum3A_294 : vector<32xf32> to vector<32x1xf32>
    %ge3A_296 = arith.constant 1.280000e+02 : f32
    %ge3A_297 = vector.broadcast %ge3A_296 : f32 to vector<32x1xf32>
    %ge3A_298 = arith.cmpf oge, %broadcast_in_dim3A_295, %ge3A_297 : vector<32x1xf32>
    %select_n3A_299 = arith.select %ge3A_298, %or3A_288, %select_n3A_285 : vector<32x1xi1>, vector<32x1xi32>
    %or3A_300 = arith.constant 16384 : i32
    %or3A_301 = vector.broadcast %or3A_300 : i32 to vector<32x1xi32>
    %or3A_302 = arith.ori %select_n3A_299, %or3A_301 : vector<32x1xi32>
    %ge3A_303 = vector.broadcast %or3A_302 : vector<32x1xi32> to vector<32x4096xi32>
    %ge3A_304 = arith.cmpi uge, %select_n3A_60, %ge3A_303 : vector<32x4096xi32>
    %convert_element_type3A_305 = arith.extui %ge3A_304 : vector<32x4096xi1> to vector<32x4096xi32>
    %convert_element_type3A_306 = arith.sitofp %convert_element_type3A_305 : vector<32x4096xi32> to vector<32x4096xf32>
    %reduce_sum3A_307 = arith.constant dense<0.000000e+00> : vector<32xf32>
    %reduce_sum3A_308 = vector.multi_reduction <add>, %convert_element_type3A_306, %reduce_sum3A_307 [1] : vector<32x4096xf32> to vector<32xf32>
    %broadcast_in_dim3A_309 = vector.shape_cast %reduce_sum3A_308 : vector<32xf32> to vector<32x1xf32>
    %ge3A_310 = arith.constant 1.280000e+02 : f32
    %ge3A_311 = vector.broadcast %ge3A_310 : f32 to vector<32x1xf32>
    %ge3A_312 = arith.cmpf oge, %broadcast_in_dim3A_309, %ge3A_311 : vector<32x1xf32>
    %select_n3A_313 = arith.select %ge3A_312, %or3A_302, %select_n3A_299 : vector<32x1xi1>, vector<32x1xi32>
    %or3A_314 = arith.constant 8192 : i32
    %or3A_315 = vector.broadcast %or3A_314 : i32 to vector<32x1xi32>
    %or3A_316 = arith.ori %select_n3A_313, %or3A_315 : vector<32x1xi32>
    %ge3A_317 = vector.broadcast %or3A_316 : vector<32x1xi32> to vector<32x4096xi32>
    %ge3A_318 = arith.cmpi uge, %select_n3A_60, %ge3A_317 : vector<32x4096xi32>
    %convert_element_type3A_319 = arith.extui %ge3A_318 : vector<32x4096xi1> to vector<32x4096xi32>
    %convert_element_type3A_320 = arith.sitofp %convert_element_type3A_319 : vector<32x4096xi32> to vector<32x4096xf32>
    %reduce_sum3A_321 = arith.constant dense<0.000000e+00> : vector<32xf32>
    %reduce_sum3A_322 = vector.multi_reduction <add>, %convert_element_type3A_320, %reduce_sum3A_321 [1] : vector<32x4096xf32> to vector<32xf32>
    %broadcast_in_dim3A_323 = vector.shape_cast %reduce_sum3A_322 : vector<32xf32> to vector<32x1xf32>
    %ge3A_324 = arith.constant 1.280000e+02 : f32
    %ge3A_325 = vector.broadcast %ge3A_324 : f32 to vector<32x1xf32>
    %ge3A_326 = arith.cmpf oge, %broadcast_in_dim3A_323, %ge3A_325 : vector<32x1xf32>
    %select_n3A_327 = arith.select %ge3A_326, %or3A_316, %select_n3A_313 : vector<32x1xi1>, vector<32x1xi32>
    %or3A_328 = arith.constant 4096 : i32
    %or3A_329 = vector.broadcast %or3A_328 : i32 to vector<32x1xi32>
    %or3A_330 = arith.ori %select_n3A_327, %or3A_329 : vector<32x1xi32>
    %ge3A_331 = vector.broadcast %or3A_330 : vector<32x1xi32> to vector<32x4096xi32>
    %ge3A_332 = arith.cmpi uge, %select_n3A_60, %ge3A_331 : vector<32x4096xi32>
    %convert_element_type3A_333 = arith.extui %ge3A_332 : vector<32x4096xi1> to vector<32x4096xi32>
    %convert_element_type3A_334 = arith.sitofp %convert_element_type3A_333 : vector<32x4096xi32> to vector<32x4096xf32>
    %reduce_sum3A_335 = arith.constant dense<0.000000e+00> : vector<32xf32>
    %reduce_sum3A_336 = vector.multi_reduction <add>, %convert_element_type3A_334, %reduce_sum3A_335 [1] : vector<32x4096xf32> to vector<32xf32>
    %broadcast_in_dim3A_337 = vector.shape_cast %reduce_sum3A_336 : vector<32xf32> to vector<32x1xf32>
    %ge3A_338 = arith.constant 1.280000e+02 : f32
    %ge3A_339 = vector.broadcast %ge3A_338 : f32 to vector<32x1xf32>
    %ge3A_340 = arith.cmpf oge, %broadcast_in_dim3A_337, %ge3A_339 : vector<32x1xf32>
    %select_n3A_341 = arith.select %ge3A_340, %or3A_330, %select_n3A_327 : vector<32x1xi1>, vector<32x1xi32>
    %or3A_342 = arith.constant 2048 : i32
    %or3A_343 = vector.broadcast %or3A_342 : i32 to vector<32x1xi32>
    %or3A_344 = arith.ori %select_n3A_341, %or3A_343 : vector<32x1xi32>
    %ge3A_345 = vector.broadcast %or3A_344 : vector<32x1xi32> to vector<32x4096xi32>
    %ge3A_346 = arith.cmpi uge, %select_n3A_60, %ge3A_345 : vector<32x4096xi32>
    %convert_element_type3A_347 = arith.extui %ge3A_346 : vector<32x4096xi1> to vector<32x4096xi32>
    %convert_element_type3A_348 = arith.sitofp %convert_element_type3A_347 : vector<32x4096xi32> to vector<32x4096xf32>
    %reduce_sum3A_349 = arith.constant dense<0.000000e+00> : vector<32xf32>
    %reduce_sum3A_350 = vector.multi_reduction <add>, %convert_element_type3A_348, %reduce_sum3A_349 [1] : vector<32x4096xf32> to vector<32xf32>
    %broadcast_in_dim3A_351 = vector.shape_cast %reduce_sum3A_350 : vector<32xf32> to vector<32x1xf32>
    %ge3A_352 = arith.constant 1.280000e+02 : f32
    %ge3A_353 = vector.broadcast %ge3A_352 : f32 to vector<32x1xf32>
    %ge3A_354 = arith.cmpf oge, %broadcast_in_dim3A_351, %ge3A_353 : vector<32x1xf32>
    %select_n3A_355 = arith.select %ge3A_354, %or3A_344, %select_n3A_341 : vector<32x1xi1>, vector<32x1xi32>
    %or3A_356 = arith.constant 1024 : i32
    %or3A_357 = vector.broadcast %or3A_356 : i32 to vector<32x1xi32>
    %or3A_358 = arith.ori %select_n3A_355, %or3A_357 : vector<32x1xi32>
    %ge3A_359 = vector.broadcast %or3A_358 : vector<32x1xi32> to vector<32x4096xi32>
    %ge3A_360 = arith.cmpi uge, %select_n3A_60, %ge3A_359 : vector<32x4096xi32>
    %convert_element_type3A_361 = arith.extui %ge3A_360 : vector<32x4096xi1> to vector<32x4096xi32>
    %convert_element_type3A_362 = arith.sitofp %convert_element_type3A_361 : vector<32x4096xi32> to vector<32x4096xf32>
    %reduce_sum3A_363 = arith.constant dense<0.000000e+00> : vector<32xf32>
    %reduce_sum3A_364 = vector.multi_reduction <add>, %convert_element_type3A_362, %reduce_sum3A_363 [1] : vector<32x4096xf32> to vector<32xf32>
    %broadcast_in_dim3A_365 = vector.shape_cast %reduce_sum3A_364 : vector<32xf32> to vector<32x1xf32>
    %ge3A_366 = arith.constant 1.280000e+02 : f32
    %ge3A_367 = vector.broadcast %ge3A_366 : f32 to vector<32x1xf32>
    %ge3A_368 = arith.cmpf oge, %broadcast_in_dim3A_365, %ge3A_367 : vector<32x1xf32>
    %select_n3A_369 = arith.select %ge3A_368, %or3A_358, %select_n3A_355 : vector<32x1xi1>, vector<32x1xi32>
    %or3A_370 = arith.constant 512 : i32
    %or3A_371 = vector.broadcast %or3A_370 : i32 to vector<32x1xi32>
    %or3A_372 = arith.ori %select_n3A_369, %or3A_371 : vector<32x1xi32>
    %ge3A_373 = vector.broadcast %or3A_372 : vector<32x1xi32> to vector<32x4096xi32>
    %ge3A_374 = arith.cmpi uge, %select_n3A_60, %ge3A_373 : vector<32x4096xi32>
    %convert_element_type3A_375 = arith.extui %ge3A_374 : vector<32x4096xi1> to vector<32x4096xi32>
    %convert_element_type3A_376 = arith.sitofp %convert_element_type3A_375 : vector<32x4096xi32> to vector<32x4096xf32>
    %reduce_sum3A_377 = arith.constant dense<0.000000e+00> : vector<32xf32>
    %reduce_sum3A_378 = vector.multi_reduction <add>, %convert_element_type3A_376, %reduce_sum3A_377 [1] : vector<32x4096xf32> to vector<32xf32>
    %broadcast_in_dim3A_379 = vector.shape_cast %reduce_sum3A_378 : vector<32xf32> to vector<32x1xf32>
    %ge3A_380 = arith.constant 1.280000e+02 : f32
    %ge3A_381 = vector.broadcast %ge3A_380 : f32 to vector<32x1xf32>
    %ge3A_382 = arith.cmpf oge, %broadcast_in_dim3A_379, %ge3A_381 : vector<32x1xf32>
    %select_n3A_383 = arith.select %ge3A_382, %or3A_372, %select_n3A_369 : vector<32x1xi1>, vector<32x1xi32>
    %or3A_384 = arith.constant 256 : i32
    %or3A_385 = vector.broadcast %or3A_384 : i32 to vector<32x1xi32>
    %or3A_386 = arith.ori %select_n3A_383, %or3A_385 : vector<32x1xi32>
    %ge3A_387 = vector.broadcast %or3A_386 : vector<32x1xi32> to vector<32x4096xi32>
    %ge3A_388 = arith.cmpi uge, %select_n3A_60, %ge3A_387 : vector<32x4096xi32>
    %convert_element_type3A_389 = arith.extui %ge3A_388 : vector<32x4096xi1> to vector<32x4096xi32>
    %convert_element_type3A_390 = arith.sitofp %convert_element_type3A_389 : vector<32x4096xi32> to vector<32x4096xf32>
    %reduce_sum3A_391 = arith.constant dense<0.000000e+00> : vector<32xf32>
    %reduce_sum3A_392 = vector.multi_reduction <add>, %convert_element_type3A_390, %reduce_sum3A_391 [1] : vector<32x4096xf32> to vector<32xf32>
    %broadcast_in_dim3A_393 = vector.shape_cast %reduce_sum3A_392 : vector<32xf32> to vector<32x1xf32>
    %ge3A_394 = arith.constant 1.280000e+02 : f32
    %ge3A_395 = vector.broadcast %ge3A_394 : f32 to vector<32x1xf32>
    %ge3A_396 = arith.cmpf oge, %broadcast_in_dim3A_393, %ge3A_395 : vector<32x1xf32>
    %select_n3A_397 = arith.select %ge3A_396, %or3A_386, %select_n3A_383 : vector<32x1xi1>, vector<32x1xi32>
    %or3A_398 = arith.constant 128 : i32
    %or3A_399 = vector.broadcast %or3A_398 : i32 to vector<32x1xi32>
    %or3A_400 = arith.ori %select_n3A_397, %or3A_399 : vector<32x1xi32>
    %ge3A_401 = vector.broadcast %or3A_400 : vector<32x1xi32> to vector<32x4096xi32>
    %ge3A_402 = arith.cmpi uge, %select_n3A_60, %ge3A_401 : vector<32x4096xi32>
    %convert_element_type3A_403 = arith.extui %ge3A_402 : vector<32x4096xi1> to vector<32x4096xi32>
    %convert_element_type3A_404 = arith.sitofp %convert_element_type3A_403 : vector<32x4096xi32> to vector<32x4096xf32>
    %reduce_sum3A_405 = arith.constant dense<0.000000e+00> : vector<32xf32>
    %reduce_sum3A_406 = vector.multi_reduction <add>, %convert_element_type3A_404, %reduce_sum3A_405 [1] : vector<32x4096xf32> to vector<32xf32>
    %broadcast_in_dim3A_407 = vector.shape_cast %reduce_sum3A_406 : vector<32xf32> to vector<32x1xf32>
    %ge3A_408 = arith.constant 1.280000e+02 : f32
    %ge3A_409 = vector.broadcast %ge3A_408 : f32 to vector<32x1xf32>
    %ge3A_410 = arith.cmpf oge, %broadcast_in_dim3A_407, %ge3A_409 : vector<32x1xf32>
    %select_n3A_411 = arith.select %ge3A_410, %or3A_400, %select_n3A_397 : vector<32x1xi1>, vector<32x1xi32>
    %or3A_412 = arith.constant 64 : i32
    %or3A_413 = vector.broadcast %or3A_412 : i32 to vector<32x1xi32>
    %or3A_414 = arith.ori %select_n3A_411, %or3A_413 : vector<32x1xi32>
    %ge3A_415 = vector.broadcast %or3A_414 : vector<32x1xi32> to vector<32x4096xi32>
    %ge3A_416 = arith.cmpi uge, %select_n3A_60, %ge3A_415 : vector<32x4096xi32>
    %convert_element_type3A_417 = arith.extui %ge3A_416 : vector<32x4096xi1> to vector<32x4096xi32>
    %convert_element_type3A_418 = arith.sitofp %convert_element_type3A_417 : vector<32x4096xi32> to vector<32x4096xf32>
    %reduce_sum3A_419 = arith.constant dense<0.000000e+00> : vector<32xf32>
    %reduce_sum3A_420 = vector.multi_reduction <add>, %convert_element_type3A_418, %reduce_sum3A_419 [1] : vector<32x4096xf32> to vector<32xf32>
    %broadcast_in_dim3A_421 = vector.shape_cast %reduce_sum3A_420 : vector<32xf32> to vector<32x1xf32>
    %ge3A_422 = arith.constant 1.280000e+02 : f32
    %ge3A_423 = vector.broadcast %ge3A_422 : f32 to vector<32x1xf32>
    %ge3A_424 = arith.cmpf oge, %broadcast_in_dim3A_421, %ge3A_423 : vector<32x1xf32>
    %select_n3A_425 = arith.select %ge3A_424, %or3A_414, %select_n3A_411 : vector<32x1xi1>, vector<32x1xi32>
    %or3A_426 = arith.constant 32 : i32
    %or3A_427 = vector.broadcast %or3A_426 : i32 to vector<32x1xi32>
    %or3A_428 = arith.ori %select_n3A_425, %or3A_427 : vector<32x1xi32>
    %ge3A_429 = vector.broadcast %or3A_428 : vector<32x1xi32> to vector<32x4096xi32>
    %ge3A_430 = arith.cmpi uge, %select_n3A_60, %ge3A_429 : vector<32x4096xi32>
    %convert_element_type3A_431 = arith.extui %ge3A_430 : vector<32x4096xi1> to vector<32x4096xi32>
    %convert_element_type3A_432 = arith.sitofp %convert_element_type3A_431 : vector<32x4096xi32> to vector<32x4096xf32>
    %reduce_sum3A_433 = arith.constant dense<0.000000e+00> : vector<32xf32>
    %reduce_sum3A_434 = vector.multi_reduction <add>, %convert_element_type3A_432, %reduce_sum3A_433 [1] : vector<32x4096xf32> to vector<32xf32>
    %broadcast_in_dim3A_435 = vector.shape_cast %reduce_sum3A_434 : vector<32xf32> to vector<32x1xf32>
    %ge3A_436 = arith.constant 1.280000e+02 : f32
    %ge3A_437 = vector.broadcast %ge3A_436 : f32 to vector<32x1xf32>
    %ge3A_438 = arith.cmpf oge, %broadcast_in_dim3A_435, %ge3A_437 : vector<32x1xf32>
    %select_n3A_439 = arith.select %ge3A_438, %or3A_428, %select_n3A_425 : vector<32x1xi1>, vector<32x1xi32>
    %or3A_440 = arith.constant 16 : i32
    %or3A_441 = vector.broadcast %or3A_440 : i32 to vector<32x1xi32>
    %or3A_442 = arith.ori %select_n3A_439, %or3A_441 : vector<32x1xi32>
    %ge3A_443 = vector.broadcast %or3A_442 : vector<32x1xi32> to vector<32x4096xi32>
    %ge3A_444 = arith.cmpi uge, %select_n3A_60, %ge3A_443 : vector<32x4096xi32>
    %convert_element_type3A_445 = arith.extui %ge3A_444 : vector<32x4096xi1> to vector<32x4096xi32>
    %convert_element_type3A_446 = arith.sitofp %convert_element_type3A_445 : vector<32x4096xi32> to vector<32x4096xf32>
    %reduce_sum3A_447 = arith.constant dense<0.000000e+00> : vector<32xf32>
    %reduce_sum3A_448 = vector.multi_reduction <add>, %convert_element_type3A_446, %reduce_sum3A_447 [1] : vector<32x4096xf32> to vector<32xf32>
    %broadcast_in_dim3A_449 = vector.shape_cast %reduce_sum3A_448 : vector<32xf32> to vector<32x1xf32>
    %ge3A_450 = arith.constant 1.280000e+02 : f32
    %ge3A_451 = vector.broadcast %ge3A_450 : f32 to vector<32x1xf32>
    %ge3A_452 = arith.cmpf oge, %broadcast_in_dim3A_449, %ge3A_451 : vector<32x1xf32>
    %select_n3A_453 = arith.select %ge3A_452, %or3A_442, %select_n3A_439 : vector<32x1xi1>, vector<32x1xi32>
    %or3A_454 = arith.constant 8 : i32
    %or3A_455 = vector.broadcast %or3A_454 : i32 to vector<32x1xi32>
    %or3A_456 = arith.ori %select_n3A_453, %or3A_455 : vector<32x1xi32>
    %ge3A_457 = vector.broadcast %or3A_456 : vector<32x1xi32> to vector<32x4096xi32>
    %ge3A_458 = arith.cmpi uge, %select_n3A_60, %ge3A_457 : vector<32x4096xi32>
    %convert_element_type3A_459 = arith.extui %ge3A_458 : vector<32x4096xi1> to vector<32x4096xi32>
    %convert_element_type3A_460 = arith.sitofp %convert_element_type3A_459 : vector<32x4096xi32> to vector<32x4096xf32>
    %reduce_sum3A_461 = arith.constant dense<0.000000e+00> : vector<32xf32>
    %reduce_sum3A_462 = vector.multi_reduction <add>, %convert_element_type3A_460, %reduce_sum3A_461 [1] : vector<32x4096xf32> to vector<32xf32>
    %broadcast_in_dim3A_463 = vector.shape_cast %reduce_sum3A_462 : vector<32xf32> to vector<32x1xf32>
    %ge3A_464 = arith.constant 1.280000e+02 : f32
    %ge3A_465 = vector.broadcast %ge3A_464 : f32 to vector<32x1xf32>
    %ge3A_466 = arith.cmpf oge, %broadcast_in_dim3A_463, %ge3A_465 : vector<32x1xf32>
    %select_n3A_467 = arith.select %ge3A_466, %or3A_456, %select_n3A_453 : vector<32x1xi1>, vector<32x1xi32>
    %or3A_468 = arith.constant 4 : i32
    %or3A_469 = vector.broadcast %or3A_468 : i32 to vector<32x1xi32>
    %or3A_470 = arith.ori %select_n3A_467, %or3A_469 : vector<32x1xi32>
    %ge3A_471 = vector.broadcast %or3A_470 : vector<32x1xi32> to vector<32x4096xi32>
    %ge3A_472 = arith.cmpi uge, %select_n3A_60, %ge3A_471 : vector<32x4096xi32>
    %convert_element_type3A_473 = arith.extui %ge3A_472 : vector<32x4096xi1> to vector<32x4096xi32>
    %convert_element_type3A_474 = arith.sitofp %convert_element_type3A_473 : vector<32x4096xi32> to vector<32x4096xf32>
    %reduce_sum3A_475 = arith.constant dense<0.000000e+00> : vector<32xf32>
    %reduce_sum3A_476 = vector.multi_reduction <add>, %convert_element_type3A_474, %reduce_sum3A_475 [1] : vector<32x4096xf32> to vector<32xf32>
    %broadcast_in_dim3A_477 = vector.shape_cast %reduce_sum3A_476 : vector<32xf32> to vector<32x1xf32>
    %ge3A_478 = arith.constant 1.280000e+02 : f32
    %ge3A_479 = vector.broadcast %ge3A_478 : f32 to vector<32x1xf32>
    %ge3A_480 = arith.cmpf oge, %broadcast_in_dim3A_477, %ge3A_479 : vector<32x1xf32>
    %select_n3A_481 = arith.select %ge3A_480, %or3A_470, %select_n3A_467 : vector<32x1xi1>, vector<32x1xi32>
    %or3A_482 = arith.constant 2 : i32
    %or3A_483 = vector.broadcast %or3A_482 : i32 to vector<32x1xi32>
    %or3A_484 = arith.ori %select_n3A_481, %or3A_483 : vector<32x1xi32>
    %ge3A_485 = vector.broadcast %or3A_484 : vector<32x1xi32> to vector<32x4096xi32>
    %ge3A_486 = arith.cmpi uge, %select_n3A_60, %ge3A_485 : vector<32x4096xi32>
    %convert_element_type3A_487 = arith.extui %ge3A_486 : vector<32x4096xi1> to vector<32x4096xi32>
    %convert_element_type3A_488 = arith.sitofp %convert_element_type3A_487 : vector<32x4096xi32> to vector<32x4096xf32>
    %reduce_sum3A_489 = arith.constant dense<0.000000e+00> : vector<32xf32>
    %reduce_sum3A_490 = vector.multi_reduction <add>, %convert_element_type3A_488, %reduce_sum3A_489 [1] : vector<32x4096xf32> to vector<32xf32>
    %broadcast_in_dim3A_491 = vector.shape_cast %reduce_sum3A_490 : vector<32xf32> to vector<32x1xf32>
    %ge3A_492 = arith.constant 1.280000e+02 : f32
    %ge3A_493 = vector.broadcast %ge3A_492 : f32 to vector<32x1xf32>
    %ge3A_494 = arith.cmpf oge, %broadcast_in_dim3A_491, %ge3A_493 : vector<32x1xf32>
    %select_n3A_495 = arith.select %ge3A_494, %or3A_484, %select_n3A_481 : vector<32x1xi1>, vector<32x1xi32>
    %or3A_496 = arith.constant 1 : i32
    %or3A_497 = vector.broadcast %or3A_496 : i32 to vector<32x1xi32>
    %or3A_498 = arith.ori %select_n3A_495, %or3A_497 : vector<32x1xi32>
    %ge3A_499 = vector.broadcast %or3A_498 : vector<32x1xi32> to vector<32x4096xi32>
    %ge3A_500 = arith.cmpi uge, %select_n3A_60, %ge3A_499 : vector<32x4096xi32>
    %convert_element_type3A_501 = arith.extui %ge3A_500 : vector<32x4096xi1> to vector<32x4096xi32>
    %convert_element_type3A_502 = arith.sitofp %convert_element_type3A_501 : vector<32x4096xi32> to vector<32x4096xf32>
    %reduce_sum3A_503 = arith.constant dense<0.000000e+00> : vector<32xf32>
    %reduce_sum3A_504 = vector.multi_reduction <add>, %convert_element_type3A_502, %reduce_sum3A_503 [1] : vector<32x4096xf32> to vector<32xf32>
    %broadcast_in_dim3A_505 = vector.shape_cast %reduce_sum3A_504 : vector<32xf32> to vector<32x1xf32>
    %ge3A_506 = arith.constant 1.280000e+02 : f32
    %ge3A_507 = vector.broadcast %ge3A_506 : f32 to vector<32x1xf32>
    %ge3A_508 = arith.cmpf oge, %broadcast_in_dim3A_505, %ge3A_507 : vector<32x1xf32>
    %select_n3A_509 = arith.select %ge3A_508, %or3A_498, %select_n3A_495 : vector<32x1xi1>, vector<32x1xi32>
    %gt3A = vector.broadcast %select_n3A_509 : vector<32x1xi32> to vector<32x4096xi32>
    %gt3A_510 = arith.cmpi ugt, %select_n3A_60, %gt3A : vector<32x4096xi32>
    %eq3A_511 = vector.broadcast %select_n3A_509 : vector<32x1xi32> to vector<32x4096xi32>
    %eq3A_512 = arith.cmpi eq, %select_n3A_60, %eq3A_511 : vector<32x4096xi32>
    %convert_element_type3A_513 = arith.extui %gt3A_510 : vector<32x4096xi1> to vector<32x4096xi32>
    %reduce_sum3A_514 = arith.constant dense<0> : vector<32xi32>
    %reduce_sum3A_515 = vector.multi_reduction <add>, %convert_element_type3A_513, %reduce_sum3A_514 [1] : vector<32x4096xi32> to vector<32xi32>
    %broadcast_in_dim3A_516 = vector.shape_cast %reduce_sum3A_515 : vector<32xi32> to vector<32x1xi32>
    %sub3A_517 = arith.constant 128 : i32
    %sub3A_518 = vector.broadcast %sub3A_517 : i32 to vector<32x1xi32>
    %sub3A_519 = arith.subi %sub3A_518, %broadcast_in_dim3A_516 : vector<32x1xi32>
    %convert_element_type3A_520 = arith.extui %eq3A_512 : vector<32x4096xi1> to vector<32x4096xi32>
    %jit3A_521 = arith.constant 0 : i32
    %pad3A = vector.broadcast %jit3A_521 : i32 to vector<32x1xi32>
    %pad3A_522 = tpu.concatenate %pad3A, %convert_element_type3A_520 in 1 : vector<32x1xi32>, vector<32x4096xi32> -> vector<32x4097xi32>
    %slice3A = vector.extract_strided_slice %pad3A_522 {offsets = [0, 0], sizes = [32, 4096], strides = [1, 1]} : vector<32x4097xi32> to vector<32x4096xi32>
    %add3A_523 = arith.addi %convert_element_type3A_520, %slice3A : vector<32x4096xi32>
    %jit3A_524 = arith.constant 0 : i32
    %pad3A_525 = vector.broadcast %jit3A_524 : i32 to vector<32x2xi32>
    %pad3A_526 = tpu.concatenate %pad3A_525, %add3A_523 in 1 : vector<32x2xi32>, vector<32x4096xi32> -> vector<32x4098xi32>
    %slice3A_527 = vector.extract_strided_slice %pad3A_526 {offsets = [0, 0], sizes = [32, 4096], strides = [1, 1]} : vector<32x4098xi32> to vector<32x4096xi32>
    %add3A_528 = arith.addi %add3A_523, %slice3A_527 : vector<32x4096xi32>
    %jit3A_529 = arith.constant 0 : i32
    %pad3A_530 = vector.broadcast %jit3A_529 : i32 to vector<32x4xi32>
    %pad3A_531 = tpu.concatenate %pad3A_530, %add3A_528 in 1 : vector<32x4xi32>, vector<32x4096xi32> -> vector<32x4100xi32>
    %slice3A_532 = vector.extract_strided_slice %pad3A_531 {offsets = [0, 0], sizes = [32, 4096], strides = [1, 1]} : vector<32x4100xi32> to vector<32x4096xi32>
    %add3A_533 = arith.addi %add3A_528, %slice3A_532 : vector<32x4096xi32>
    %jit3A_534 = arith.constant 0 : i32
    %pad3A_535 = vector.broadcast %jit3A_534 : i32 to vector<32x8xi32>
    %pad3A_536 = tpu.concatenate %pad3A_535, %add3A_533 in 1 : vector<32x8xi32>, vector<32x4096xi32> -> vector<32x4104xi32>
    %slice3A_537 = vector.extract_strided_slice %pad3A_536 {offsets = [0, 0], sizes = [32, 4096], strides = [1, 1]} : vector<32x4104xi32> to vector<32x4096xi32>
    %add3A_538 = arith.addi %add3A_533, %slice3A_537 : vector<32x4096xi32>
    %jit3A_539 = arith.constant 0 : i32
    %pad3A_540 = vector.broadcast %jit3A_539 : i32 to vector<32x16xi32>
    %pad3A_541 = tpu.concatenate %pad3A_540, %add3A_538 in 1 : vector<32x16xi32>, vector<32x4096xi32> -> vector<32x4112xi32>
    %slice3A_542 = vector.extract_strided_slice %pad3A_541 {offsets = [0, 0], sizes = [32, 4096], strides = [1, 1]} : vector<32x4112xi32> to vector<32x4096xi32>
    %add3A_543 = arith.addi %add3A_538, %slice3A_542 : vector<32x4096xi32>
    %jit3A_544 = arith.constant 0 : i32
    %pad3A_545 = vector.broadcast %jit3A_544 : i32 to vector<32x32xi32>
    %pad3A_546 = tpu.concatenate %pad3A_545, %add3A_543 in 1 : vector<32x32xi32>, vector<32x4096xi32> -> vector<32x4128xi32>
    %slice3A_547 = vector.extract_strided_slice %pad3A_546 {offsets = [0, 0], sizes = [32, 4096], strides = [1, 1]} : vector<32x4128xi32> to vector<32x4096xi32>
    %add3A_548 = arith.addi %add3A_543, %slice3A_547 : vector<32x4096xi32>
    %jit3A_549 = arith.constant 0 : i32
    %pad3A_550 = vector.broadcast %jit3A_549 : i32 to vector<32x64xi32>
    %pad3A_551 = tpu.concatenate %pad3A_550, %add3A_548 in 1 : vector<32x64xi32>, vector<32x4096xi32> -> vector<32x4160xi32>
    %slice3A_552 = vector.extract_strided_slice %pad3A_551 {offsets = [0, 0], sizes = [32, 4096], strides = [1, 1]} : vector<32x4160xi32> to vector<32x4096xi32>
    %add3A_553 = arith.addi %add3A_548, %slice3A_552 : vector<32x4096xi32>
    %jit3A_554 = arith.constant 0 : i32
    %pad3A_555 = vector.broadcast %jit3A_554 : i32 to vector<32x128xi32>
    %pad3A_556 = tpu.concatenate %pad3A_555, %add3A_553 in 1 : vector<32x128xi32>, vector<32x4096xi32> -> vector<32x4224xi32>
    %slice3A_557 = vector.extract_strided_slice %pad3A_556 {offsets = [0, 0], sizes = [32, 4096], strides = [1, 1]} : vector<32x4224xi32> to vector<32x4096xi32>
    %add3A_558 = arith.addi %add3A_553, %slice3A_557 : vector<32x4096xi32>
    %jit3A_559 = arith.constant 0 : i32
    %pad3A_560 = vector.broadcast %jit3A_559 : i32 to vector<32x256xi32>
    %pad3A_561 = tpu.concatenate %pad3A_560, %add3A_558 in 1 : vector<32x256xi32>, vector<32x4096xi32> -> vector<32x4352xi32>
    %slice3A_562 = vector.extract_strided_slice %pad3A_561 {offsets = [0, 0], sizes = [32, 4096], strides = [1, 1]} : vector<32x4352xi32> to vector<32x4096xi32>
    %add3A_563 = arith.addi %add3A_558, %slice3A_562 : vector<32x4096xi32>
    %jit3A_564 = arith.constant 0 : i32
    %pad3A_565 = vector.broadcast %jit3A_564 : i32 to vector<32x512xi32>
    %pad3A_566 = tpu.concatenate %pad3A_565, %add3A_563 in 1 : vector<32x512xi32>, vector<32x4096xi32> -> vector<32x4608xi32>
    %slice3A_567 = vector.extract_strided_slice %pad3A_566 {offsets = [0, 0], sizes = [32, 4096], strides = [1, 1]} : vector<32x4608xi32> to vector<32x4096xi32>
    %add3A_568 = arith.addi %add3A_563, %slice3A_567 : vector<32x4096xi32>
    %jit3A_569 = arith.constant 0 : i32
    %pad3A_570 = vector.broadcast %jit3A_569 : i32 to vector<32x1024xi32>
    %pad3A_571 = tpu.concatenate %pad3A_570, %add3A_568 in 1 : vector<32x1024xi32>, vector<32x4096xi32> -> vector<32x5120xi32>
    %slice3A_572 = vector.extract_strided_slice %pad3A_571 {offsets = [0, 0], sizes = [32, 4096], strides = [1, 1]} : vector<32x5120xi32> to vector<32x4096xi32>
    %add3A_573 = arith.addi %add3A_568, %slice3A_572 : vector<32x4096xi32>
    %jit3A_574 = arith.constant 0 : i32
    %pad3A_575 = vector.broadcast %jit3A_574 : i32 to vector<32x2048xi32>
    %pad3A_576 = tpu.concatenate %pad3A_575, %add3A_573 in 1 : vector<32x2048xi32>, vector<32x4096xi32> -> vector<32x6144xi32>
    %slice3A_577 = vector.extract_strided_slice %pad3A_576 {offsets = [0, 0], sizes = [32, 4096], strides = [1, 1]} : vector<32x6144xi32> to vector<32x4096xi32>
    %add3A_578 = arith.addi %add3A_573, %slice3A_577 : vector<32x4096xi32>
    %le3A = vector.broadcast %sub3A_519 : vector<32x1xi32> to vector<32x4096xi32>
    %le3A_579 = arith.cmpi sle, %add3A_578, %le3A : vector<32x4096xi32>
    %and3A = arith.andi %eq3A_512, %le3A_579 : vector<32x4096xi1>
    %or3A_580 = arith.ori %gt3A_510, %and3A : vector<32x4096xi1>
    %convert_element_type3A_581 = arith.extui %or3A_580 : vector<32x4096xi1> to vector<32x4096xi32>
    %jit3A_582 = arith.constant 0 : i32
    %pad3A_583 = vector.broadcast %jit3A_582 : i32 to vector<32x1xi32>
    %pad3A_584 = tpu.concatenate %pad3A_583, %convert_element_type3A_581 in 1 : vector<32x1xi32>, vector<32x4096xi32> -> vector<32x4097xi32>
    %slice3A_585 = vector.extract_strided_slice %pad3A_584 {offsets = [0, 0], sizes = [32, 4096], strides = [1, 1]} : vector<32x4097xi32> to vector<32x4096xi32>
    %add3A_586 = arith.addi %convert_element_type3A_581, %slice3A_585 : vector<32x4096xi32>
    %jit3A_587 = arith.constant 0 : i32
    %pad3A_588 = vector.broadcast %jit3A_587 : i32 to vector<32x2xi32>
    %pad3A_589 = tpu.concatenate %pad3A_588, %add3A_586 in 1 : vector<32x2xi32>, vector<32x4096xi32> -> vector<32x4098xi32>
    %slice3A_590 = vector.extract_strided_slice %pad3A_589 {offsets = [0, 0], sizes = [32, 4096], strides = [1, 1]} : vector<32x4098xi32> to vector<32x4096xi32>
    %add3A_591 = arith.addi %add3A_586, %slice3A_590 : vector<32x4096xi32>
    %jit3A_592 = arith.constant 0 : i32
    %pad3A_593 = vector.broadcast %jit3A_592 : i32 to vector<32x4xi32>
    %pad3A_594 = tpu.concatenate %pad3A_593, %add3A_591 in 1 : vector<32x4xi32>, vector<32x4096xi32> -> vector<32x4100xi32>
    %slice3A_595 = vector.extract_strided_slice %pad3A_594 {offsets = [0, 0], sizes = [32, 4096], strides = [1, 1]} : vector<32x4100xi32> to vector<32x4096xi32>
    %add3A_596 = arith.addi %add3A_591, %slice3A_595 : vector<32x4096xi32>
    %jit3A_597 = arith.constant 0 : i32
    %pad3A_598 = vector.broadcast %jit3A_597 : i32 to vector<32x8xi32>
    %pad3A_599 = tpu.concatenate %pad3A_598, %add3A_596 in 1 : vector<32x8xi32>, vector<32x4096xi32> -> vector<32x4104xi32>
    %slice3A_600 = vector.extract_strided_slice %pad3A_599 {offsets = [0, 0], sizes = [32, 4096], strides = [1, 1]} : vector<32x4104xi32> to vector<32x4096xi32>
    %add3A_601 = arith.addi %add3A_596, %slice3A_600 : vector<32x4096xi32>
    %jit3A_602 = arith.constant 0 : i32
    %pad3A_603 = vector.broadcast %jit3A_602 : i32 to vector<32x16xi32>
    %pad3A_604 = tpu.concatenate %pad3A_603, %add3A_601 in 1 : vector<32x16xi32>, vector<32x4096xi32> -> vector<32x4112xi32>
    %slice3A_605 = vector.extract_strided_slice %pad3A_604 {offsets = [0, 0], sizes = [32, 4096], strides = [1, 1]} : vector<32x4112xi32> to vector<32x4096xi32>
    %add3A_606 = arith.addi %add3A_601, %slice3A_605 : vector<32x4096xi32>
    %jit3A_607 = arith.constant 0 : i32
    %pad3A_608 = vector.broadcast %jit3A_607 : i32 to vector<32x32xi32>
    %pad3A_609 = tpu.concatenate %pad3A_608, %add3A_606 in 1 : vector<32x32xi32>, vector<32x4096xi32> -> vector<32x4128xi32>
    %slice3A_610 = vector.extract_strided_slice %pad3A_609 {offsets = [0, 0], sizes = [32, 4096], strides = [1, 1]} : vector<32x4128xi32> to vector<32x4096xi32>
    %add3A_611 = arith.addi %add3A_606, %slice3A_610 : vector<32x4096xi32>
    %jit3A_612 = arith.constant 0 : i32
    %pad3A_613 = vector.broadcast %jit3A_612 : i32 to vector<32x64xi32>
    %pad3A_614 = tpu.concatenate %pad3A_613, %add3A_611 in 1 : vector<32x64xi32>, vector<32x4096xi32> -> vector<32x4160xi32>
    %slice3A_615 = vector.extract_strided_slice %pad3A_614 {offsets = [0, 0], sizes = [32, 4096], strides = [1, 1]} : vector<32x4160xi32> to vector<32x4096xi32>
    %add3A_616 = arith.addi %add3A_611, %slice3A_615 : vector<32x4096xi32>
    %jit3A_617 = arith.constant 0 : i32
    %pad3A_618 = vector.broadcast %jit3A_617 : i32 to vector<32x128xi32>
    %pad3A_619 = tpu.concatenate %pad3A_618, %add3A_616 in 1 : vector<32x128xi32>, vector<32x4096xi32> -> vector<32x4224xi32>
    %slice3A_620 = vector.extract_strided_slice %pad3A_619 {offsets = [0, 0], sizes = [32, 4096], strides = [1, 1]} : vector<32x4224xi32> to vector<32x4096xi32>
    %add3A_621 = arith.addi %add3A_616, %slice3A_620 : vector<32x4096xi32>
    %jit3A_622 = arith.constant 0 : i32
    %pad3A_623 = vector.broadcast %jit3A_622 : i32 to vector<32x256xi32>
    %pad3A_624 = tpu.concatenate %pad3A_623, %add3A_621 in 1 : vector<32x256xi32>, vector<32x4096xi32> -> vector<32x4352xi32>
    %slice3A_625 = vector.extract_strided_slice %pad3A_624 {offsets = [0, 0], sizes = [32, 4096], strides = [1, 1]} : vector<32x4352xi32> to vector<32x4096xi32>
    %add3A_626 = arith.addi %add3A_621, %slice3A_625 : vector<32x4096xi32>
    %jit3A_627 = arith.constant 0 : i32
    %pad3A_628 = vector.broadcast %jit3A_627 : i32 to vector<32x512xi32>
    %pad3A_629 = tpu.concatenate %pad3A_628, %add3A_626 in 1 : vector<32x512xi32>, vector<32x4096xi32> -> vector<32x4608xi32>
    %slice3A_630 = vector.extract_strided_slice %pad3A_629 {offsets = [0, 0], sizes = [32, 4096], strides = [1, 1]} : vector<32x4608xi32> to vector<32x4096xi32>
    %add3A_631 = arith.addi %add3A_626, %slice3A_630 : vector<32x4096xi32>
    %jit3A_632 = arith.constant 0 : i32
    %pad3A_633 = vector.broadcast %jit3A_632 : i32 to vector<32x1024xi32>
    %pad3A_634 = tpu.concatenate %pad3A_633, %add3A_631 in 1 : vector<32x1024xi32>, vector<32x4096xi32> -> vector<32x5120xi32>
    %slice3A_635 = vector.extract_strided_slice %pad3A_634 {offsets = [0, 0], sizes = [32, 4096], strides = [1, 1]} : vector<32x5120xi32> to vector<32x4096xi32>
    %add3A_636 = arith.addi %add3A_631, %slice3A_635 : vector<32x4096xi32>
    %jit3A_637 = arith.constant 0 : i32
    %pad3A_638 = vector.broadcast %jit3A_637 : i32 to vector<32x2048xi32>
    %pad3A_639 = tpu.concatenate %pad3A_638, %add3A_636 in 1 : vector<32x2048xi32>, vector<32x4096xi32> -> vector<32x6144xi32>
    %slice3A_640 = vector.extract_strided_slice %pad3A_639 {offsets = [0, 0], sizes = [32, 4096], strides = [1, 1]} : vector<32x6144xi32> to vector<32x4096xi32>
    %add3A_641 = arith.addi %add3A_636, %slice3A_640 : vector<32x4096xi32>
    %sub3A_642 = arith.constant 1 : i32
    %sub3A_643 = vector.broadcast %sub3A_642 : i32 to vector<32x4096xi32>
    %sub3A_644 = arith.subi %add3A_641, %sub3A_643 : vector<32x4096xi32>
    %jit3A_645 = arith.constant -1 : i32
    %broadcast_in_dim3A_646 = vector.broadcast %jit3A_645 : i32 to vector<32x4096xi32>
    %select_n3A_647 = arith.select %or3A_580, %sub3A_644, %broadcast_in_dim3A_646 : vector<32x4096xi1>, vector<32x4096xi32>
    %swap3A = arith.constant 0 : index
    %swap3A_648 = arith.constant 0 : index
    %swap3A_649 = arith.constant 0 : index
    %swap3A_650 = vector.load %arg4[%swap3A, %swap3A_648, %swap3A_649] : memref<1x32x4096xi32, #tpu.memory_space<vmem>>, vector<1x32x4096xi32>
    %swap3A_651 = vector.shape_cast %swap3A_650 : vector<1x32x4096xi32> to vector<32x4096xi32>
    %swap3A_652 = vector.shape_cast %select_n3A_647 : vector<32x4096xi32> to vector<1x32x4096xi32>
    tpu.vector_store %arg4[%swap3A, %swap3A_648, %swap3A_649], %swap3A_652 {strides = array<i32>} : memref<1x32x4096xi32, #tpu.memory_space<vmem>>, vector<1x32x4096xi32>,
    %broadcast_in_dim3A_653 = arith.constant 1.000000e+00 : f32
    %broadcast_in_dim3A_654 = vector.broadcast %broadcast_in_dim3A_653 : f32 to vector<32x1xf32>
    %convert_element_type3A_655 = arith.extui %or3A_580 : vector<32x4096xi1> to vector<32x4096xi32>
    %convert_element_type3A_656 = arith.sitofp %convert_element_type3A_655 : vector<32x4096xi32> to vector<32x4096xf32>
    %dot_general3A_657 = arith.constant dense<0.000000e+00> : vector<4096x1xf32>
    %dot_general3A_658 = tpu.matmul %convert_element_type3A_656, %broadcast_in_dim3A_654, %dot_general3A_657 {dimension_numbers = #tpu.dot_dimension_numbers<[0], [0], [1], [1], [0, 1, 1, 1], [], []>, transpose_lhs_hint = false} : vector<32x4096xf32>, vector<32x1xf32>, vector<4096x1xf32> -> vector<4096x1xf32>
    %swap3A_659 = arith.constant 0 : index
    %swap3A_660 = arith.constant 0 : index
    %swap3A_661 = arith.constant 0 : index
    %swap3A_662 = vector.load %arg6[%swap3A_659, %swap3A_660, %swap3A_661] : memref<1x4096x1xf32, #tpu.memory_space<vmem>>, vector<1x4096x1xf32>
    %swap3A_663 = vector.shape_cast %swap3A_662 : vector<1x4096x1xf32> to vector<4096x1xf32>
    %swap3A_664 = vector.shape_cast %dot_general3A_658 : vector<4096x1xf32> to vector<1x4096x1xf32>
    tpu.vector_store %arg6[%swap3A_659, %swap3A_660, %swap3A_661], %swap3A_664 {strides = array<i32>} : memref<1x4096x1xf32, #tpu.memory_space<vmem>>, vector<1x4096x1xf32>,
    %get3A_665 = arith.constant 0 : index
    %get3A_666 = arith.constant 0 : index
    %get3A_667 = arith.constant 0 : index
    %get3A_668 = vector.load %arg2[%get3A_665, %get3A_666, %get3A_667] : memref<1x4096x64xf32, #tpu.memory_space<vmem>>, vector<1x4096x64xf32>
    %get3A_669 = vector.shape_cast %get3A_668 : vector<1x4096x64xf32> to vector<4096x64xf32>
    %mul3A_670 = arith.mulf %get3A_669, %get3A_669 : vector<4096x64xf32>
    %reduce_sum3A_671 = arith.constant dense<0.000000e+00> : vector<4096xf32>
    %reduce_sum3A_672 = vector.multi_reduction <add>, %mul3A_670, %reduce_sum3A_671 [1] : vector<4096x64xf32> to vector<4096xf32>
    %broadcast_in_dim3A_673 = vector.shape_cast %reduce_sum3A_672 : vector<4096xf32> to vector<4096x1xf32>
    %sqrt3A_674 = math.sqrt %broadcast_in_dim3A_673 : vector<4096x1xf32>
    %max3A_675 = arith.constant 9.99999996E-13 : f32
    %max3A_676 = vector.broadcast %max3A_675 : f32 to vector<4096x1xf32>
    %max3A_677 = arith.maximumf %sqrt3A_674, %max3A_676 : vector<4096x1xf32>
    %div3A_678 = vector.broadcast %max3A_677 : vector<4096x1xf32> to vector<4096x64xf32>
    %div3A_679 = arith.divf %get3A_669, %div3A_678 : vector<4096x64xf32>
    %dot_general3A_680 = arith.constant dense<0.000000e+00> : vector<32x4096xf32>
    %dot_general3A_681 = tpu.matmul %get3A_3, %div3A_679, %dot_general3A_680 {dimension_numbers = #tpu.dot_dimension_numbers<[1], [1], [0], [0], [0, 0, 1, 0], [], []>, transpose_lhs_hint = false} : vector<32x64xf32>, vector<4096x64xf32>, vector<32x4096xf32> -> vector<32x4096xf32>
    %reduce_max3A_682 = arith.constant dense<0xFF800000> : vector<4096xf32>
    %reduce_max3A_683 = vector.multi_reduction <maximumf>, %dot_general3A_681, %reduce_max3A_682 [0] : vector<32x4096xf32> to vector<4096xf32>
    %iota3A_684 = tpu.iota {dimensions = array<i32: 0>} : vector<32x4096xi32>
    %broadcast_in_dim3A_685 = vector.shape_cast %reduce_max3A_683 : vector<4096xf32> to vector<1x4096xf32>
    %eq3A_686 = vector.broadcast %broadcast_in_dim3A_685 : vector<1x4096xf32> to vector<32x4096xf32>
    %eq3A_687 = arith.cmpf oeq, %dot_general3A_681, %eq3A_686 : vector<32x4096xf32>
    %jit3A_688 = arith.constant 32 : i32
    %broadcast_in_dim3A_689 = vector.broadcast %jit3A_688 : i32 to vector<32x4096xi32>
    %select_n3A_690 = arith.select %eq3A_687, %iota3A_684, %broadcast_in_dim3A_689 : vector<32x4096xi1>, vector<32x4096xi32>
    %reduce_min3A_691 = arith.constant dense<2147483647> : vector<4096xi32>
    %reduce_min3A_692 = vector.multi_reduction <minsi>, %select_n3A_690, %reduce_min3A_691 [0] : vector<32x4096xi32> to vector<4096xi32>
    %broadcast_in_dim3A_693 = vector.shape_cast %reduce_min3A_692 : vector<4096xi32> to vector<1x4096xi32>
    %eq3A_694 = vector.broadcast %broadcast_in_dim3A_693 : vector<1x4096xi32> to vector<32x4096xi32>
    %eq3A_695 = arith.cmpi eq, %iota3A_684, %eq3A_694 : vector<32x4096xi32>
    %broadcast_in_dim3A_696 = vector.shape_cast %reduce_sum3A_4 : vector<32xf32> to vector<32x1xf32>
    %jit3A_697 = arith.constant 0.000000e+00 : f32
    %broadcast_in_dim3A_698 = vector.shape_cast %broadcast_in_dim3A_696 : vector<32x1xf32> to vector<32x1xf32>
    %broadcast_in_dim3A_699 = vector.broadcast %broadcast_in_dim3A_698 : vector<32x1xf32> to vector<32x4096xf32>
    %broadcast_in_dim3A_700 = vector.broadcast %jit3A_697 : f32 to vector<32x4096xf32>
    %select_n3A_701 = arith.select %eq3A_695, %broadcast_in_dim3A_699, %broadcast_in_dim3A_700 : vector<32x4096xi1>, vector<32x4096xf32>
    %reduce_sum3A_702 = arith.constant dense<0.000000e+00> : vector<4096xf32>
    %reduce_sum3A_703 = vector.multi_reduction <add>, %select_n3A_701, %reduce_sum3A_702 [0] : vector<32x4096xf32> to vector<4096xf32>
    %mul3A_704 = arith.mulf %div3A_679, %div3A_679 : vector<4096x64xf32>
    %reduce_sum3A_705 = arith.constant dense<0.000000e+00> : vector<4096xf32>
    %reduce_sum3A_706 = vector.multi_reduction <add>, %mul3A_704, %reduce_sum3A_705 [1] : vector<4096x64xf32> to vector<4096xf32>
    %reduce_sum3A_707 = vector.shape_cast %reduce_sum3A_706 : vector<4096xf32> to vector<1x4096xf32>
    %reduce_sum3A_708 = arith.constant dense<0.000000e+00> : vector<1xf32>
    %reduce_sum3A_709 = vector.multi_reduction <add>, %reduce_sum3A_707, %reduce_sum3A_708 [1] : vector<1x4096xf32> to vector<1xf32>
    %reduce_sum3A_710 = vector.shape_cast %reduce_sum3A_709 : vector<1xf32> to vector<1x1xf32>
    %reduce_sum3A_711 = vector.extract %reduce_sum3A_710[0, 0] : f32 from vector<1x1xf32>
    %add3A_712 = arith.addf %add3A_54, %reduce_sum3A_711 : f32
    %reduce_sum3A_713 = vector.shape_cast %reduce_max3A_683 : vector<4096xf32> to vector<1x4096xf32>
    %reduce_sum3A_714 = arith.constant dense<0.000000e+00> : vector<1xf32>
    %reduce_sum3A_715 = vector.multi_reduction <add>, %reduce_sum3A_713, %reduce_sum3A_714 [1] : vector<1x4096xf32> to vector<1xf32>
    %reduce_sum3A_716 = vector.shape_cast %reduce_sum3A_715 : vector<1xf32> to vector<1x1xf32>
    %reduce_sum3A_717 = vector.extract %reduce_sum3A_716[0, 0] : f32 from vector<1x1xf32>
    %mul3A_718 = arith.constant 2.000000e+00 : f32
    %mul3A_719 = arith.mulf %mul3A_718, %reduce_sum3A_717 : f32
    %sub3A_720 = arith.subf %add3A_712, %mul3A_719 : f32
    %reduce_sum3A_721 = vector.shape_cast %reduce_sum3A_703 : vector<4096xf32> to vector<1x4096xf32>
    %reduce_sum3A_722 = arith.constant dense<0.000000e+00> : vector<1xf32>
    %reduce_sum3A_723 = vector.multi_reduction <add>, %reduce_sum3A_721, %reduce_sum3A_722 [1] : vector<1x4096xf32> to vector<1xf32>
    %reduce_sum3A_724 = vector.shape_cast %reduce_sum3A_723 : vector<1xf32> to vector<1x1xf32>
    %reduce_sum3A_725 = vector.extract %reduce_sum3A_724[0, 0] : f32 from vector<1x1xf32>
    %add3A_726 = arith.addf %sub3A_720, %reduce_sum3A_725 : f32
    %bitcast_convert_type3A_727 = tpu.bitcast %dot_general3A_681 : vector<32x4096xf32> -> vector<32x4096xi32>
    %ge3A_728 = arith.constant -2147483648 : i32
    %ge3A_729 = vector.broadcast %ge3A_728 : i32 to vector<32x4096xi32>
    %ge3A_730 = arith.cmpi uge, %bitcast_convert_type3A_727, %ge3A_729 : vector<32x4096xi32>
    %not3A_731 = arith.constant dense<-1> : vector<32x4096xi32>
    %not3A_732 = arith.xori %bitcast_convert_type3A_727, %not3A_731 : vector<32x4096xi32>
    %or3A_733 = arith.constant -2147483648 : i32
    %or3A_734 = vector.broadcast %or3A_733 : i32 to vector<32x4096xi32>
    %or3A_735 = arith.ori %bitcast_convert_type3A_727, %or3A_734 : vector<32x4096xi32>
    %select_n3A_736 = arith.select %ge3A_730, %not3A_732, %or3A_735 : vector<32x4096xi1>, vector<32x4096xi32>
    %broadcast_in_dim3A_737 = arith.constant 0 : i32
    %broadcast_in_dim3A_738 = vector.broadcast %broadcast_in_dim3A_737 : i32 to vector<32x1xi32>
    %or3A_739 = arith.constant -2147483648 : i32
    %or3A_740 = vector.broadcast %or3A_739 : i32 to vector<32x1xi32>
    %or3A_741 = arith.ori %broadcast_in_dim3A_738, %or3A_740 : vector<32x1xi32>
    %ge3A_742 = vector.broadcast %or3A_741 : vector<32x1xi32> to vector<32x4096xi32>
    %ge3A_743 = arith.cmpi uge, %select_n3A_736, %ge3A_742 : vector<32x4096xi32>
    %convert_element_type3A_744 = arith.extui %ge3A_743 : vector<32x4096xi1> to vector<32x4096xi32>
    %convert_element_type3A_745 = arith.sitofp %convert_element_type3A_744 : vector<32x4096xi32> to vector<32x4096xf32>
    %reduce_sum3A_746 = arith.constant dense<0.000000e+00> : vector<32xf32>
    %reduce_sum3A_747 = vector.multi_reduction <add>, %convert_element_type3A_745, %reduce_sum3A_746 [1] : vector<32x4096xf32> to vector<32xf32>
    %broadcast_in_dim3A_748 = vector.shape_cast %reduce_sum3A_747 : vector<32xf32> to vector<32x1xf32>
    %ge3A_749 = arith.constant 1.280000e+02 : f32
    %ge3A_750 = vector.broadcast %ge3A_749 : f32 to vector<32x1xf32>
    %ge3A_751 = arith.cmpf oge, %broadcast_in_dim3A_748, %ge3A_750 : vector<32x1xf32>
    %select_n3A_752 = arith.select %ge3A_751, %or3A_741, %broadcast_in_dim3A_738 : vector<32x1xi1>, vector<32x1xi32>
    %or3A_753 = arith.constant 1073741824 : i32
    %or3A_754 = vector.broadcast %or3A_753 : i32 to vector<32x1xi32>
    %or3A_755 = arith.ori %select_n3A_752, %or3A_754 : vector<32x1xi32>
    %ge3A_756 = vector.broadcast %or3A_755 : vector<32x1xi32> to vector<32x4096xi32>
    %ge3A_757 = arith.cmpi uge, %select_n3A_736, %ge3A_756 : vector<32x4096xi32>
    %convert_element_type3A_758 = arith.extui %ge3A_757 : vector<32x4096xi1> to vector<32x4096xi32>
    %convert_element_type3A_759 = arith.sitofp %convert_element_type3A_758 : vector<32x4096xi32> to vector<32x4096xf32>
    %reduce_sum3A_760 = arith.constant dense<0.000000e+00> : vector<32xf32>
    %reduce_sum3A_761 = vector.multi_reduction <add>, %convert_element_type3A_759, %reduce_sum3A_760 [1] : vector<32x4096xf32> to vector<32xf32>
    %broadcast_in_dim3A_762 = vector.shape_cast %reduce_sum3A_761 : vector<32xf32> to vector<32x1xf32>
    %ge3A_763 = arith.constant 1.280000e+02 : f32
    %ge3A_764 = vector.broadcast %ge3A_763 : f32 to vector<32x1xf32>
    %ge3A_765 = arith.cmpf oge, %broadcast_in_dim3A_762, %ge3A_764 : vector<32x1xf32>
    %select_n3A_766 = arith.select %ge3A_765, %or3A_755, %select_n3A_752 : vector<32x1xi1>, vector<32x1xi32>
    %or3A_767 = arith.constant 536870912 : i32
    %or3A_768 = vector.broadcast %or3A_767 : i32 to vector<32x1xi32>
    %or3A_769 = arith.ori %select_n3A_766, %or3A_768 : vector<32x1xi32>
    %ge3A_770 = vector.broadcast %or3A_769 : vector<32x1xi32> to vector<32x4096xi32>
    %ge3A_771 = arith.cmpi uge, %select_n3A_736, %ge3A_770 : vector<32x4096xi32>
    %convert_element_type3A_772 = arith.extui %ge3A_771 : vector<32x4096xi1> to vector<32x4096xi32>
    %convert_element_type3A_773 = arith.sitofp %convert_element_type3A_772 : vector<32x4096xi32> to vector<32x4096xf32>
    %reduce_sum3A_774 = arith.constant dense<0.000000e+00> : vector<32xf32>
    %reduce_sum3A_775 = vector.multi_reduction <add>, %convert_element_type3A_773, %reduce_sum3A_774 [1] : vector<32x4096xf32> to vector<32xf32>
    %broadcast_in_dim3A_776 = vector.shape_cast %reduce_sum3A_775 : vector<32xf32> to vector<32x1xf32>
    %ge3A_777 = arith.constant 1.280000e+02 : f32
    %ge3A_778 = vector.broadcast %ge3A_777 : f32 to vector<32x1xf32>
    %ge3A_779 = arith.cmpf oge, %broadcast_in_dim3A_776, %ge3A_778 : vector<32x1xf32>
    %select_n3A_780 = arith.select %ge3A_779, %or3A_769, %select_n3A_766 : vector<32x1xi1>, vector<32x1xi32>
    %or3A_781 = arith.constant 268435456 : i32
    %or3A_782 = vector.broadcast %or3A_781 : i32 to vector<32x1xi32>
    %or3A_783 = arith.ori %select_n3A_780, %or3A_782 : vector<32x1xi32>
    %ge3A_784 = vector.broadcast %or3A_783 : vector<32x1xi32> to vector<32x4096xi32>
    %ge3A_785 = arith.cmpi uge, %select_n3A_736, %ge3A_784 : vector<32x4096xi32>
    %convert_element_type3A_786 = arith.extui %ge3A_785 : vector<32x4096xi1> to vector<32x4096xi32>
    %convert_element_type3A_787 = arith.sitofp %convert_element_type3A_786 : vector<32x4096xi32> to vector<32x4096xf32>
    %reduce_sum3A_788 = arith.constant dense<0.000000e+00> : vector<32xf32>
    %reduce_sum3A_789 = vector.multi_reduction <add>, %convert_element_type3A_787, %reduce_sum3A_788 [1] : vector<32x4096xf32> to vector<32xf32>
    %broadcast_in_dim3A_790 = vector.shape_cast %reduce_sum3A_789 : vector<32xf32> to vector<32x1xf32>
    %ge3A_791 = arith.constant 1.280000e+02 : f32
    %ge3A_792 = vector.broadcast %ge3A_791 : f32 to vector<32x1xf32>
    %ge3A_793 = arith.cmpf oge, %broadcast_in_dim3A_790, %ge3A_792 : vector<32x1xf32>
    %select_n3A_794 = arith.select %ge3A_793, %or3A_783, %select_n3A_780 : vector<32x1xi1>, vector<32x1xi32>
    %or3A_795 = arith.constant 134217728 : i32
    %or3A_796 = vector.broadcast %or3A_795 : i32 to vector<32x1xi32>
    %or3A_797 = arith.ori %select_n3A_794, %or3A_796 : vector<32x1xi32>
    %ge3A_798 = vector.broadcast %or3A_797 : vector<32x1xi32> to vector<32x4096xi32>
    %ge3A_799 = arith.cmpi uge, %select_n3A_736, %ge3A_798 : vector<32x4096xi32>
    %convert_element_type3A_800 = arith.extui %ge3A_799 : vector<32x4096xi1> to vector<32x4096xi32>
    %convert_element_type3A_801 = arith.sitofp %convert_element_type3A_800 : vector<32x4096xi32> to vector<32x4096xf32>
    %reduce_sum3A_802 = arith.constant dense<0.000000e+00> : vector<32xf32>
    %reduce_sum3A_803 = vector.multi_reduction <add>, %convert_element_type3A_801, %reduce_sum3A_802 [1] : vector<32x4096xf32> to vector<32xf32>
    %broadcast_in_dim3A_804 = vector.shape_cast %reduce_sum3A_803 : vector<32xf32> to vector<32x1xf32>
    %ge3A_805 = arith.constant 1.280000e+02 : f32
    %ge3A_806 = vector.broadcast %ge3A_805 : f32 to vector<32x1xf32>
    %ge3A_807 = arith.cmpf oge, %broadcast_in_dim3A_804, %ge3A_806 : vector<32x1xf32>
    %select_n3A_808 = arith.select %ge3A_807, %or3A_797, %select_n3A_794 : vector<32x1xi1>, vector<32x1xi32>
    %or3A_809 = arith.constant 67108864 : i32
    %or3A_810 = vector.broadcast %or3A_809 : i32 to vector<32x1xi32>
    %or3A_811 = arith.ori %select_n3A_808, %or3A_810 : vector<32x1xi32>
    %ge3A_812 = vector.broadcast %or3A_811 : vector<32x1xi32> to vector<32x4096xi32>
    %ge3A_813 = arith.cmpi uge, %select_n3A_736, %ge3A_812 : vector<32x4096xi32>
    %convert_element_type3A_814 = arith.extui %ge3A_813 : vector<32x4096xi1> to vector<32x4096xi32>
    %convert_element_type3A_815 = arith.sitofp %convert_element_type3A_814 : vector<32x4096xi32> to vector<32x4096xf32>
    %reduce_sum3A_816 = arith.constant dense<0.000000e+00> : vector<32xf32>
    %reduce_sum3A_817 = vector.multi_reduction <add>, %convert_element_type3A_815, %reduce_sum3A_816 [1] : vector<32x4096xf32> to vector<32xf32>
    %broadcast_in_dim3A_818 = vector.shape_cast %reduce_sum3A_817 : vector<32xf32> to vector<32x1xf32>
    %ge3A_819 = arith.constant 1.280000e+02 : f32
    %ge3A_820 = vector.broadcast %ge3A_819 : f32 to vector<32x1xf32>
    %ge3A_821 = arith.cmpf oge, %broadcast_in_dim3A_818, %ge3A_820 : vector<32x1xf32>
    %select_n3A_822 = arith.select %ge3A_821, %or3A_811, %select_n3A_808 : vector<32x1xi1>, vector<32x1xi32>
    %or3A_823 = arith.constant 33554432 : i32
    %or3A_824 = vector.broadcast %or3A_823 : i32 to vector<32x1xi32>
    %or3A_825 = arith.ori %select_n3A_822, %or3A_824 : vector<32x1xi32>
    %ge3A_826 = vector.broadcast %or3A_825 : vector<32x1xi32> to vector<32x4096xi32>
    %ge3A_827 = arith.cmpi uge, %select_n3A_736, %ge3A_826 : vector<32x4096xi32>
    %convert_element_type3A_828 = arith.extui %ge3A_827 : vector<32x4096xi1> to vector<32x4096xi32>
    %convert_element_type3A_829 = arith.sitofp %convert_element_type3A_828 : vector<32x4096xi32> to vector<32x4096xf32>
    %reduce_sum3A_830 = arith.constant dense<0.000000e+00> : vector<32xf32>
    %reduce_sum3A_831 = vector.multi_reduction <add>, %convert_element_type3A_829, %reduce_sum3A_830 [1] : vector<32x4096xf32> to vector<32xf32>
    %broadcast_in_dim3A_832 = vector.shape_cast %reduce_sum3A_831 : vector<32xf32> to vector<32x1xf32>
    %ge3A_833 = arith.constant 1.280000e+02 : f32
    %ge3A_834 = vector.broadcast %ge3A_833 : f32 to vector<32x1xf32>
    %ge3A_835 = arith.cmpf oge, %broadcast_in_dim3A_832, %ge3A_834 : vector<32x1xf32>
    %select_n3A_836 = arith.select %ge3A_835, %or3A_825, %select_n3A_822 : vector<32x1xi1>, vector<32x1xi32>
    %or3A_837 = arith.constant 16777216 : i32
    %or3A_838 = vector.broadcast %or3A_837 : i32 to vector<32x1xi32>
    %or3A_839 = arith.ori %select_n3A_836, %or3A_838 : vector<32x1xi32>
    %ge3A_840 = vector.broadcast %or3A_839 : vector<32x1xi32> to vector<32x4096xi32>
    %ge3A_841 = arith.cmpi uge, %select_n3A_736, %ge3A_840 : vector<32x4096xi32>
    %convert_element_type3A_842 = arith.extui %ge3A_841 : vector<32x4096xi1> to vector<32x4096xi32>
    %convert_element_type3A_843 = arith.sitofp %convert_element_type3A_842 : vector<32x4096xi32> to vector<32x4096xf32>
    %reduce_sum3A_844 = arith.constant dense<0.000000e+00> : vector<32xf32>
    %reduce_sum3A_845 = vector.multi_reduction <add>, %convert_element_type3A_843, %reduce_sum3A_844 [1] : vector<32x4096xf32> to vector<32xf32>
    %broadcast_in_dim3A_846 = vector.shape_cast %reduce_sum3A_845 : vector<32xf32> to vector<32x1xf32>
    %ge3A_847 = arith.constant 1.280000e+02 : f32
    %ge3A_848 = vector.broadcast %ge3A_847 : f32 to vector<32x1xf32>
    %ge3A_849 = arith.cmpf oge, %broadcast_in_dim3A_846, %ge3A_848 : vector<32x1xf32>
    %select_n3A_850 = arith.select %ge3A_849, %or3A_839, %select_n3A_836 : vector<32x1xi1>, vector<32x1xi32>
    %or3A_851 = arith.constant 8388608 : i32
    %or3A_852 = vector.broadcast %or3A_851 : i32 to vector<32x1xi32>
    %or3A_853 = arith.ori %select_n3A_850, %or3A_852 : vector<32x1xi32>
    %ge3A_854 = vector.broadcast %or3A_853 : vector<32x1xi32> to vector<32x4096xi32>
    %ge3A_855 = arith.cmpi uge, %select_n3A_736, %ge3A_854 : vector<32x4096xi32>
    %convert_element_type3A_856 = arith.extui %ge3A_855 : vector<32x4096xi1> to vector<32x4096xi32>
    %convert_element_type3A_857 = arith.sitofp %convert_element_type3A_856 : vector<32x4096xi32> to vector<32x4096xf32>
    %reduce_sum3A_858 = arith.constant dense<0.000000e+00> : vector<32xf32>
    %reduce_sum3A_859 = vector.multi_reduction <add>, %convert_element_type3A_857, %reduce_sum3A_858 [1] : vector<32x4096xf32> to vector<32xf32>
    %broadcast_in_dim3A_860 = vector.shape_cast %reduce_sum3A_859 : vector<32xf32> to vector<32x1xf32>
    %ge3A_861 = arith.constant 1.280000e+02 : f32
    %ge3A_862 = vector.broadcast %ge3A_861 : f32 to vector<32x1xf32>
    %ge3A_863 = arith.cmpf oge, %broadcast_in_dim3A_860, %ge3A_862 : vector<32x1xf32>
    %select_n3A_864 = arith.select %ge3A_863, %or3A_853, %select_n3A_850 : vector<32x1xi1>, vector<32x1xi32>
    %or3A_865 = arith.constant 4194304 : i32
    %or3A_866 = vector.broadcast %or3A_865 : i32 to vector<32x1xi32>
    %or3A_867 = arith.ori %select_n3A_864, %or3A_866 : vector<32x1xi32>
    %ge3A_868 = vector.broadcast %or3A_867 : vector<32x1xi32> to vector<32x4096xi32>
    %ge3A_869 = arith.cmpi uge, %select_n3A_736, %ge3A_868 : vector<32x4096xi32>
    %convert_element_type3A_870 = arith.extui %ge3A_869 : vector<32x4096xi1> to vector<32x4096xi32>
    %convert_element_type3A_871 = arith.sitofp %convert_element_type3A_870 : vector<32x4096xi32> to vector<32x4096xf32>
    %reduce_sum3A_872 = arith.constant dense<0.000000e+00> : vector<32xf32>
    %reduce_sum3A_873 = vector.multi_reduction <add>, %convert_element_type3A_871, %reduce_sum3A_872 [1] : vector<32x4096xf32> to vector<32xf32>
    %broadcast_in_dim3A_874 = vector.shape_cast %reduce_sum3A_873 : vector<32xf32> to vector<32x1xf32>
    %ge3A_875 = arith.constant 1.280000e+02 : f32
    %ge3A_876 = vector.broadcast %ge3A_875 : f32 to vector<32x1xf32>
    %ge3A_877 = arith.cmpf oge, %broadcast_in_dim3A_874, %ge3A_876 : vector<32x1xf32>
    %select_n3A_878 = arith.select %ge3A_877, %or3A_867, %select_n3A_864 : vector<32x1xi1>, vector<32x1xi32>
    %or3A_879 = arith.constant 2097152 : i32
    %or3A_880 = vector.broadcast %or3A_879 : i32 to vector<32x1xi32>
    %or3A_881 = arith.ori %select_n3A_878, %or3A_880 : vector<32x1xi32>
    %ge3A_882 = vector.broadcast %or3A_881 : vector<32x1xi32> to vector<32x4096xi32>
    %ge3A_883 = arith.cmpi uge, %select_n3A_736, %ge3A_882 : vector<32x4096xi32>
    %convert_element_type3A_884 = arith.extui %ge3A_883 : vector<32x4096xi1> to vector<32x4096xi32>
    %convert_element_type3A_885 = arith.sitofp %convert_element_type3A_884 : vector<32x4096xi32> to vector<32x4096xf32>
    %reduce_sum3A_886 = arith.constant dense<0.000000e+00> : vector<32xf32>
    %reduce_sum3A_887 = vector.multi_reduction <add>, %convert_element_type3A_885, %reduce_sum3A_886 [1] : vector<32x4096xf32> to vector<32xf32>
    %broadcast_in_dim3A_888 = vector.shape_cast %reduce_sum3A_887 : vector<32xf32> to vector<32x1xf32>
    %ge3A_889 = arith.constant 1.280000e+02 : f32
    %ge3A_890 = vector.broadcast %ge3A_889 : f32 to vector<32x1xf32>
    %ge3A_891 = arith.cmpf oge, %broadcast_in_dim3A_888, %ge3A_890 : vector<32x1xf32>
    %select_n3A_892 = arith.select %ge3A_891, %or3A_881, %select_n3A_878 : vector<32x1xi1>, vector<32x1xi32>
    %or3A_893 = arith.constant 1048576 : i32
    %or3A_894 = vector.broadcast %or3A_893 : i32 to vector<32x1xi32>
    %or3A_895 = arith.ori %select_n3A_892, %or3A_894 : vector<32x1xi32>
    %ge3A_896 = vector.broadcast %or3A_895 : vector<32x1xi32> to vector<32x4096xi32>
    %ge3A_897 = arith.cmpi uge, %select_n3A_736, %ge3A_896 : vector<32x4096xi32>
    %convert_element_type3A_898 = arith.extui %ge3A_897 : vector<32x4096xi1> to vector<32x4096xi32>
    %convert_element_type3A_899 = arith.sitofp %convert_element_type3A_898 : vector<32x4096xi32> to vector<32x4096xf32>
    %reduce_sum3A_900 = arith.constant dense<0.000000e+00> : vector<32xf32>
    %reduce_sum3A_901 = vector.multi_reduction <add>, %convert_element_type3A_899, %reduce_sum3A_900 [1] : vector<32x4096xf32> to vector<32xf32>
    %broadcast_in_dim3A_902 = vector.shape_cast %reduce_sum3A_901 : vector<32xf32> to vector<32x1xf32>
    %ge3A_903 = arith.constant 1.280000e+02 : f32
    %ge3A_904 = vector.broadcast %ge3A_903 : f32 to vector<32x1xf32>
    %ge3A_905 = arith.cmpf oge, %broadcast_in_dim3A_902, %ge3A_904 : vector<32x1xf32>
    %select_n3A_906 = arith.select %ge3A_905, %or3A_895, %select_n3A_892 : vector<32x1xi1>, vector<32x1xi32>
    %or3A_907 = arith.constant 524288 : i32
    %or3A_908 = vector.broadcast %or3A_907 : i32 to vector<32x1xi32>
    %or3A_909 = arith.ori %select_n3A_906, %or3A_908 : vector<32x1xi32>
    %ge3A_910 = vector.broadcast %or3A_909 : vector<32x1xi32> to vector<32x4096xi32>
    %ge3A_911 = arith.cmpi uge, %select_n3A_736, %ge3A_910 : vector<32x4096xi32>
    %convert_element_type3A_912 = arith.extui %ge3A_911 : vector<32x4096xi1> to vector<32x4096xi32>
    %convert_element_type3A_913 = arith.sitofp %convert_element_type3A_912 : vector<32x4096xi32> to vector<32x4096xf32>
    %reduce_sum3A_914 = arith.constant dense<0.000000e+00> : vector<32xf32>
    %reduce_sum3A_915 = vector.multi_reduction <add>, %convert_element_type3A_913, %reduce_sum3A_914 [1] : vector<32x4096xf32> to vector<32xf32>
    %broadcast_in_dim3A_916 = vector.shape_cast %reduce_sum3A_915 : vector<32xf32> to vector<32x1xf32>
    %ge3A_917 = arith.constant 1.280000e+02 : f32
    %ge3A_918 = vector.broadcast %ge3A_917 : f32 to vector<32x1xf32>
    %ge3A_919 = arith.cmpf oge, %broadcast_in_dim3A_916, %ge3A_918 : vector<32x1xf32>
    %select_n3A_920 = arith.select %ge3A_919, %or3A_909, %select_n3A_906 : vector<32x1xi1>, vector<32x1xi32>
    %or3A_921 = arith.constant 262144 : i32
    %or3A_922 = vector.broadcast %or3A_921 : i32 to vector<32x1xi32>
    %or3A_923 = arith.ori %select_n3A_920, %or3A_922 : vector<32x1xi32>
    %ge3A_924 = vector.broadcast %or3A_923 : vector<32x1xi32> to vector<32x4096xi32>
    %ge3A_925 = arith.cmpi uge, %select_n3A_736, %ge3A_924 : vector<32x4096xi32>
    %convert_element_type3A_926 = arith.extui %ge3A_925 : vector<32x4096xi1> to vector<32x4096xi32>
    %convert_element_type3A_927 = arith.sitofp %convert_element_type3A_926 : vector<32x4096xi32> to vector<32x4096xf32>
    %reduce_sum3A_928 = arith.constant dense<0.000000e+00> : vector<32xf32>
    %reduce_sum3A_929 = vector.multi_reduction <add>, %convert_element_type3A_927, %reduce_sum3A_928 [1] : vector<32x4096xf32> to vector<32xf32>
    %broadcast_in_dim3A_930 = vector.shape_cast %reduce_sum3A_929 : vector<32xf32> to vector<32x1xf32>
    %ge3A_931 = arith.constant 1.280000e+02 : f32
    %ge3A_932 = vector.broadcast %ge3A_931 : f32 to vector<32x1xf32>
    %ge3A_933 = arith.cmpf oge, %broadcast_in_dim3A_930, %ge3A_932 : vector<32x1xf32>
    %select_n3A_934 = arith.select %ge3A_933, %or3A_923, %select_n3A_920 : vector<32x1xi1>, vector<32x1xi32>
    %or3A_935 = arith.constant 131072 : i32
    %or3A_936 = vector.broadcast %or3A_935 : i32 to vector<32x1xi32>
    %or3A_937 = arith.ori %select_n3A_934, %or3A_936 : vector<32x1xi32>
    %ge3A_938 = vector.broadcast %or3A_937 : vector<32x1xi32> to vector<32x4096xi32>
    %ge3A_939 = arith.cmpi uge, %select_n3A_736, %ge3A_938 : vector<32x4096xi32>
    %convert_element_type3A_940 = arith.extui %ge3A_939 : vector<32x4096xi1> to vector<32x4096xi32>
    %convert_element_type3A_941 = arith.sitofp %convert_element_type3A_940 : vector<32x4096xi32> to vector<32x4096xf32>
    %reduce_sum3A_942 = arith.constant dense<0.000000e+00> : vector<32xf32>
    %reduce_sum3A_943 = vector.multi_reduction <add>, %convert_element_type3A_941, %reduce_sum3A_942 [1] : vector<32x4096xf32> to vector<32xf32>
    %broadcast_in_dim3A_944 = vector.shape_cast %reduce_sum3A_943 : vector<32xf32> to vector<32x1xf32>
    %ge3A_945 = arith.constant 1.280000e+02 : f32
    %ge3A_946 = vector.broadcast %ge3A_945 : f32 to vector<32x1xf32>
    %ge3A_947 = arith.cmpf oge, %broadcast_in_dim3A_944, %ge3A_946 : vector<32x1xf32>
    %select_n3A_948 = arith.select %ge3A_947, %or3A_937, %select_n3A_934 : vector<32x1xi1>, vector<32x1xi32>
    %or3A_949 = arith.constant 65536 : i32
    %or3A_950 = vector.broadcast %or3A_949 : i32 to vector<32x1xi32>
    %or3A_951 = arith.ori %select_n3A_948, %or3A_950 : vector<32x1xi32>
    %ge3A_952 = vector.broadcast %or3A_951 : vector<32x1xi32> to vector<32x4096xi32>
    %ge3A_953 = arith.cmpi uge, %select_n3A_736, %ge3A_952 : vector<32x4096xi32>
    %convert_element_type3A_954 = arith.extui %ge3A_953 : vector<32x4096xi1> to vector<32x4096xi32>
    %convert_element_type3A_955 = arith.sitofp %convert_element_type3A_954 : vector<32x4096xi32> to vector<32x4096xf32>
    %reduce_sum3A_956 = arith.constant dense<0.000000e+00> : vector<32xf32>
    %reduce_sum3A_957 = vector.multi_reduction <add>, %convert_element_type3A_955, %reduce_sum3A_956 [1] : vector<32x4096xf32> to vector<32xf32>
    %broadcast_in_dim3A_958 = vector.shape_cast %reduce_sum3A_957 : vector<32xf32> to vector<32x1xf32>
    %ge3A_959 = arith.constant 1.280000e+02 : f32
    %ge3A_960 = vector.broadcast %ge3A_959 : f32 to vector<32x1xf32>
    %ge3A_961 = arith.cmpf oge, %broadcast_in_dim3A_958, %ge3A_960 : vector<32x1xf32>
    %select_n3A_962 = arith.select %ge3A_961, %or3A_951, %select_n3A_948 : vector<32x1xi1>, vector<32x1xi32>
    %or3A_963 = arith.constant 32768 : i32
    %or3A_964 = vector.broadcast %or3A_963 : i32 to vector<32x1xi32>
    %or3A_965 = arith.ori %select_n3A_962, %or3A_964 : vector<32x1xi32>
    %ge3A_966 = vector.broadcast %or3A_965 : vector<32x1xi32> to vector<32x4096xi32>
    %ge3A_967 = arith.cmpi uge, %select_n3A_736, %ge3A_966 : vector<32x4096xi32>
    %convert_element_type3A_968 = arith.extui %ge3A_967 : vector<32x4096xi1> to vector<32x4096xi32>
    %convert_element_type3A_969 = arith.sitofp %convert_element_type3A_968 : vector<32x4096xi32> to vector<32x4096xf32>
    %reduce_sum3A_970 = arith.constant dense<0.000000e+00> : vector<32xf32>
    %reduce_sum3A_971 = vector.multi_reduction <add>, %convert_element_type3A_969, %reduce_sum3A_970 [1] : vector<32x4096xf32> to vector<32xf32>
    %broadcast_in_dim3A_972 = vector.shape_cast %reduce_sum3A_971 : vector<32xf32> to vector<32x1xf32>
    %ge3A_973 = arith.constant 1.280000e+02 : f32
    %ge3A_974 = vector.broadcast %ge3A_973 : f32 to vector<32x1xf32>
    %ge3A_975 = arith.cmpf oge, %broadcast_in_dim3A_972, %ge3A_974 : vector<32x1xf32>
    %select_n3A_976 = arith.select %ge3A_975, %or3A_965, %select_n3A_962 : vector<32x1xi1>, vector<32x1xi32>
    %or3A_977 = arith.constant 16384 : i32
    %or3A_978 = vector.broadcast %or3A_977 : i32 to vector<32x1xi32>
    %or3A_979 = arith.ori %select_n3A_976, %or3A_978 : vector<32x1xi32>
    %ge3A_980 = vector.broadcast %or3A_979 : vector<32x1xi32> to vector<32x4096xi32>
    %ge3A_981 = arith.cmpi uge, %select_n3A_736, %ge3A_980 : vector<32x4096xi32>
    %convert_element_type3A_982 = arith.extui %ge3A_981 : vector<32x4096xi1> to vector<32x4096xi32>
    %convert_element_type3A_983 = arith.sitofp %convert_element_type3A_982 : vector<32x4096xi32> to vector<32x4096xf32>
    %reduce_sum3A_984 = arith.constant dense<0.000000e+00> : vector<32xf32>
    %reduce_sum3A_985 = vector.multi_reduction <add>, %convert_element_type3A_983, %reduce_sum3A_984 [1] : vector<32x4096xf32> to vector<32xf32>
    %broadcast_in_dim3A_986 = vector.shape_cast %reduce_sum3A_985 : vector<32xf32> to vector<32x1xf32>
    %ge3A_987 = arith.constant 1.280000e+02 : f32
    %ge3A_988 = vector.broadcast %ge3A_987 : f32 to vector<32x1xf32>
    %ge3A_989 = arith.cmpf oge, %broadcast_in_dim3A_986, %ge3A_988 : vector<32x1xf32>
    %select_n3A_990 = arith.select %ge3A_989, %or3A_979, %select_n3A_976 : vector<32x1xi1>, vector<32x1xi32>
    %or3A_991 = arith.constant 8192 : i32
    %or3A_992 = vector.broadcast %or3A_991 : i32 to vector<32x1xi32>
    %or3A_993 = arith.ori %select_n3A_990, %or3A_992 : vector<32x1xi32>
    %ge3A_994 = vector.broadcast %or3A_993 : vector<32x1xi32> to vector<32x4096xi32>
    %ge3A_995 = arith.cmpi uge, %select_n3A_736, %ge3A_994 : vector<32x4096xi32>
    %convert_element_type3A_996 = arith.extui %ge3A_995 : vector<32x4096xi1> to vector<32x4096xi32>
    %convert_element_type3A_997 = arith.sitofp %convert_element_type3A_996 : vector<32x4096xi32> to vector<32x4096xf32>
    %reduce_sum3A_998 = arith.constant dense<0.000000e+00> : vector<32xf32>
    %reduce_sum3A_999 = vector.multi_reduction <add>, %convert_element_type3A_997, %reduce_sum3A_998 [1] : vector<32x4096xf32> to vector<32xf32>
    %broadcast_in_dim3A_1000 = vector.shape_cast %reduce_sum3A_999 : vector<32xf32> to vector<32x1xf32>
    %ge3A_1001 = arith.constant 1.280000e+02 : f32
    %ge3A_1002 = vector.broadcast %ge3A_1001 : f32 to vector<32x1xf32>
    %ge3A_1003 = arith.cmpf oge, %broadcast_in_dim3A_1000, %ge3A_1002 : vector<32x1xf32>
    %select_n3A_1004 = arith.select %ge3A_1003, %or3A_993, %select_n3A_990 : vector<32x1xi1>, vector<32x1xi32>
    %or3A_1005 = arith.constant 4096 : i32
    %or3A_1006 = vector.broadcast %or3A_1005 : i32 to vector<32x1xi32>
    %or3A_1007 = arith.ori %select_n3A_1004, %or3A_1006 : vector<32x1xi32>
    %ge3A_1008 = vector.broadcast %or3A_1007 : vector<32x1xi32> to vector<32x4096xi32>
    %ge3A_1009 = arith.cmpi uge, %select_n3A_736, %ge3A_1008 : vector<32x4096xi32>
    %convert_element_type3A_1010 = arith.extui %ge3A_1009 : vector<32x4096xi1> to vector<32x4096xi32>
    %convert_element_type3A_1011 = arith.sitofp %convert_element_type3A_1010 : vector<32x4096xi32> to vector<32x4096xf32>
    %reduce_sum3A_1012 = arith.constant dense<0.000000e+00> : vector<32xf32>
    %reduce_sum3A_1013 = vector.multi_reduction <add>, %convert_element_type3A_1011, %reduce_sum3A_1012 [1] : vector<32x4096xf32> to vector<32xf32>
    %broadcast_in_dim3A_1014 = vector.shape_cast %reduce_sum3A_1013 : vector<32xf32> to vector<32x1xf32>
    %ge3A_1015 = arith.constant 1.280000e+02 : f32
    %ge3A_1016 = vector.broadcast %ge3A_1015 : f32 to vector<32x1xf32>
    %ge3A_1017 = arith.cmpf oge, %broadcast_in_dim3A_1014, %ge3A_1016 : vector<32x1xf32>
    %select_n3A_1018 = arith.select %ge3A_1017, %or3A_1007, %select_n3A_1004 : vector<32x1xi1>, vector<32x1xi32>
    %or3A_1019 = arith.constant 2048 : i32
    %or3A_1020 = vector.broadcast %or3A_1019 : i32 to vector<32x1xi32>
    %or3A_1021 = arith.ori %select_n3A_1018, %or3A_1020 : vector<32x1xi32>
    %ge3A_1022 = vector.broadcast %or3A_1021 : vector<32x1xi32> to vector<32x4096xi32>
    %ge3A_1023 = arith.cmpi uge, %select_n3A_736, %ge3A_1022 : vector<32x4096xi32>
    %convert_element_type3A_1024 = arith.extui %ge3A_1023 : vector<32x4096xi1> to vector<32x4096xi32>
    %convert_element_type3A_1025 = arith.sitofp %convert_element_type3A_1024 : vector<32x4096xi32> to vector<32x4096xf32>
    %reduce_sum3A_1026 = arith.constant dense<0.000000e+00> : vector<32xf32>
    %reduce_sum3A_1027 = vector.multi_reduction <add>, %convert_element_type3A_1025, %reduce_sum3A_1026 [1] : vector<32x4096xf32> to vector<32xf32>
    %broadcast_in_dim3A_1028 = vector.shape_cast %reduce_sum3A_1027 : vector<32xf32> to vector<32x1xf32>
    %ge3A_1029 = arith.constant 1.280000e+02 : f32
    %ge3A_1030 = vector.broadcast %ge3A_1029 : f32 to vector<32x1xf32>
    %ge3A_1031 = arith.cmpf oge, %broadcast_in_dim3A_1028, %ge3A_1030 : vector<32x1xf32>
    %select_n3A_1032 = arith.select %ge3A_1031, %or3A_1021, %select_n3A_1018 : vector<32x1xi1>, vector<32x1xi32>
    %or3A_1033 = arith.constant 1024 : i32
    %or3A_1034 = vector.broadcast %or3A_1033 : i32 to vector<32x1xi32>
    %or3A_1035 = arith.ori %select_n3A_1032, %or3A_1034 : vector<32x1xi32>
    %ge3A_1036 = vector.broadcast %or3A_1035 : vector<32x1xi32> to vector<32x4096xi32>
    %ge3A_1037 = arith.cmpi uge, %select_n3A_736, %ge3A_1036 : vector<32x4096xi32>
    %convert_element_type3A_1038 = arith.extui %ge3A_1037 : vector<32x4096xi1> to vector<32x4096xi32>
    %convert_element_type3A_1039 = arith.sitofp %convert_element_type3A_1038 : vector<32x4096xi32> to vector<32x4096xf32>
    %reduce_sum3A_1040 = arith.constant dense<0.000000e+00> : vector<32xf32>
    %reduce_sum3A_1041 = vector.multi_reduction <add>, %convert_element_type3A_1039, %reduce_sum3A_1040 [1] : vector<32x4096xf32> to vector<32xf32>
    %broadcast_in_dim3A_1042 = vector.shape_cast %reduce_sum3A_1041 : vector<32xf32> to vector<32x1xf32>
    %ge3A_1043 = arith.constant 1.280000e+02 : f32
    %ge3A_1044 = vector.broadcast %ge3A_1043 : f32 to vector<32x1xf32>
    %ge3A_1045 = arith.cmpf oge, %broadcast_in_dim3A_1042, %ge3A_1044 : vector<32x1xf32>
    %select_n3A_1046 = arith.select %ge3A_1045, %or3A_1035, %select_n3A_1032 : vector<32x1xi1>, vector<32x1xi32>
    %or3A_1047 = arith.constant 512 : i32
    %or3A_1048 = vector.broadcast %or3A_1047 : i32 to vector<32x1xi32>
    %or3A_1049 = arith.ori %select_n3A_1046, %or3A_1048 : vector<32x1xi32>
    %ge3A_1050 = vector.broadcast %or3A_1049 : vector<32x1xi32> to vector<32x4096xi32>
    %ge3A_1051 = arith.cmpi uge, %select_n3A_736, %ge3A_1050 : vector<32x4096xi32>
    %convert_element_type3A_1052 = arith.extui %ge3A_1051 : vector<32x4096xi1> to vector<32x4096xi32>
    %convert_element_type3A_1053 = arith.sitofp %convert_element_type3A_1052 : vector<32x4096xi32> to vector<32x4096xf32>
    %reduce_sum3A_1054 = arith.constant dense<0.000000e+00> : vector<32xf32>
    %reduce_sum3A_1055 = vector.multi_reduction <add>, %convert_element_type3A_1053, %reduce_sum3A_1054 [1] : vector<32x4096xf32> to vector<32xf32>
    %broadcast_in_dim3A_1056 = vector.shape_cast %reduce_sum3A_1055 : vector<32xf32> to vector<32x1xf32>
    %ge3A_1057 = arith.constant 1.280000e+02 : f32
    %ge3A_1058 = vector.broadcast %ge3A_1057 : f32 to vector<32x1xf32>
    %ge3A_1059 = arith.cmpf oge, %broadcast_in_dim3A_1056, %ge3A_1058 : vector<32x1xf32>
    %select_n3A_1060 = arith.select %ge3A_1059, %or3A_1049, %select_n3A_1046 : vector<32x1xi1>, vector<32x1xi32>
    %or3A_1061 = arith.constant 256 : i32
    %or3A_1062 = vector.broadcast %or3A_1061 : i32 to vector<32x1xi32>
    %or3A_1063 = arith.ori %select_n3A_1060, %or3A_1062 : vector<32x1xi32>
    %ge3A_1064 = vector.broadcast %or3A_1063 : vector<32x1xi32> to vector<32x4096xi32>
    %ge3A_1065 = arith.cmpi uge, %select_n3A_736, %ge3A_1064 : vector<32x4096xi32>
    %convert_element_type3A_1066 = arith.extui %ge3A_1065 : vector<32x4096xi1> to vector<32x4096xi32>
    %convert_element_type3A_1067 = arith.sitofp %convert_element_type3A_1066 : vector<32x4096xi32> to vector<32x4096xf32>
    %reduce_sum3A_1068 = arith.constant dense<0.000000e+00> : vector<32xf32>
    %reduce_sum3A_1069 = vector.multi_reduction <add>, %convert_element_type3A_1067, %reduce_sum3A_1068 [1] : vector<32x4096xf32> to vector<32xf32>
    %broadcast_in_dim3A_1070 = vector.shape_cast %reduce_sum3A_1069 : vector<32xf32> to vector<32x1xf32>
    %ge3A_1071 = arith.constant 1.280000e+02 : f32
    %ge3A_1072 = vector.broadcast %ge3A_1071 : f32 to vector<32x1xf32>
    %ge3A_1073 = arith.cmpf oge, %broadcast_in_dim3A_1070, %ge3A_1072 : vector<32x1xf32>
    %select_n3A_1074 = arith.select %ge3A_1073, %or3A_1063, %select_n3A_1060 : vector<32x1xi1>, vector<32x1xi32>
    %or3A_1075 = arith.constant 128 : i32
    %or3A_1076 = vector.broadcast %or3A_1075 : i32 to vector<32x1xi32>
    %or3A_1077 = arith.ori %select_n3A_1074, %or3A_1076 : vector<32x1xi32>
    %ge3A_1078 = vector.broadcast %or3A_1077 : vector<32x1xi32> to vector<32x4096xi32>
    %ge3A_1079 = arith.cmpi uge, %select_n3A_736, %ge3A_1078 : vector<32x4096xi32>
    %convert_element_type3A_1080 = arith.extui %ge3A_1079 : vector<32x4096xi1> to vector<32x4096xi32>
    %convert_element_type3A_1081 = arith.sitofp %convert_element_type3A_1080 : vector<32x4096xi32> to vector<32x4096xf32>
    %reduce_sum3A_1082 = arith.constant dense<0.000000e+00> : vector<32xf32>
    %reduce_sum3A_1083 = vector.multi_reduction <add>, %convert_element_type3A_1081, %reduce_sum3A_1082 [1] : vector<32x4096xf32> to vector<32xf32>
    %broadcast_in_dim3A_1084 = vector.shape_cast %reduce_sum3A_1083 : vector<32xf32> to vector<32x1xf32>
    %ge3A_1085 = arith.constant 1.280000e+02 : f32
    %ge3A_1086 = vector.broadcast %ge3A_1085 : f32 to vector<32x1xf32>
    %ge3A_1087 = arith.cmpf oge, %broadcast_in_dim3A_1084, %ge3A_1086 : vector<32x1xf32>
    %select_n3A_1088 = arith.select %ge3A_1087, %or3A_1077, %select_n3A_1074 : vector<32x1xi1>, vector<32x1xi32>
    %or3A_1089 = arith.constant 64 : i32
    %or3A_1090 = vector.broadcast %or3A_1089 : i32 to vector<32x1xi32>
    %or3A_1091 = arith.ori %select_n3A_1088, %or3A_1090 : vector<32x1xi32>
    %ge3A_1092 = vector.broadcast %or3A_1091 : vector<32x1xi32> to vector<32x4096xi32>
    %ge3A_1093 = arith.cmpi uge, %select_n3A_736, %ge3A_1092 : vector<32x4096xi32>
    %convert_element_type3A_1094 = arith.extui %ge3A_1093 : vector<32x4096xi1> to vector<32x4096xi32>
    %convert_element_type3A_1095 = arith.sitofp %convert_element_type3A_1094 : vector<32x4096xi32> to vector<32x4096xf32>
    %reduce_sum3A_1096 = arith.constant dense<0.000000e+00> : vector<32xf32>
    %reduce_sum3A_1097 = vector.multi_reduction <add>, %convert_element_type3A_1095, %reduce_sum3A_1096 [1] : vector<32x4096xf32> to vector<32xf32>
    %broadcast_in_dim3A_1098 = vector.shape_cast %reduce_sum3A_1097 : vector<32xf32> to vector<32x1xf32>
    %ge3A_1099 = arith.constant 1.280000e+02 : f32
    %ge3A_1100 = vector.broadcast %ge3A_1099 : f32 to vector<32x1xf32>
    %ge3A_1101 = arith.cmpf oge, %broadcast_in_dim3A_1098, %ge3A_1100 : vector<32x1xf32>
    %select_n3A_1102 = arith.select %ge3A_1101, %or3A_1091, %select_n3A_1088 : vector<32x1xi1>, vector<32x1xi32>
    %or3A_1103 = arith.constant 32 : i32
    %or3A_1104 = vector.broadcast %or3A_1103 : i32 to vector<32x1xi32>
    %or3A_1105 = arith.ori %select_n3A_1102, %or3A_1104 : vector<32x1xi32>
    %ge3A_1106 = vector.broadcast %or3A_1105 : vector<32x1xi32> to vector<32x4096xi32>
    %ge3A_1107 = arith.cmpi uge, %select_n3A_736, %ge3A_1106 : vector<32x4096xi32>
    %convert_element_type3A_1108 = arith.extui %ge3A_1107 : vector<32x4096xi1> to vector<32x4096xi32>
    %convert_element_type3A_1109 = arith.sitofp %convert_element_type3A_1108 : vector<32x4096xi32> to vector<32x4096xf32>
    %reduce_sum3A_1110 = arith.constant dense<0.000000e+00> : vector<32xf32>
    %reduce_sum3A_1111 = vector.multi_reduction <add>, %convert_element_type3A_1109, %reduce_sum3A_1110 [1] : vector<32x4096xf32> to vector<32xf32>
    %broadcast_in_dim3A_1112 = vector.shape_cast %reduce_sum3A_1111 : vector<32xf32> to vector<32x1xf32>
    %ge3A_1113 = arith.constant 1.280000e+02 : f32
    %ge3A_1114 = vector.broadcast %ge3A_1113 : f32 to vector<32x1xf32>
    %ge3A_1115 = arith.cmpf oge, %broadcast_in_dim3A_1112, %ge3A_1114 : vector<32x1xf32>
    %select_n3A_1116 = arith.select %ge3A_1115, %or3A_1105, %select_n3A_1102 : vector<32x1xi1>, vector<32x1xi32>
    %or3A_1117 = arith.constant 16 : i32
    %or3A_1118 = vector.broadcast %or3A_1117 : i32 to vector<32x1xi32>
    %or3A_1119 = arith.ori %select_n3A_1116, %or3A_1118 : vector<32x1xi32>
    %ge3A_1120 = vector.broadcast %or3A_1119 : vector<32x1xi32> to vector<32x4096xi32>
    %ge3A_1121 = arith.cmpi uge, %select_n3A_736, %ge3A_1120 : vector<32x4096xi32>
    %convert_element_type3A_1122 = arith.extui %ge3A_1121 : vector<32x4096xi1> to vector<32x4096xi32>
    %convert_element_type3A_1123 = arith.sitofp %convert_element_type3A_1122 : vector<32x4096xi32> to vector<32x4096xf32>
    %reduce_sum3A_1124 = arith.constant dense<0.000000e+00> : vector<32xf32>
    %reduce_sum3A_1125 = vector.multi_reduction <add>, %convert_element_type3A_1123, %reduce_sum3A_1124 [1] : vector<32x4096xf32> to vector<32xf32>
    %broadcast_in_dim3A_1126 = vector.shape_cast %reduce_sum3A_1125 : vector<32xf32> to vector<32x1xf32>
    %ge3A_1127 = arith.constant 1.280000e+02 : f32
    %ge3A_1128 = vector.broadcast %ge3A_1127 : f32 to vector<32x1xf32>
    %ge3A_1129 = arith.cmpf oge, %broadcast_in_dim3A_1126, %ge3A_1128 : vector<32x1xf32>
    %select_n3A_1130 = arith.select %ge3A_1129, %or3A_1119, %select_n3A_1116 : vector<32x1xi1>, vector<32x1xi32>
    %or3A_1131 = arith.constant 8 : i32
    %or3A_1132 = vector.broadcast %or3A_1131 : i32 to vector<32x1xi32>
    %or3A_1133 = arith.ori %select_n3A_1130, %or3A_1132 : vector<32x1xi32>
    %ge3A_1134 = vector.broadcast %or3A_1133 : vector<32x1xi32> to vector<32x4096xi32>
    %ge3A_1135 = arith.cmpi uge, %select_n3A_736, %ge3A_1134 : vector<32x4096xi32>
    %convert_element_type3A_1136 = arith.extui %ge3A_1135 : vector<32x4096xi1> to vector<32x4096xi32>
    %convert_element_type3A_1137 = arith.sitofp %convert_element_type3A_1136 : vector<32x4096xi32> to vector<32x4096xf32>
    %reduce_sum3A_1138 = arith.constant dense<0.000000e+00> : vector<32xf32>
    %reduce_sum3A_1139 = vector.multi_reduction <add>, %convert_element_type3A_1137, %reduce_sum3A_1138 [1] : vector<32x4096xf32> to vector<32xf32>
    %broadcast_in_dim3A_1140 = vector.shape_cast %reduce_sum3A_1139 : vector<32xf32> to vector<32x1xf32>
    %ge3A_1141 = arith.constant 1.280000e+02 : f32
    %ge3A_1142 = vector.broadcast %ge3A_1141 : f32 to vector<32x1xf32>
    %ge3A_1143 = arith.cmpf oge, %broadcast_in_dim3A_1140, %ge3A_1142 : vector<32x1xf32>
    %select_n3A_1144 = arith.select %ge3A_1143, %or3A_1133, %select_n3A_1130 : vector<32x1xi1>, vector<32x1xi32>
    %or3A_1145 = arith.constant 4 : i32
    %or3A_1146 = vector.broadcast %or3A_1145 : i32 to vector<32x1xi32>
    %or3A_1147 = arith.ori %select_n3A_1144, %or3A_1146 : vector<32x1xi32>
    %ge3A_1148 = vector.broadcast %or3A_1147 : vector<32x1xi32> to vector<32x4096xi32>
    %ge3A_1149 = arith.cmpi uge, %select_n3A_736, %ge3A_1148 : vector<32x4096xi32>
    %convert_element_type3A_1150 = arith.extui %ge3A_1149 : vector<32x4096xi1> to vector<32x4096xi32>
    %convert_element_type3A_1151 = arith.sitofp %convert_element_type3A_1150 : vector<32x4096xi32> to vector<32x4096xf32>
    %reduce_sum3A_1152 = arith.constant dense<0.000000e+00> : vector<32xf32>
    %reduce_sum3A_1153 = vector.multi_reduction <add>, %convert_element_type3A_1151, %reduce_sum3A_1152 [1] : vector<32x4096xf32> to vector<32xf32>
    %broadcast_in_dim3A_1154 = vector.shape_cast %reduce_sum3A_1153 : vector<32xf32> to vector<32x1xf32>
    %ge3A_1155 = arith.constant 1.280000e+02 : f32
    %ge3A_1156 = vector.broadcast %ge3A_1155 : f32 to vector<32x1xf32>
    %ge3A_1157 = arith.cmpf oge, %broadcast_in_dim3A_1154, %ge3A_1156 : vector<32x1xf32>
    %select_n3A_1158 = arith.select %ge3A_1157, %or3A_1147, %select_n3A_1144 : vector<32x1xi1>, vector<32x1xi32>
    %or3A_1159 = arith.constant 2 : i32
    %or3A_1160 = vector.broadcast %or3A_1159 : i32 to vector<32x1xi32>
    %or3A_1161 = arith.ori %select_n3A_1158, %or3A_1160 : vector<32x1xi32>
    %ge3A_1162 = vector.broadcast %or3A_1161 : vector<32x1xi32> to vector<32x4096xi32>
    %ge3A_1163 = arith.cmpi uge, %select_n3A_736, %ge3A_1162 : vector<32x4096xi32>
    %convert_element_type3A_1164 = arith.extui %ge3A_1163 : vector<32x4096xi1> to vector<32x4096xi32>
    %convert_element_type3A_1165 = arith.sitofp %convert_element_type3A_1164 : vector<32x4096xi32> to vector<32x4096xf32>
    %reduce_sum3A_1166 = arith.constant dense<0.000000e+00> : vector<32xf32>
    %reduce_sum3A_1167 = vector.multi_reduction <add>, %convert_element_type3A_1165, %reduce_sum3A_1166 [1] : vector<32x4096xf32> to vector<32xf32>
    %broadcast_in_dim3A_1168 = vector.shape_cast %reduce_sum3A_1167 : vector<32xf32> to vector<32x1xf32>
    %ge3A_1169 = arith.constant 1.280000e+02 : f32
    %ge3A_1170 = vector.broadcast %ge3A_1169 : f32 to vector<32x1xf32>
    %ge3A_1171 = arith.cmpf oge, %broadcast_in_dim3A_1168, %ge3A_1170 : vector<32x1xf32>
    %select_n3A_1172 = arith.select %ge3A_1171, %or3A_1161, %select_n3A_1158 : vector<32x1xi1>, vector<32x1xi32>
    %or3A_1173 = arith.constant 1 : i32
    %or3A_1174 = vector.broadcast %or3A_1173 : i32 to vector<32x1xi32>
    %or3A_1175 = arith.ori %select_n3A_1172, %or3A_1174 : vector<32x1xi32>
    %ge3A_1176 = vector.broadcast %or3A_1175 : vector<32x1xi32> to vector<32x4096xi32>
    %ge3A_1177 = arith.cmpi uge, %select_n3A_736, %ge3A_1176 : vector<32x4096xi32>
    %convert_element_type3A_1178 = arith.extui %ge3A_1177 : vector<32x4096xi1> to vector<32x4096xi32>
    %convert_element_type3A_1179 = arith.sitofp %convert_element_type3A_1178 : vector<32x4096xi32> to vector<32x4096xf32>
    %reduce_sum3A_1180 = arith.constant dense<0.000000e+00> : vector<32xf32>
    %reduce_sum3A_1181 = vector.multi_reduction <add>, %convert_element_type3A_1179, %reduce_sum3A_1180 [1] : vector<32x4096xf32> to vector<32xf32>
    %broadcast_in_dim3A_1182 = vector.shape_cast %reduce_sum3A_1181 : vector<32xf32> to vector<32x1xf32>
    %ge3A_1183 = arith.constant 1.280000e+02 : f32
    %ge3A_1184 = vector.broadcast %ge3A_1183 : f32 to vector<32x1xf32>
    %ge3A_1185 = arith.cmpf oge, %broadcast_in_dim3A_1182, %ge3A_1184 : vector<32x1xf32>
    %select_n3A_1186 = arith.select %ge3A_1185, %or3A_1175, %select_n3A_1172 : vector<32x1xi1>, vector<32x1xi32>
    %gt3A_1187 = vector.broadcast %select_n3A_1186 : vector<32x1xi32> to vector<32x4096xi32>
    %gt3A_1188 = arith.cmpi ugt, %select_n3A_736, %gt3A_1187 : vector<32x4096xi32>
    %eq3A_1189 = vector.broadcast %select_n3A_1186 : vector<32x1xi32> to vector<32x4096xi32>
    %eq3A_1190 = arith.cmpi eq, %select_n3A_736, %eq3A_1189 : vector<32x4096xi32>
    %convert_element_type3A_1191 = arith.extui %gt3A_1188 : vector<32x4096xi1> to vector<32x4096xi32>
    %reduce_sum3A_1192 = arith.constant dense<0> : vector<32xi32>
    %reduce_sum3A_1193 = vector.multi_reduction <add>, %convert_element_type3A_1191, %reduce_sum3A_1192 [1] : vector<32x4096xi32> to vector<32xi32>
    %broadcast_in_dim3A_1194 = vector.shape_cast %reduce_sum3A_1193 : vector<32xi32> to vector<32x1xi32>
    %sub3A_1195 = arith.constant 128 : i32
    %sub3A_1196 = vector.broadcast %sub3A_1195 : i32 to vector<32x1xi32>
    %sub3A_1197 = arith.subi %sub3A_1196, %broadcast_in_dim3A_1194 : vector<32x1xi32>
    %convert_element_type3A_1198 = arith.extui %eq3A_1190 : vector<32x4096xi1> to vector<32x4096xi32>
    %jit3A_1199 = arith.constant 0 : i32
    %pad3A_1200 = vector.broadcast %jit3A_1199 : i32 to vector<32x1xi32>
    %pad3A_1201 = tpu.concatenate %pad3A_1200, %convert_element_type3A_1198 in 1 : vector<32x1xi32>, vector<32x4096xi32> -> vector<32x4097xi32>
    %slice3A_1202 = vector.extract_strided_slice %pad3A_1201 {offsets = [0, 0], sizes = [32, 4096], strides = [1, 1]} : vector<32x4097xi32> to vector<32x4096xi32>
    %add3A_1203 = arith.addi %convert_element_type3A_1198, %slice3A_1202 : vector<32x4096xi32>
    %jit3A_1204 = arith.constant 0 : i32
    %pad3A_1205 = vector.broadcast %jit3A_1204 : i32 to vector<32x2xi32>
    %pad3A_1206 = tpu.concatenate %pad3A_1205, %add3A_1203 in 1 : vector<32x2xi32>, vector<32x4096xi32> -> vector<32x4098xi32>
    %slice3A_1207 = vector.extract_strided_slice %pad3A_1206 {offsets = [0, 0], sizes = [32, 4096], strides = [1, 1]} : vector<32x4098xi32> to vector<32x4096xi32>
    %add3A_1208 = arith.addi %add3A_1203, %slice3A_1207 : vector<32x4096xi32>
    %jit3A_1209 = arith.constant 0 : i32
    %pad3A_1210 = vector.broadcast %jit3A_1209 : i32 to vector<32x4xi32>
    %pad3A_1211 = tpu.concatenate %pad3A_1210, %add3A_1208 in 1 : vector<32x4xi32>, vector<32x4096xi32> -> vector<32x4100xi32>
    %slice3A_1212 = vector.extract_strided_slice %pad3A_1211 {offsets = [0, 0], sizes = [32, 4096], strides = [1, 1]} : vector<32x4100xi32> to vector<32x4096xi32>
    %add3A_1213 = arith.addi %add3A_1208, %slice3A_1212 : vector<32x4096xi32>
    %jit3A_1214 = arith.constant 0 : i32
    %pad3A_1215 = vector.broadcast %jit3A_1214 : i32 to vector<32x8xi32>
    %pad3A_1216 = tpu.concatenate %pad3A_1215, %add3A_1213 in 1 : vector<32x8xi32>, vector<32x4096xi32> -> vector<32x4104xi32>
    %slice3A_1217 = vector.extract_strided_slice %pad3A_1216 {offsets = [0, 0], sizes = [32, 4096], strides = [1, 1]} : vector<32x4104xi32> to vector<32x4096xi32>
    %add3A_1218 = arith.addi %add3A_1213, %slice3A_1217 : vector<32x4096xi32>
    %jit3A_1219 = arith.constant 0 : i32
    %pad3A_1220 = vector.broadcast %jit3A_1219 : i32 to vector<32x16xi32>
    %pad3A_1221 = tpu.concatenate %pad3A_1220, %add3A_1218 in 1 : vector<32x16xi32>, vector<32x4096xi32> -> vector<32x4112xi32>
    %slice3A_1222 = vector.extract_strided_slice %pad3A_1221 {offsets = [0, 0], sizes = [32, 4096], strides = [1, 1]} : vector<32x4112xi32> to vector<32x4096xi32>
    %add3A_1223 = arith.addi %add3A_1218, %slice3A_1222 : vector<32x4096xi32>
    %jit3A_1224 = arith.constant 0 : i32
    %pad3A_1225 = vector.broadcast %jit3A_1224 : i32 to vector<32x32xi32>
    %pad3A_1226 = tpu.concatenate %pad3A_1225, %add3A_1223 in 1 : vector<32x32xi32>, vector<32x4096xi32> -> vector<32x4128xi32>
    %slice3A_1227 = vector.extract_strided_slice %pad3A_1226 {offsets = [0, 0], sizes = [32, 4096], strides = [1, 1]} : vector<32x4128xi32> to vector<32x4096xi32>
    %add3A_1228 = arith.addi %add3A_1223, %slice3A_1227 : vector<32x4096xi32>
    %jit3A_1229 = arith.constant 0 : i32
    %pad3A_1230 = vector.broadcast %jit3A_1229 : i32 to vector<32x64xi32>
    %pad3A_1231 = tpu.concatenate %pad3A_1230, %add3A_1228 in 1 : vector<32x64xi32>, vector<32x4096xi32> -> vector<32x4160xi32>
    %slice3A_1232 = vector.extract_strided_slice %pad3A_1231 {offsets = [0, 0], sizes = [32, 4096], strides = [1, 1]} : vector<32x4160xi32> to vector<32x4096xi32>
    %add3A_1233 = arith.addi %add3A_1228, %slice3A_1232 : vector<32x4096xi32>
    %jit3A_1234 = arith.constant 0 : i32
    %pad3A_1235 = vector.broadcast %jit3A_1234 : i32 to vector<32x128xi32>
    %pad3A_1236 = tpu.concatenate %pad3A_1235, %add3A_1233 in 1 : vector<32x128xi32>, vector<32x4096xi32> -> vector<32x4224xi32>
    %slice3A_1237 = vector.extract_strided_slice %pad3A_1236 {offsets = [0, 0], sizes = [32, 4096], strides = [1, 1]} : vector<32x4224xi32> to vector<32x4096xi32>
    %add3A_1238 = arith.addi %add3A_1233, %slice3A_1237 : vector<32x4096xi32>
    %jit3A_1239 = arith.constant 0 : i32
    %pad3A_1240 = vector.broadcast %jit3A_1239 : i32 to vector<32x256xi32>
    %pad3A_1241 = tpu.concatenate %pad3A_1240, %add3A_1238 in 1 : vector<32x256xi32>, vector<32x4096xi32> -> vector<32x4352xi32>
    %slice3A_1242 = vector.extract_strided_slice %pad3A_1241 {offsets = [0, 0], sizes = [32, 4096], strides = [1, 1]} : vector<32x4352xi32> to vector<32x4096xi32>
    %add3A_1243 = arith.addi %add3A_1238, %slice3A_1242 : vector<32x4096xi32>
    %jit3A_1244 = arith.constant 0 : i32
    %pad3A_1245 = vector.broadcast %jit3A_1244 : i32 to vector<32x512xi32>
    %pad3A_1246 = tpu.concatenate %pad3A_1245, %add3A_1243 in 1 : vector<32x512xi32>, vector<32x4096xi32> -> vector<32x4608xi32>
    %slice3A_1247 = vector.extract_strided_slice %pad3A_1246 {offsets = [0, 0], sizes = [32, 4096], strides = [1, 1]} : vector<32x4608xi32> to vector<32x4096xi32>
    %add3A_1248 = arith.addi %add3A_1243, %slice3A_1247 : vector<32x4096xi32>
    %jit3A_1249 = arith.constant 0 : i32
    %pad3A_1250 = vector.broadcast %jit3A_1249 : i32 to vector<32x1024xi32>
    %pad3A_1251 = tpu.concatenate %pad3A_1250, %add3A_1248 in 1 : vector<32x1024xi32>, vector<32x4096xi32> -> vector<32x5120xi32>
    %slice3A_1252 = vector.extract_strided_slice %pad3A_1251 {offsets = [0, 0], sizes = [32, 4096], strides = [1, 1]} : vector<32x5120xi32> to vector<32x4096xi32>
    %add3A_1253 = arith.addi %add3A_1248, %slice3A_1252 : vector<32x4096xi32>
    %jit3A_1254 = arith.constant 0 : i32
    %pad3A_1255 = vector.broadcast %jit3A_1254 : i32 to vector<32x2048xi32>
    %pad3A_1256 = tpu.concatenate %pad3A_1255, %add3A_1253 in 1 : vector<32x2048xi32>, vector<32x4096xi32> -> vector<32x6144xi32>
    %slice3A_1257 = vector.extract_strided_slice %pad3A_1256 {offsets = [0, 0], sizes = [32, 4096], strides = [1, 1]} : vector<32x6144xi32> to vector<32x4096xi32>
    %add3A_1258 = arith.addi %add3A_1253, %slice3A_1257 : vector<32x4096xi32>
    %le3A_1259 = vector.broadcast %sub3A_1197 : vector<32x1xi32> to vector<32x4096xi32>
    %le3A_1260 = arith.cmpi sle, %add3A_1258, %le3A_1259 : vector<32x4096xi32>
    %and3A_1261 = arith.andi %eq3A_1190, %le3A_1260 : vector<32x4096xi1>
    %or3A_1262 = arith.ori %gt3A_1188, %and3A_1261 : vector<32x4096xi1>
    %convert_element_type3A_1263 = arith.extui %or3A_1262 : vector<32x4096xi1> to vector<32x4096xi32>
    %jit3A_1264 = arith.constant 0 : i32
    %pad3A_1265 = vector.broadcast %jit3A_1264 : i32 to vector<32x1xi32>
    %pad3A_1266 = tpu.concatenate %pad3A_1265, %convert_element_type3A_1263 in 1 : vector<32x1xi32>, vector<32x4096xi32> -> vector<32x4097xi32>
    %slice3A_1267 = vector.extract_strided_slice %pad3A_1266 {offsets = [0, 0], sizes = [32, 4096], strides = [1, 1]} : vector<32x4097xi32> to vector<32x4096xi32>
    %add3A_1268 = arith.addi %convert_element_type3A_1263, %slice3A_1267 : vector<32x4096xi32>
    %jit3A_1269 = arith.constant 0 : i32
    %pad3A_1270 = vector.broadcast %jit3A_1269 : i32 to vector<32x2xi32>
    %pad3A_1271 = tpu.concatenate %pad3A_1270, %add3A_1268 in 1 : vector<32x2xi32>, vector<32x4096xi32> -> vector<32x4098xi32>
    %slice3A_1272 = vector.extract_strided_slice %pad3A_1271 {offsets = [0, 0], sizes = [32, 4096], strides = [1, 1]} : vector<32x4098xi32> to vector<32x4096xi32>
    %add3A_1273 = arith.addi %add3A_1268, %slice3A_1272 : vector<32x4096xi32>
    %jit3A_1274 = arith.constant 0 : i32
    %pad3A_1275 = vector.broadcast %jit3A_1274 : i32 to vector<32x4xi32>
    %pad3A_1276 = tpu.concatenate %pad3A_1275, %add3A_1273 in 1 : vector<32x4xi32>, vector<32x4096xi32> -> vector<32x4100xi32>
    %slice3A_1277 = vector.extract_strided_slice %pad3A_1276 {offsets = [0, 0], sizes = [32, 4096], strides = [1, 1]} : vector<32x4100xi32> to vector<32x4096xi32>
    %add3A_1278 = arith.addi %add3A_1273, %slice3A_1277 : vector<32x4096xi32>
    %jit3A_1279 = arith.constant 0 : i32
    %pad3A_1280 = vector.broadcast %jit3A_1279 : i32 to vector<32x8xi32>
    %pad3A_1281 = tpu.concatenate %pad3A_1280, %add3A_1278 in 1 : vector<32x8xi32>, vector<32x4096xi32> -> vector<32x4104xi32>
    %slice3A_1282 = vector.extract_strided_slice %pad3A_1281 {offsets = [0, 0], sizes = [32, 4096], strides = [1, 1]} : vector<32x4104xi32> to vector<32x4096xi32>
    %add3A_1283 = arith.addi %add3A_1278, %slice3A_1282 : vector<32x4096xi32>
    %jit3A_1284 = arith.constant 0 : i32
    %pad3A_1285 = vector.broadcast %jit3A_1284 : i32 to vector<32x16xi32>
    %pad3A_1286 = tpu.concatenate %pad3A_1285, %add3A_1283 in 1 : vector<32x16xi32>, vector<32x4096xi32> -> vector<32x4112xi32>
    %slice3A_1287 = vector.extract_strided_slice %pad3A_1286 {offsets = [0, 0], sizes = [32, 4096], strides = [1, 1]} : vector<32x4112xi32> to vector<32x4096xi32>
    %add3A_1288 = arith.addi %add3A_1283, %slice3A_1287 : vector<32x4096xi32>
    %jit3A_1289 = arith.constant 0 : i32
    %pad3A_1290 = vector.broadcast %jit3A_1289 : i32 to vector<32x32xi32>
    %pad3A_1291 = tpu.concatenate %pad3A_1290, %add3A_1288 in 1 : vector<32x32xi32>, vector<32x4096xi32> -> vector<32x4128xi32>
    %slice3A_1292 = vector.extract_strided_slice %pad3A_1291 {offsets = [0, 0], sizes = [32, 4096], strides = [1, 1]} : vector<32x4128xi32> to vector<32x4096xi32>
    %add3A_1293 = arith.addi %add3A_1288, %slice3A_1292 : vector<32x4096xi32>
    %jit3A_1294 = arith.constant 0 : i32
    %pad3A_1295 = vector.broadcast %jit3A_1294 : i32 to vector<32x64xi32>
    %pad3A_1296 = tpu.concatenate %pad3A_1295, %add3A_1293 in 1 : vector<32x64xi32>, vector<32x4096xi32> -> vector<32x4160xi32>
    %slice3A_1297 = vector.extract_strided_slice %pad3A_1296 {offsets = [0, 0], sizes = [32, 4096], strides = [1, 1]} : vector<32x4160xi32> to vector<32x4096xi32>
    %add3A_1298 = arith.addi %add3A_1293, %slice3A_1297 : vector<32x4096xi32>
    %jit3A_1299 = arith.constant 0 : i32
    %pad3A_1300 = vector.broadcast %jit3A_1299 : i32 to vector<32x128xi32>
    %pad3A_1301 = tpu.concatenate %pad3A_1300, %add3A_1298 in 1 : vector<32x128xi32>, vector<32x4096xi32> -> vector<32x4224xi32>
    %slice3A_1302 = vector.extract_strided_slice %pad3A_1301 {offsets = [0, 0], sizes = [32, 4096], strides = [1, 1]} : vector<32x4224xi32> to vector<32x4096xi32>
    %add3A_1303 = arith.addi %add3A_1298, %slice3A_1302 : vector<32x4096xi32>
    %jit3A_1304 = arith.constant 0 : i32
    %pad3A_1305 = vector.broadcast %jit3A_1304 : i32 to vector<32x256xi32>
    %pad3A_1306 = tpu.concatenate %pad3A_1305, %add3A_1303 in 1 : vector<32x256xi32>, vector<32x4096xi32> -> vector<32x4352xi32>
    %slice3A_1307 = vector.extract_strided_slice %pad3A_1306 {offsets = [0, 0], sizes = [32, 4096], strides = [1, 1]} : vector<32x4352xi32> to vector<32x4096xi32>
    %add3A_1308 = arith.addi %add3A_1303, %slice3A_1307 : vector<32x4096xi32>
    %jit3A_1309 = arith.constant 0 : i32
    %pad3A_1310 = vector.broadcast %jit3A_1309 : i32 to vector<32x512xi32>
    %pad3A_1311 = tpu.concatenate %pad3A_1310, %add3A_1308 in 1 : vector<32x512xi32>, vector<32x4096xi32> -> vector<32x4608xi32>
    %slice3A_1312 = vector.extract_strided_slice %pad3A_1311 {offsets = [0, 0], sizes = [32, 4096], strides = [1, 1]} : vector<32x4608xi32> to vector<32x4096xi32>
    %add3A_1313 = arith.addi %add3A_1308, %slice3A_1312 : vector<32x4096xi32>
    %jit3A_1314 = arith.constant 0 : i32
    %pad3A_1315 = vector.broadcast %jit3A_1314 : i32 to vector<32x1024xi32>
    %pad3A_1316 = tpu.concatenate %pad3A_1315, %add3A_1313 in 1 : vector<32x1024xi32>, vector<32x4096xi32> -> vector<32x5120xi32>
    %slice3A_1317 = vector.extract_strided_slice %pad3A_1316 {offsets = [0, 0], sizes = [32, 4096], strides = [1, 1]} : vector<32x5120xi32> to vector<32x4096xi32>
    %add3A_1318 = arith.addi %add3A_1313, %slice3A_1317 : vector<32x4096xi32>
    %jit3A_1319 = arith.constant 0 : i32
    %pad3A_1320 = vector.broadcast %jit3A_1319 : i32 to vector<32x2048xi32>
    %pad3A_1321 = tpu.concatenate %pad3A_1320, %add3A_1318 in 1 : vector<32x2048xi32>, vector<32x4096xi32> -> vector<32x6144xi32>
    %slice3A_1322 = vector.extract_strided_slice %pad3A_1321 {offsets = [0, 0], sizes = [32, 4096], strides = [1, 1]} : vector<32x6144xi32> to vector<32x4096xi32>
    %add3A_1323 = arith.addi %add3A_1318, %slice3A_1322 : vector<32x4096xi32>
    %sub3A_1324 = arith.constant 1 : i32
    %sub3A_1325 = vector.broadcast %sub3A_1324 : i32 to vector<32x4096xi32>
    %sub3A_1326 = arith.subi %add3A_1323, %sub3A_1325 : vector<32x4096xi32>
    %jit3A_1327 = arith.constant -1 : i32
    %broadcast_in_dim3A_1328 = vector.broadcast %jit3A_1327 : i32 to vector<32x4096xi32>
    %select_n3A_1329 = arith.select %or3A_1262, %sub3A_1326, %broadcast_in_dim3A_1328 : vector<32x4096xi1>, vector<32x4096xi32>
    %swap3A_1330 = arith.constant 0 : index
    %swap3A_1331 = arith.constant 0 : index
    %swap3A_1332 = arith.constant 0 : index
    %swap3A_1333 = vector.load %arg5[%swap3A_1330, %swap3A_1331, %swap3A_1332] : memref<1x32x4096xi32, #tpu.memory_space<vmem>>, vector<1x32x4096xi32>
    %swap3A_1334 = vector.shape_cast %swap3A_1333 : vector<1x32x4096xi32> to vector<32x4096xi32>
    %swap3A_1335 = vector.shape_cast %select_n3A_1329 : vector<32x4096xi32> to vector<1x32x4096xi32>
    tpu.vector_store %arg5[%swap3A_1330, %swap3A_1331, %swap3A_1332], %swap3A_1335 {strides = array<i32>} : memref<1x32x4096xi32, #tpu.memory_space<vmem>>, vector<1x32x4096xi32>,
    %broadcast_in_dim3A_1336 = vector.broadcast %add3A_726 : f32 to vector<1x128xf32>
    %swap3A_1337 = arith.constant 0 : index
    %swap3A_1338 = arith.constant 0 : index
    %swap3A_1339 = arith.constant 0 : index
    %swap3A_1340 = vector.load %arg7[%swap3A_1337, %swap3A_1338, %swap3A_1339] : memref<1x1x128xf32, #tpu.memory_space<vmem>>, vector<1x1x128xf32>
    %swap3A_1341 = vector.shape_cast %swap3A_1340 : vector<1x1x128xf32> to vector<1x128xf32>
    %swap3A_1342 = vector.shape_cast %broadcast_in_dim3A_1336 : vector<1x128xf32> to vector<1x1x128xf32>
    tpu.vector_store %arg7[%swap3A_1337, %swap3A_1338, %swap3A_1339], %swap3A_1342 {strides = array<i32>} : memref<1x1x128xf32, #tpu.memory_space<vmem>>, vector<1x1x128xf32>,
    return
  }
  func.func @transform_0(%arg0: i32) -> (i32, i32, i32) {
    %c0_i32 = arith.constant 0 : i32
    %c0_i32_0 = arith.constant 0 : i32
    %c0_i32_1 = arith.constant 0 : i32
    return %arg0, %c0_i32, %c0_i32_0 : i32, i32, i32
  }
  func.func @transform_1(%arg0: i32) -> (i32, i32, i32) {
    %c0_i32 = arith.constant 0 : i32
    %c0_i32_0 = arith.constant 0 : i32
    %c0_i32_1 = arith.constant 0 : i32
    return %arg0, %c0_i32, %c0_i32_0 : i32, i32, i32
  }
  func.func @transform_2(%arg0: i32) -> (i32, i32, i32) {
    %jit3A = arith.constant 16 : i32
    %eq3A = arith.constant 0 : i32
    %eq3A_0 = arith.cmpi eq, %jit3A, %eq3A : i32
    %jit3A_1 = arith.constant 1 : i32
    %select_n3A = arith.select %eq3A_0, %jit3A_1, %jit3A : i32
    %rem3A = arith.remsi %arg0, %select_n3A : i32
    %ne3A = arith.constant 0 : i32
    %ne3A_2 = arith.cmpi ne, %rem3A, %ne3A : i32
    %lt3A = arith.constant 0 : i32
    %lt3A_3 = arith.cmpi slt, %rem3A, %lt3A : i32
    %lt3A_4 = arith.constant 0 : i32
    %lt3A_5 = arith.cmpi slt, %select_n3A, %lt3A_4 : i32
    %ne3A_6 = arith.xori %lt3A_3, %lt3A_5 : i1
    %and3A = arith.andi %ne3A_6, %ne3A_2 : i1
    %add3A = arith.addi %rem3A, %select_n3A : i32
    %select_n3A_7 = arith.select %and3A, %add3A, %rem3A : i32
    %c0_i32 = arith.constant 0 : i32
    %c0_i32_8 = arith.constant 0 : i32
    %c0_i32_9 = arith.constant 0 : i32
    return %select_n3A_7, %c0_i32, %c0_i32_8 : i32, i32, i32
  }
  func.func @transform_3(%arg0: i32) -> (i32, i32, i32) {
    %c0_i32 = arith.constant 0 : i32
    %c0_i32_0 = arith.constant 0 : i32
    %c0_i32_1 = arith.constant 0 : i32
    return %arg0, %c0_i32, %c0_i32_0 : i32, i32, i32
  }
  func.func @transform_4(%arg0: i32) -> (i32, i32, i32) {
    %c0_i32 = arith.constant 0 : i32
    %c0_i32_0 = arith.constant 0 : i32
    %c0_i32_1 = arith.constant 0 : i32
    return %arg0, %c0_i32, %c0_i32_0 : i32, i32, i32
  }
  func.func @transform_5(%arg0: i32) -> (i32, i32, i32) {
    %c0_i32 = arith.constant 0 : i32
    %c0_i32_0 = arith.constant 0 : i32
    %c0_i32_1 = arith.constant 0 : i32
    return %arg0, %c0_i32, %c0_i32_0 : i32, i32, i32
  }
  func.func @transform_6(%arg0: i32) -> (i32, i32, i32) {
    %c0_i32 = arith.constant 0 : i32
    %c0_i32_0 = arith.constant 0 : i32
    %c0_i32_1 = arith.constant 0 : i32
    return %arg0, %c0_i32, %c0_i32_0 : i32, i32, i32
  }
}

module attributes {stable_mosaic.version = 14 : i64} {
  func.func @_attn_body(%arg0: i32, %arg1: memref<8x128x128xf32, #tpu.memory_space<vmem>>, %arg2: memref<8x128x128xf32, #tpu.memory_space<vmem>>, %arg3: memref<8x128x128xf32, #tpu.memory_space<vmem>>, %arg4: memref<8x1x128xf32, #tpu.memory_space<vmem>>, %arg5: memref<8x1x128xf32, #tpu.memory_space<vmem>>, %arg6: memref<8x128x128xf32, #tpu.memory_space<vmem>>) attributes {dimension_semantics = [#tpu.dimension_semantics<arbitrary>], iteration_bounds = array<i64: 128>, scalar_prefetch = 0 : i64, scratch_operands = 0 : i64, tpu.core_type = #tpu.core_type<tc>, window_params = [{transform_indices = @transform_0, window_bounds = array<i64: 8, 128, 128>}, {transform_indices = @transform_1, window_bounds = array<i64: 8, 128, 128>}, {transform_indices = @transform_2, window_bounds = array<i64: 8, 128, 128>}, {transform_indices = @transform_3, window_bounds = array<i64: 8, 1, 128>}, {transform_indices = @transform_4, window_bounds = array<i64: 8, 1, 128>}, {transform_indices = @transform_5, window_bounds = array<i64: 8, 128, 128>}]} {
    %get3A = arith.constant 0 : index
    %get3A_0 = arith.constant 0 : index
    %get3A_1 = arith.constant 0 : index
    %get3A_2 = vector.load %arg1[%get3A, %get3A_0, %get3A_1] : memref<8x128x128xf32, #tpu.memory_space<vmem>>, vector<1x128x128xf32>
    %get3A_3 = vector.shape_cast %get3A_2 : vector<1x128x128xf32> to vector<128x128xf32>
    %get3A_4 = arith.constant 0 : index
    %get3A_5 = arith.constant 0 : index
    %get3A_6 = arith.constant 0 : index
    %get3A_7 = vector.load %arg2[%get3A_4, %get3A_5, %get3A_6] : memref<8x128x128xf32, #tpu.memory_space<vmem>>, vector<1x128x128xf32>
    %get3A_8 = vector.shape_cast %get3A_7 : vector<1x128x128xf32> to vector<128x128xf32>
    %get3A_9 = arith.constant 0 : index
    %get3A_10 = arith.constant 0 : index
    %get3A_11 = arith.constant 0 : index
    %get3A_12 = vector.load %arg3[%get3A_9, %get3A_10, %get3A_11] : memref<8x128x128xf32, #tpu.memory_space<vmem>>, vector<1x128x128xf32>
    %get3A_13 = vector.shape_cast %get3A_12 : vector<1x128x128xf32> to vector<128x128xf32>
    %get3A_14 = arith.constant 0 : index
    %get3A_15 = arith.constant 0 : index
    %get3A_16 = arith.constant 0 : index
    %get3A_17 = vector.load %arg4[%get3A_14, %get3A_15, %get3A_16] : memref<8x1x128xf32, #tpu.memory_space<vmem>>, vector<1x1x128xf32>
    %get3A_18 = vector.shape_cast %get3A_17 : vector<1x1x128xf32> to vector<1x128xf32>
    %get3A_19 = arith.constant 0 : index
    %get3A_20 = arith.constant 0 : index
    %get3A_21 = arith.constant 0 : index
    %get3A_22 = vector.load %arg5[%get3A_19, %get3A_20, %get3A_21] : memref<8x1x128xf32, #tpu.memory_space<vmem>>, vector<1x1x128xf32>
    %get3A_23 = vector.shape_cast %get3A_22 : vector<1x1x128xf32> to vector<1x128xf32>
    %dot_general3A = arith.constant dense<0.000000e+00> : vector<128x128xf32>
    %dot_general3A_24 = tpu.matmul %get3A_3, %get3A_8, %dot_general3A {dimension_numbers = #tpu.dot_dimension_numbers<[1], [1], [0], [0], [0, 0, 1, 0], [], []>, transpose_lhs_hint = false} : vector<128x128xf32>, vector<128x128xf32>, vector<128x128xf32> -> vector<128x128xf32>
    %mul3A = arith.constant 1.250000e-01 : f32
    %mul3A_25 = vector.broadcast %mul3A : f32 to vector<128x128xf32>
    %mul3A_26 = arith.mulf %dot_general3A_24, %mul3A_25 : vector<128x128xf32>
    %dot_general3A_27 = arith.constant dense<0.000000e+00> : vector<128x1xf32>
    %dot_general3A_28 = tpu.matmul %get3A_3, %get3A_18, %dot_general3A_27 {dimension_numbers = #tpu.dot_dimension_numbers<[1], [1], [0], [0], [0, 0, 1, 0], [], []>, transpose_lhs_hint = false} : vector<128x128xf32>, vector<1x128xf32>, vector<128x1xf32> -> vector<128x1xf32>
    %mul3A_29 = arith.constant 1.250000e-01 : f32
    %mul3A_30 = vector.broadcast %mul3A_29 : f32 to vector<128x1xf32>
    %mul3A_31 = arith.mulf %dot_general3A_28, %mul3A_30 : vector<128x1xf32>
    %reduce_max3A = arith.constant dense<0xFF800000> : vector<128xf32>
    %reduce_max3A_32 = vector.multi_reduction <maximumf>, %mul3A_26, %reduce_max3A [1] : vector<128x128xf32> to vector<128xf32>
    %broadcast_in_dim3A = vector.shape_cast %reduce_max3A_32 : vector<128xf32> to vector<128x1xf32>
    %max3A = arith.maximumf %broadcast_in_dim3A, %mul3A_31 : vector<128x1xf32>
    %sub3A = vector.broadcast %max3A : vector<128x1xf32> to vector<128x128xf32>
    %sub3A_33 = arith.subf %mul3A_26, %sub3A : vector<128x128xf32>
    %exp3A = math.exp %sub3A_33 : vector<128x128xf32>
    %sub3A_34 = arith.subf %mul3A_31, %max3A : vector<128x1xf32>
    %exp3A_35 = math.exp %sub3A_34 : vector<128x1xf32>
    %reduce_sum3A = arith.constant dense<0.000000e+00> : vector<128xf32>
    %reduce_sum3A_36 = vector.multi_reduction <add>, %exp3A, %reduce_sum3A [1] : vector<128x128xf32> to vector<128xf32>
    %broadcast_in_dim3A_37 = vector.shape_cast %reduce_sum3A_36 : vector<128xf32> to vector<128x1xf32>
    %add3A = arith.addf %broadcast_in_dim3A_37, %exp3A_35 : vector<128x1xf32>
    %dot_general3A_38 = arith.constant dense<0.000000e+00> : vector<128x128xf32>
    %dot_general3A_39 = tpu.matmul %exp3A, %get3A_13, %dot_general3A_38 {dimension_numbers = #tpu.dot_dimension_numbers<[1], [0], [0], [1], [0, 0, 1, 1], [], []>, transpose_lhs_hint = false} : vector<128x128xf32>, vector<128x128xf32>, vector<128x128xf32> -> vector<128x128xf32>
    %mul3A_40 = vector.broadcast %exp3A_35 : vector<128x1xf32> to vector<128x128xf32>
    %mul3A_41 = vector.broadcast %get3A_23 : vector<1x128xf32> to vector<128x128xf32>
    %mul3A_42 = arith.mulf %mul3A_40, %mul3A_41 : vector<128x128xf32>
    %add3A_43 = arith.addf %dot_general3A_39, %mul3A_42 : vector<128x128xf32>
    %div3A = vector.broadcast %add3A : vector<128x1xf32> to vector<128x128xf32>
    %div3A_44 = arith.divf %add3A_43, %div3A : vector<128x128xf32>
    %swap3A = arith.constant 0 : index
    %swap3A_45 = arith.constant 0 : index
    %swap3A_46 = arith.constant 0 : index
    %swap3A_47 = vector.load %arg6[%swap3A, %swap3A_45, %swap3A_46] : memref<8x128x128xf32, #tpu.memory_space<vmem>>, vector<1x128x128xf32>
    %swap3A_48 = vector.shape_cast %swap3A_47 : vector<1x128x128xf32> to vector<128x128xf32>
    %swap3A_49 = vector.shape_cast %div3A_44 : vector<128x128xf32> to vector<1x128x128xf32>
    tpu.vector_store %arg6[%swap3A, %swap3A_45, %swap3A_46], %swap3A_49 {strides = array<i32>} : memref<8x128x128xf32, #tpu.memory_space<vmem>>, vector<1x128x128xf32>,
    %get3A_50 = arith.constant 1 : index
    %get3A_51 = arith.constant 0 : index
    %get3A_52 = arith.constant 0 : index
    %get3A_53 = vector.load %arg1[%get3A_50, %get3A_51, %get3A_52] : memref<8x128x128xf32, #tpu.memory_space<vmem>>, vector<1x128x128xf32>
    %get3A_54 = vector.shape_cast %get3A_53 : vector<1x128x128xf32> to vector<128x128xf32>
    %get3A_55 = arith.constant 1 : index
    %get3A_56 = arith.constant 0 : index
    %get3A_57 = arith.constant 0 : index
    %get3A_58 = vector.load %arg2[%get3A_55, %get3A_56, %get3A_57] : memref<8x128x128xf32, #tpu.memory_space<vmem>>, vector<1x128x128xf32>
    %get3A_59 = vector.shape_cast %get3A_58 : vector<1x128x128xf32> to vector<128x128xf32>
    %get3A_60 = arith.constant 1 : index
    %get3A_61 = arith.constant 0 : index
    %get3A_62 = arith.constant 0 : index
    %get3A_63 = vector.load %arg3[%get3A_60, %get3A_61, %get3A_62] : memref<8x128x128xf32, #tpu.memory_space<vmem>>, vector<1x128x128xf32>
    %get3A_64 = vector.shape_cast %get3A_63 : vector<1x128x128xf32> to vector<128x128xf32>
    %get3A_65 = arith.constant 1 : index
    %get3A_66 = arith.constant 0 : index
    %get3A_67 = arith.constant 0 : index
    %get3A_68 = vector.load %arg4[%get3A_65, %get3A_66, %get3A_67] : memref<8x1x128xf32, #tpu.memory_space<vmem>>, vector<1x1x128xf32>
    %get3A_69 = vector.shape_cast %get3A_68 : vector<1x1x128xf32> to vector<1x128xf32>
    %get3A_70 = arith.constant 1 : index
    %get3A_71 = arith.constant 0 : index
    %get3A_72 = arith.constant 0 : index
    %get3A_73 = vector.load %arg5[%get3A_70, %get3A_71, %get3A_72] : memref<8x1x128xf32, #tpu.memory_space<vmem>>, vector<1x1x128xf32>
    %get3A_74 = vector.shape_cast %get3A_73 : vector<1x1x128xf32> to vector<1x128xf32>
    %dot_general3A_75 = arith.constant dense<0.000000e+00> : vector<128x128xf32>
    %dot_general3A_76 = tpu.matmul %get3A_54, %get3A_59, %dot_general3A_75 {dimension_numbers = #tpu.dot_dimension_numbers<[1], [1], [0], [0], [0, 0, 1, 0], [], []>, transpose_lhs_hint = false} : vector<128x128xf32>, vector<128x128xf32>, vector<128x128xf32> -> vector<128x128xf32>
    %mul3A_77 = arith.constant 1.250000e-01 : f32
    %mul3A_78 = vector.broadcast %mul3A_77 : f32 to vector<128x128xf32>
    %mul3A_79 = arith.mulf %dot_general3A_76, %mul3A_78 : vector<128x128xf32>
    %dot_general3A_80 = arith.constant dense<0.000000e+00> : vector<128x1xf32>
    %dot_general3A_81 = tpu.matmul %get3A_54, %get3A_69, %dot_general3A_80 {dimension_numbers = #tpu.dot_dimension_numbers<[1], [1], [0], [0], [0, 0, 1, 0], [], []>, transpose_lhs_hint = false} : vector<128x128xf32>, vector<1x128xf32>, vector<128x1xf32> -> vector<128x1xf32>
    %mul3A_82 = arith.constant 1.250000e-01 : f32
    %mul3A_83 = vector.broadcast %mul3A_82 : f32 to vector<128x1xf32>
    %mul3A_84 = arith.mulf %dot_general3A_81, %mul3A_83 : vector<128x1xf32>
    %reduce_max3A_85 = arith.constant dense<0xFF800000> : vector<128xf32>
    %reduce_max3A_86 = vector.multi_reduction <maximumf>, %mul3A_79, %reduce_max3A_85 [1] : vector<128x128xf32> to vector<128xf32>
    %broadcast_in_dim3A_87 = vector.shape_cast %reduce_max3A_86 : vector<128xf32> to vector<128x1xf32>
    %max3A_88 = arith.maximumf %broadcast_in_dim3A_87, %mul3A_84 : vector<128x1xf32>
    %sub3A_89 = vector.broadcast %max3A_88 : vector<128x1xf32> to vector<128x128xf32>
    %sub3A_90 = arith.subf %mul3A_79, %sub3A_89 : vector<128x128xf32>
    %exp3A_91 = math.exp %sub3A_90 : vector<128x128xf32>
    %sub3A_92 = arith.subf %mul3A_84, %max3A_88 : vector<128x1xf32>
    %exp3A_93 = math.exp %sub3A_92 : vector<128x1xf32>
    %reduce_sum3A_94 = arith.constant dense<0.000000e+00> : vector<128xf32>
    %reduce_sum3A_95 = vector.multi_reduction <add>, %exp3A_91, %reduce_sum3A_94 [1] : vector<128x128xf32> to vector<128xf32>
    %broadcast_in_dim3A_96 = vector.shape_cast %reduce_sum3A_95 : vector<128xf32> to vector<128x1xf32>
    %add3A_97 = arith.addf %broadcast_in_dim3A_96, %exp3A_93 : vector<128x1xf32>
    %dot_general3A_98 = arith.constant dense<0.000000e+00> : vector<128x128xf32>
    %dot_general3A_99 = tpu.matmul %exp3A_91, %get3A_64, %dot_general3A_98 {dimension_numbers = #tpu.dot_dimension_numbers<[1], [0], [0], [1], [0, 0, 1, 1], [], []>, transpose_lhs_hint = false} : vector<128x128xf32>, vector<128x128xf32>, vector<128x128xf32> -> vector<128x128xf32>
    %mul3A_100 = vector.broadcast %exp3A_93 : vector<128x1xf32> to vector<128x128xf32>
    %mul3A_101 = vector.broadcast %get3A_74 : vector<1x128xf32> to vector<128x128xf32>
    %mul3A_102 = arith.mulf %mul3A_100, %mul3A_101 : vector<128x128xf32>
    %add3A_103 = arith.addf %dot_general3A_99, %mul3A_102 : vector<128x128xf32>
    %div3A_104 = vector.broadcast %add3A_97 : vector<128x1xf32> to vector<128x128xf32>
    %div3A_105 = arith.divf %add3A_103, %div3A_104 : vector<128x128xf32>
    %swap3A_106 = arith.constant 1 : index
    %swap3A_107 = arith.constant 0 : index
    %swap3A_108 = arith.constant 0 : index
    %swap3A_109 = vector.load %arg6[%swap3A_106, %swap3A_107, %swap3A_108] : memref<8x128x128xf32, #tpu.memory_space<vmem>>, vector<1x128x128xf32>
    %swap3A_110 = vector.shape_cast %swap3A_109 : vector<1x128x128xf32> to vector<128x128xf32>
    %swap3A_111 = vector.shape_cast %div3A_105 : vector<128x128xf32> to vector<1x128x128xf32>
    tpu.vector_store %arg6[%swap3A_106, %swap3A_107, %swap3A_108], %swap3A_111 {strides = array<i32>} : memref<8x128x128xf32, #tpu.memory_space<vmem>>, vector<1x128x128xf32>,
    %get3A_112 = arith.constant 2 : index
    %get3A_113 = arith.constant 0 : index
    %get3A_114 = arith.constant 0 : index
    %get3A_115 = vector.load %arg1[%get3A_112, %get3A_113, %get3A_114] : memref<8x128x128xf32, #tpu.memory_space<vmem>>, vector<1x128x128xf32>
    %get3A_116 = vector.shape_cast %get3A_115 : vector<1x128x128xf32> to vector<128x128xf32>
    %get3A_117 = arith.constant 2 : index
    %get3A_118 = arith.constant 0 : index
    %get3A_119 = arith.constant 0 : index
    %get3A_120 = vector.load %arg2[%get3A_117, %get3A_118, %get3A_119] : memref<8x128x128xf32, #tpu.memory_space<vmem>>, vector<1x128x128xf32>
    %get3A_121 = vector.shape_cast %get3A_120 : vector<1x128x128xf32> to vector<128x128xf32>
    %get3A_122 = arith.constant 2 : index
    %get3A_123 = arith.constant 0 : index
    %get3A_124 = arith.constant 0 : index
    %get3A_125 = vector.load %arg3[%get3A_122, %get3A_123, %get3A_124] : memref<8x128x128xf32, #tpu.memory_space<vmem>>, vector<1x128x128xf32>
    %get3A_126 = vector.shape_cast %get3A_125 : vector<1x128x128xf32> to vector<128x128xf32>
    %get3A_127 = arith.constant 2 : index
    %get3A_128 = arith.constant 0 : index
    %get3A_129 = arith.constant 0 : index
    %get3A_130 = vector.load %arg4[%get3A_127, %get3A_128, %get3A_129] : memref<8x1x128xf32, #tpu.memory_space<vmem>>, vector<1x1x128xf32>
    %get3A_131 = vector.shape_cast %get3A_130 : vector<1x1x128xf32> to vector<1x128xf32>
    %get3A_132 = arith.constant 2 : index
    %get3A_133 = arith.constant 0 : index
    %get3A_134 = arith.constant 0 : index
    %get3A_135 = vector.load %arg5[%get3A_132, %get3A_133, %get3A_134] : memref<8x1x128xf32, #tpu.memory_space<vmem>>, vector<1x1x128xf32>
    %get3A_136 = vector.shape_cast %get3A_135 : vector<1x1x128xf32> to vector<1x128xf32>
    %dot_general3A_137 = arith.constant dense<0.000000e+00> : vector<128x128xf32>
    %dot_general3A_138 = tpu.matmul %get3A_116, %get3A_121, %dot_general3A_137 {dimension_numbers = #tpu.dot_dimension_numbers<[1], [1], [0], [0], [0, 0, 1, 0], [], []>, transpose_lhs_hint = false} : vector<128x128xf32>, vector<128x128xf32>, vector<128x128xf32> -> vector<128x128xf32>
    %mul3A_139 = arith.constant 1.250000e-01 : f32
    %mul3A_140 = vector.broadcast %mul3A_139 : f32 to vector<128x128xf32>
    %mul3A_141 = arith.mulf %dot_general3A_138, %mul3A_140 : vector<128x128xf32>
    %dot_general3A_142 = arith.constant dense<0.000000e+00> : vector<128x1xf32>
    %dot_general3A_143 = tpu.matmul %get3A_116, %get3A_131, %dot_general3A_142 {dimension_numbers = #tpu.dot_dimension_numbers<[1], [1], [0], [0], [0, 0, 1, 0], [], []>, transpose_lhs_hint = false} : vector<128x128xf32>, vector<1x128xf32>, vector<128x1xf32> -> vector<128x1xf32>
    %mul3A_144 = arith.constant 1.250000e-01 : f32
    %mul3A_145 = vector.broadcast %mul3A_144 : f32 to vector<128x1xf32>
    %mul3A_146 = arith.mulf %dot_general3A_143, %mul3A_145 : vector<128x1xf32>
    %reduce_max3A_147 = arith.constant dense<0xFF800000> : vector<128xf32>
    %reduce_max3A_148 = vector.multi_reduction <maximumf>, %mul3A_141, %reduce_max3A_147 [1] : vector<128x128xf32> to vector<128xf32>
    %broadcast_in_dim3A_149 = vector.shape_cast %reduce_max3A_148 : vector<128xf32> to vector<128x1xf32>
    %max3A_150 = arith.maximumf %broadcast_in_dim3A_149, %mul3A_146 : vector<128x1xf32>
    %sub3A_151 = vector.broadcast %max3A_150 : vector<128x1xf32> to vector<128x128xf32>
    %sub3A_152 = arith.subf %mul3A_141, %sub3A_151 : vector<128x128xf32>
    %exp3A_153 = math.exp %sub3A_152 : vector<128x128xf32>
    %sub3A_154 = arith.subf %mul3A_146, %max3A_150 : vector<128x1xf32>
    %exp3A_155 = math.exp %sub3A_154 : vector<128x1xf32>
    %reduce_sum3A_156 = arith.constant dense<0.000000e+00> : vector<128xf32>
    %reduce_sum3A_157 = vector.multi_reduction <add>, %exp3A_153, %reduce_sum3A_156 [1] : vector<128x128xf32> to vector<128xf32>
    %broadcast_in_dim3A_158 = vector.shape_cast %reduce_sum3A_157 : vector<128xf32> to vector<128x1xf32>
    %add3A_159 = arith.addf %broadcast_in_dim3A_158, %exp3A_155 : vector<128x1xf32>
    %dot_general3A_160 = arith.constant dense<0.000000e+00> : vector<128x128xf32>
    %dot_general3A_161 = tpu.matmul %exp3A_153, %get3A_126, %dot_general3A_160 {dimension_numbers = #tpu.dot_dimension_numbers<[1], [0], [0], [1], [0, 0, 1, 1], [], []>, transpose_lhs_hint = false} : vector<128x128xf32>, vector<128x128xf32>, vector<128x128xf32> -> vector<128x128xf32>
    %mul3A_162 = vector.broadcast %exp3A_155 : vector<128x1xf32> to vector<128x128xf32>
    %mul3A_163 = vector.broadcast %get3A_136 : vector<1x128xf32> to vector<128x128xf32>
    %mul3A_164 = arith.mulf %mul3A_162, %mul3A_163 : vector<128x128xf32>
    %add3A_165 = arith.addf %dot_general3A_161, %mul3A_164 : vector<128x128xf32>
    %div3A_166 = vector.broadcast %add3A_159 : vector<128x1xf32> to vector<128x128xf32>
    %div3A_167 = arith.divf %add3A_165, %div3A_166 : vector<128x128xf32>
    %swap3A_168 = arith.constant 2 : index
    %swap3A_169 = arith.constant 0 : index
    %swap3A_170 = arith.constant 0 : index
    %swap3A_171 = vector.load %arg6[%swap3A_168, %swap3A_169, %swap3A_170] : memref<8x128x128xf32, #tpu.memory_space<vmem>>, vector<1x128x128xf32>
    %swap3A_172 = vector.shape_cast %swap3A_171 : vector<1x128x128xf32> to vector<128x128xf32>
    %swap3A_173 = vector.shape_cast %div3A_167 : vector<128x128xf32> to vector<1x128x128xf32>
    tpu.vector_store %arg6[%swap3A_168, %swap3A_169, %swap3A_170], %swap3A_173 {strides = array<i32>} : memref<8x128x128xf32, #tpu.memory_space<vmem>>, vector<1x128x128xf32>,
    %get3A_174 = arith.constant 3 : index
    %get3A_175 = arith.constant 0 : index
    %get3A_176 = arith.constant 0 : index
    %get3A_177 = vector.load %arg1[%get3A_174, %get3A_175, %get3A_176] : memref<8x128x128xf32, #tpu.memory_space<vmem>>, vector<1x128x128xf32>
    %get3A_178 = vector.shape_cast %get3A_177 : vector<1x128x128xf32> to vector<128x128xf32>
    %get3A_179 = arith.constant 3 : index
    %get3A_180 = arith.constant 0 : index
    %get3A_181 = arith.constant 0 : index
    %get3A_182 = vector.load %arg2[%get3A_179, %get3A_180, %get3A_181] : memref<8x128x128xf32, #tpu.memory_space<vmem>>, vector<1x128x128xf32>
    %get3A_183 = vector.shape_cast %get3A_182 : vector<1x128x128xf32> to vector<128x128xf32>
    %get3A_184 = arith.constant 3 : index
    %get3A_185 = arith.constant 0 : index
    %get3A_186 = arith.constant 0 : index
    %get3A_187 = vector.load %arg3[%get3A_184, %get3A_185, %get3A_186] : memref<8x128x128xf32, #tpu.memory_space<vmem>>, vector<1x128x128xf32>
    %get3A_188 = vector.shape_cast %get3A_187 : vector<1x128x128xf32> to vector<128x128xf32>
    %get3A_189 = arith.constant 3 : index
    %get3A_190 = arith.constant 0 : index
    %get3A_191 = arith.constant 0 : index
    %get3A_192 = vector.load %arg4[%get3A_189, %get3A_190, %get3A_191] : memref<8x1x128xf32, #tpu.memory_space<vmem>>, vector<1x1x128xf32>
    %get3A_193 = vector.shape_cast %get3A_192 : vector<1x1x128xf32> to vector<1x128xf32>
    %get3A_194 = arith.constant 3 : index
    %get3A_195 = arith.constant 0 : index
    %get3A_196 = arith.constant 0 : index
    %get3A_197 = vector.load %arg5[%get3A_194, %get3A_195, %get3A_196] : memref<8x1x128xf32, #tpu.memory_space<vmem>>, vector<1x1x128xf32>
    %get3A_198 = vector.shape_cast %get3A_197 : vector<1x1x128xf32> to vector<1x128xf32>
    %dot_general3A_199 = arith.constant dense<0.000000e+00> : vector<128x128xf32>
    %dot_general3A_200 = tpu.matmul %get3A_178, %get3A_183, %dot_general3A_199 {dimension_numbers = #tpu.dot_dimension_numbers<[1], [1], [0], [0], [0, 0, 1, 0], [], []>, transpose_lhs_hint = false} : vector<128x128xf32>, vector<128x128xf32>, vector<128x128xf32> -> vector<128x128xf32>
    %mul3A_201 = arith.constant 1.250000e-01 : f32
    %mul3A_202 = vector.broadcast %mul3A_201 : f32 to vector<128x128xf32>
    %mul3A_203 = arith.mulf %dot_general3A_200, %mul3A_202 : vector<128x128xf32>
    %dot_general3A_204 = arith.constant dense<0.000000e+00> : vector<128x1xf32>
    %dot_general3A_205 = tpu.matmul %get3A_178, %get3A_193, %dot_general3A_204 {dimension_numbers = #tpu.dot_dimension_numbers<[1], [1], [0], [0], [0, 0, 1, 0], [], []>, transpose_lhs_hint = false} : vector<128x128xf32>, vector<1x128xf32>, vector<128x1xf32> -> vector<128x1xf32>
    %mul3A_206 = arith.constant 1.250000e-01 : f32
    %mul3A_207 = vector.broadcast %mul3A_206 : f32 to vector<128x1xf32>
    %mul3A_208 = arith.mulf %dot_general3A_205, %mul3A_207 : vector<128x1xf32>
    %reduce_max3A_209 = arith.constant dense<0xFF800000> : vector<128xf32>
    %reduce_max3A_210 = vector.multi_reduction <maximumf>, %mul3A_203, %reduce_max3A_209 [1] : vector<128x128xf32> to vector<128xf32>
    %broadcast_in_dim3A_211 = vector.shape_cast %reduce_max3A_210 : vector<128xf32> to vector<128x1xf32>
    %max3A_212 = arith.maximumf %broadcast_in_dim3A_211, %mul3A_208 : vector<128x1xf32>
    %sub3A_213 = vector.broadcast %max3A_212 : vector<128x1xf32> to vector<128x128xf32>
    %sub3A_214 = arith.subf %mul3A_203, %sub3A_213 : vector<128x128xf32>
    %exp3A_215 = math.exp %sub3A_214 : vector<128x128xf32>
    %sub3A_216 = arith.subf %mul3A_208, %max3A_212 : vector<128x1xf32>
    %exp3A_217 = math.exp %sub3A_216 : vector<128x1xf32>
    %reduce_sum3A_218 = arith.constant dense<0.000000e+00> : vector<128xf32>
    %reduce_sum3A_219 = vector.multi_reduction <add>, %exp3A_215, %reduce_sum3A_218 [1] : vector<128x128xf32> to vector<128xf32>
    %broadcast_in_dim3A_220 = vector.shape_cast %reduce_sum3A_219 : vector<128xf32> to vector<128x1xf32>
    %add3A_221 = arith.addf %broadcast_in_dim3A_220, %exp3A_217 : vector<128x1xf32>
    %dot_general3A_222 = arith.constant dense<0.000000e+00> : vector<128x128xf32>
    %dot_general3A_223 = tpu.matmul %exp3A_215, %get3A_188, %dot_general3A_222 {dimension_numbers = #tpu.dot_dimension_numbers<[1], [0], [0], [1], [0, 0, 1, 1], [], []>, transpose_lhs_hint = false} : vector<128x128xf32>, vector<128x128xf32>, vector<128x128xf32> -> vector<128x128xf32>
    %mul3A_224 = vector.broadcast %exp3A_217 : vector<128x1xf32> to vector<128x128xf32>
    %mul3A_225 = vector.broadcast %get3A_198 : vector<1x128xf32> to vector<128x128xf32>
    %mul3A_226 = arith.mulf %mul3A_224, %mul3A_225 : vector<128x128xf32>
    %add3A_227 = arith.addf %dot_general3A_223, %mul3A_226 : vector<128x128xf32>
    %div3A_228 = vector.broadcast %add3A_221 : vector<128x1xf32> to vector<128x128xf32>
    %div3A_229 = arith.divf %add3A_227, %div3A_228 : vector<128x128xf32>
    %swap3A_230 = arith.constant 3 : index
    %swap3A_231 = arith.constant 0 : index
    %swap3A_232 = arith.constant 0 : index
    %swap3A_233 = vector.load %arg6[%swap3A_230, %swap3A_231, %swap3A_232] : memref<8x128x128xf32, #tpu.memory_space<vmem>>, vector<1x128x128xf32>
    %swap3A_234 = vector.shape_cast %swap3A_233 : vector<1x128x128xf32> to vector<128x128xf32>
    %swap3A_235 = vector.shape_cast %div3A_229 : vector<128x128xf32> to vector<1x128x128xf32>
    tpu.vector_store %arg6[%swap3A_230, %swap3A_231, %swap3A_232], %swap3A_235 {strides = array<i32>} : memref<8x128x128xf32, #tpu.memory_space<vmem>>, vector<1x128x128xf32>,
    %get3A_236 = arith.constant 4 : index
    %get3A_237 = arith.constant 0 : index
    %get3A_238 = arith.constant 0 : index
    %get3A_239 = vector.load %arg1[%get3A_236, %get3A_237, %get3A_238] : memref<8x128x128xf32, #tpu.memory_space<vmem>>, vector<1x128x128xf32>
    %get3A_240 = vector.shape_cast %get3A_239 : vector<1x128x128xf32> to vector<128x128xf32>
    %get3A_241 = arith.constant 4 : index
    %get3A_242 = arith.constant 0 : index
    %get3A_243 = arith.constant 0 : index
    %get3A_244 = vector.load %arg2[%get3A_241, %get3A_242, %get3A_243] : memref<8x128x128xf32, #tpu.memory_space<vmem>>, vector<1x128x128xf32>
    %get3A_245 = vector.shape_cast %get3A_244 : vector<1x128x128xf32> to vector<128x128xf32>
    %get3A_246 = arith.constant 4 : index
    %get3A_247 = arith.constant 0 : index
    %get3A_248 = arith.constant 0 : index
    %get3A_249 = vector.load %arg3[%get3A_246, %get3A_247, %get3A_248] : memref<8x128x128xf32, #tpu.memory_space<vmem>>, vector<1x128x128xf32>
    %get3A_250 = vector.shape_cast %get3A_249 : vector<1x128x128xf32> to vector<128x128xf32>
    %get3A_251 = arith.constant 4 : index
    %get3A_252 = arith.constant 0 : index
    %get3A_253 = arith.constant 0 : index
    %get3A_254 = vector.load %arg4[%get3A_251, %get3A_252, %get3A_253] : memref<8x1x128xf32, #tpu.memory_space<vmem>>, vector<1x1x128xf32>
    %get3A_255 = vector.shape_cast %get3A_254 : vector<1x1x128xf32> to vector<1x128xf32>
    %get3A_256 = arith.constant 4 : index
    %get3A_257 = arith.constant 0 : index
    %get3A_258 = arith.constant 0 : index
    %get3A_259 = vector.load %arg5[%get3A_256, %get3A_257, %get3A_258] : memref<8x1x128xf32, #tpu.memory_space<vmem>>, vector<1x1x128xf32>
    %get3A_260 = vector.shape_cast %get3A_259 : vector<1x1x128xf32> to vector<1x128xf32>
    %dot_general3A_261 = arith.constant dense<0.000000e+00> : vector<128x128xf32>
    %dot_general3A_262 = tpu.matmul %get3A_240, %get3A_245, %dot_general3A_261 {dimension_numbers = #tpu.dot_dimension_numbers<[1], [1], [0], [0], [0, 0, 1, 0], [], []>, transpose_lhs_hint = false} : vector<128x128xf32>, vector<128x128xf32>, vector<128x128xf32> -> vector<128x128xf32>
    %mul3A_263 = arith.constant 1.250000e-01 : f32
    %mul3A_264 = vector.broadcast %mul3A_263 : f32 to vector<128x128xf32>
    %mul3A_265 = arith.mulf %dot_general3A_262, %mul3A_264 : vector<128x128xf32>
    %dot_general3A_266 = arith.constant dense<0.000000e+00> : vector<128x1xf32>
    %dot_general3A_267 = tpu.matmul %get3A_240, %get3A_255, %dot_general3A_266 {dimension_numbers = #tpu.dot_dimension_numbers<[1], [1], [0], [0], [0, 0, 1, 0], [], []>, transpose_lhs_hint = false} : vector<128x128xf32>, vector<1x128xf32>, vector<128x1xf32> -> vector<128x1xf32>
    %mul3A_268 = arith.constant 1.250000e-01 : f32
    %mul3A_269 = vector.broadcast %mul3A_268 : f32 to vector<128x1xf32>
    %mul3A_270 = arith.mulf %dot_general3A_267, %mul3A_269 : vector<128x1xf32>
    %reduce_max3A_271 = arith.constant dense<0xFF800000> : vector<128xf32>
    %reduce_max3A_272 = vector.multi_reduction <maximumf>, %mul3A_265, %reduce_max3A_271 [1] : vector<128x128xf32> to vector<128xf32>
    %broadcast_in_dim3A_273 = vector.shape_cast %reduce_max3A_272 : vector<128xf32> to vector<128x1xf32>
    %max3A_274 = arith.maximumf %broadcast_in_dim3A_273, %mul3A_270 : vector<128x1xf32>
    %sub3A_275 = vector.broadcast %max3A_274 : vector<128x1xf32> to vector<128x128xf32>
    %sub3A_276 = arith.subf %mul3A_265, %sub3A_275 : vector<128x128xf32>
    %exp3A_277 = math.exp %sub3A_276 : vector<128x128xf32>
    %sub3A_278 = arith.subf %mul3A_270, %max3A_274 : vector<128x1xf32>
    %exp3A_279 = math.exp %sub3A_278 : vector<128x1xf32>
    %reduce_sum3A_280 = arith.constant dense<0.000000e+00> : vector<128xf32>
    %reduce_sum3A_281 = vector.multi_reduction <add>, %exp3A_277, %reduce_sum3A_280 [1] : vector<128x128xf32> to vector<128xf32>
    %broadcast_in_dim3A_282 = vector.shape_cast %reduce_sum3A_281 : vector<128xf32> to vector<128x1xf32>
    %add3A_283 = arith.addf %broadcast_in_dim3A_282, %exp3A_279 : vector<128x1xf32>
    %dot_general3A_284 = arith.constant dense<0.000000e+00> : vector<128x128xf32>
    %dot_general3A_285 = tpu.matmul %exp3A_277, %get3A_250, %dot_general3A_284 {dimension_numbers = #tpu.dot_dimension_numbers<[1], [0], [0], [1], [0, 0, 1, 1], [], []>, transpose_lhs_hint = false} : vector<128x128xf32>, vector<128x128xf32>, vector<128x128xf32> -> vector<128x128xf32>
    %mul3A_286 = vector.broadcast %exp3A_279 : vector<128x1xf32> to vector<128x128xf32>
    %mul3A_287 = vector.broadcast %get3A_260 : vector<1x128xf32> to vector<128x128xf32>
    %mul3A_288 = arith.mulf %mul3A_286, %mul3A_287 : vector<128x128xf32>
    %add3A_289 = arith.addf %dot_general3A_285, %mul3A_288 : vector<128x128xf32>
    %div3A_290 = vector.broadcast %add3A_283 : vector<128x1xf32> to vector<128x128xf32>
    %div3A_291 = arith.divf %add3A_289, %div3A_290 : vector<128x128xf32>
    %swap3A_292 = arith.constant 4 : index
    %swap3A_293 = arith.constant 0 : index
    %swap3A_294 = arith.constant 0 : index
    %swap3A_295 = vector.load %arg6[%swap3A_292, %swap3A_293, %swap3A_294] : memref<8x128x128xf32, #tpu.memory_space<vmem>>, vector<1x128x128xf32>
    %swap3A_296 = vector.shape_cast %swap3A_295 : vector<1x128x128xf32> to vector<128x128xf32>
    %swap3A_297 = vector.shape_cast %div3A_291 : vector<128x128xf32> to vector<1x128x128xf32>
    tpu.vector_store %arg6[%swap3A_292, %swap3A_293, %swap3A_294], %swap3A_297 {strides = array<i32>} : memref<8x128x128xf32, #tpu.memory_space<vmem>>, vector<1x128x128xf32>,
    %get3A_298 = arith.constant 5 : index
    %get3A_299 = arith.constant 0 : index
    %get3A_300 = arith.constant 0 : index
    %get3A_301 = vector.load %arg1[%get3A_298, %get3A_299, %get3A_300] : memref<8x128x128xf32, #tpu.memory_space<vmem>>, vector<1x128x128xf32>
    %get3A_302 = vector.shape_cast %get3A_301 : vector<1x128x128xf32> to vector<128x128xf32>
    %get3A_303 = arith.constant 5 : index
    %get3A_304 = arith.constant 0 : index
    %get3A_305 = arith.constant 0 : index
    %get3A_306 = vector.load %arg2[%get3A_303, %get3A_304, %get3A_305] : memref<8x128x128xf32, #tpu.memory_space<vmem>>, vector<1x128x128xf32>
    %get3A_307 = vector.shape_cast %get3A_306 : vector<1x128x128xf32> to vector<128x128xf32>
    %get3A_308 = arith.constant 5 : index
    %get3A_309 = arith.constant 0 : index
    %get3A_310 = arith.constant 0 : index
    %get3A_311 = vector.load %arg3[%get3A_308, %get3A_309, %get3A_310] : memref<8x128x128xf32, #tpu.memory_space<vmem>>, vector<1x128x128xf32>
    %get3A_312 = vector.shape_cast %get3A_311 : vector<1x128x128xf32> to vector<128x128xf32>
    %get3A_313 = arith.constant 5 : index
    %get3A_314 = arith.constant 0 : index
    %get3A_315 = arith.constant 0 : index
    %get3A_316 = vector.load %arg4[%get3A_313, %get3A_314, %get3A_315] : memref<8x1x128xf32, #tpu.memory_space<vmem>>, vector<1x1x128xf32>
    %get3A_317 = vector.shape_cast %get3A_316 : vector<1x1x128xf32> to vector<1x128xf32>
    %get3A_318 = arith.constant 5 : index
    %get3A_319 = arith.constant 0 : index
    %get3A_320 = arith.constant 0 : index
    %get3A_321 = vector.load %arg5[%get3A_318, %get3A_319, %get3A_320] : memref<8x1x128xf32, #tpu.memory_space<vmem>>, vector<1x1x128xf32>
    %get3A_322 = vector.shape_cast %get3A_321 : vector<1x1x128xf32> to vector<1x128xf32>
    %dot_general3A_323 = arith.constant dense<0.000000e+00> : vector<128x128xf32>
    %dot_general3A_324 = tpu.matmul %get3A_302, %get3A_307, %dot_general3A_323 {dimension_numbers = #tpu.dot_dimension_numbers<[1], [1], [0], [0], [0, 0, 1, 0], [], []>, transpose_lhs_hint = false} : vector<128x128xf32>, vector<128x128xf32>, vector<128x128xf32> -> vector<128x128xf32>
    %mul3A_325 = arith.constant 1.250000e-01 : f32
    %mul3A_326 = vector.broadcast %mul3A_325 : f32 to vector<128x128xf32>
    %mul3A_327 = arith.mulf %dot_general3A_324, %mul3A_326 : vector<128x128xf32>
    %dot_general3A_328 = arith.constant dense<0.000000e+00> : vector<128x1xf32>
    %dot_general3A_329 = tpu.matmul %get3A_302, %get3A_317, %dot_general3A_328 {dimension_numbers = #tpu.dot_dimension_numbers<[1], [1], [0], [0], [0, 0, 1, 0], [], []>, transpose_lhs_hint = false} : vector<128x128xf32>, vector<1x128xf32>, vector<128x1xf32> -> vector<128x1xf32>
    %mul3A_330 = arith.constant 1.250000e-01 : f32
    %mul3A_331 = vector.broadcast %mul3A_330 : f32 to vector<128x1xf32>
    %mul3A_332 = arith.mulf %dot_general3A_329, %mul3A_331 : vector<128x1xf32>
    %reduce_max3A_333 = arith.constant dense<0xFF800000> : vector<128xf32>
    %reduce_max3A_334 = vector.multi_reduction <maximumf>, %mul3A_327, %reduce_max3A_333 [1] : vector<128x128xf32> to vector<128xf32>
    %broadcast_in_dim3A_335 = vector.shape_cast %reduce_max3A_334 : vector<128xf32> to vector<128x1xf32>
    %max3A_336 = arith.maximumf %broadcast_in_dim3A_335, %mul3A_332 : vector<128x1xf32>
    %sub3A_337 = vector.broadcast %max3A_336 : vector<128x1xf32> to vector<128x128xf32>
    %sub3A_338 = arith.subf %mul3A_327, %sub3A_337 : vector<128x128xf32>
    %exp3A_339 = math.exp %sub3A_338 : vector<128x128xf32>
    %sub3A_340 = arith.subf %mul3A_332, %max3A_336 : vector<128x1xf32>
    %exp3A_341 = math.exp %sub3A_340 : vector<128x1xf32>
    %reduce_sum3A_342 = arith.constant dense<0.000000e+00> : vector<128xf32>
    %reduce_sum3A_343 = vector.multi_reduction <add>, %exp3A_339, %reduce_sum3A_342 [1] : vector<128x128xf32> to vector<128xf32>
    %broadcast_in_dim3A_344 = vector.shape_cast %reduce_sum3A_343 : vector<128xf32> to vector<128x1xf32>
    %add3A_345 = arith.addf %broadcast_in_dim3A_344, %exp3A_341 : vector<128x1xf32>
    %dot_general3A_346 = arith.constant dense<0.000000e+00> : vector<128x128xf32>
    %dot_general3A_347 = tpu.matmul %exp3A_339, %get3A_312, %dot_general3A_346 {dimension_numbers = #tpu.dot_dimension_numbers<[1], [0], [0], [1], [0, 0, 1, 1], [], []>, transpose_lhs_hint = false} : vector<128x128xf32>, vector<128x128xf32>, vector<128x128xf32> -> vector<128x128xf32>
    %mul3A_348 = vector.broadcast %exp3A_341 : vector<128x1xf32> to vector<128x128xf32>
    %mul3A_349 = vector.broadcast %get3A_322 : vector<1x128xf32> to vector<128x128xf32>
    %mul3A_350 = arith.mulf %mul3A_348, %mul3A_349 : vector<128x128xf32>
    %add3A_351 = arith.addf %dot_general3A_347, %mul3A_350 : vector<128x128xf32>
    %div3A_352 = vector.broadcast %add3A_345 : vector<128x1xf32> to vector<128x128xf32>
    %div3A_353 = arith.divf %add3A_351, %div3A_352 : vector<128x128xf32>
    %swap3A_354 = arith.constant 5 : index
    %swap3A_355 = arith.constant 0 : index
    %swap3A_356 = arith.constant 0 : index
    %swap3A_357 = vector.load %arg6[%swap3A_354, %swap3A_355, %swap3A_356] : memref<8x128x128xf32, #tpu.memory_space<vmem>>, vector<1x128x128xf32>
    %swap3A_358 = vector.shape_cast %swap3A_357 : vector<1x128x128xf32> to vector<128x128xf32>
    %swap3A_359 = vector.shape_cast %div3A_353 : vector<128x128xf32> to vector<1x128x128xf32>
    tpu.vector_store %arg6[%swap3A_354, %swap3A_355, %swap3A_356], %swap3A_359 {strides = array<i32>} : memref<8x128x128xf32, #tpu.memory_space<vmem>>, vector<1x128x128xf32>,
    %get3A_360 = arith.constant 6 : index
    %get3A_361 = arith.constant 0 : index
    %get3A_362 = arith.constant 0 : index
    %get3A_363 = vector.load %arg1[%get3A_360, %get3A_361, %get3A_362] : memref<8x128x128xf32, #tpu.memory_space<vmem>>, vector<1x128x128xf32>
    %get3A_364 = vector.shape_cast %get3A_363 : vector<1x128x128xf32> to vector<128x128xf32>
    %get3A_365 = arith.constant 6 : index
    %get3A_366 = arith.constant 0 : index
    %get3A_367 = arith.constant 0 : index
    %get3A_368 = vector.load %arg2[%get3A_365, %get3A_366, %get3A_367] : memref<8x128x128xf32, #tpu.memory_space<vmem>>, vector<1x128x128xf32>
    %get3A_369 = vector.shape_cast %get3A_368 : vector<1x128x128xf32> to vector<128x128xf32>
    %get3A_370 = arith.constant 6 : index
    %get3A_371 = arith.constant 0 : index
    %get3A_372 = arith.constant 0 : index
    %get3A_373 = vector.load %arg3[%get3A_370, %get3A_371, %get3A_372] : memref<8x128x128xf32, #tpu.memory_space<vmem>>, vector<1x128x128xf32>
    %get3A_374 = vector.shape_cast %get3A_373 : vector<1x128x128xf32> to vector<128x128xf32>
    %get3A_375 = arith.constant 6 : index
    %get3A_376 = arith.constant 0 : index
    %get3A_377 = arith.constant 0 : index
    %get3A_378 = vector.load %arg4[%get3A_375, %get3A_376, %get3A_377] : memref<8x1x128xf32, #tpu.memory_space<vmem>>, vector<1x1x128xf32>
    %get3A_379 = vector.shape_cast %get3A_378 : vector<1x1x128xf32> to vector<1x128xf32>
    %get3A_380 = arith.constant 6 : index
    %get3A_381 = arith.constant 0 : index
    %get3A_382 = arith.constant 0 : index
    %get3A_383 = vector.load %arg5[%get3A_380, %get3A_381, %get3A_382] : memref<8x1x128xf32, #tpu.memory_space<vmem>>, vector<1x1x128xf32>
    %get3A_384 = vector.shape_cast %get3A_383 : vector<1x1x128xf32> to vector<1x128xf32>
    %dot_general3A_385 = arith.constant dense<0.000000e+00> : vector<128x128xf32>
    %dot_general3A_386 = tpu.matmul %get3A_364, %get3A_369, %dot_general3A_385 {dimension_numbers = #tpu.dot_dimension_numbers<[1], [1], [0], [0], [0, 0, 1, 0], [], []>, transpose_lhs_hint = false} : vector<128x128xf32>, vector<128x128xf32>, vector<128x128xf32> -> vector<128x128xf32>
    %mul3A_387 = arith.constant 1.250000e-01 : f32
    %mul3A_388 = vector.broadcast %mul3A_387 : f32 to vector<128x128xf32>
    %mul3A_389 = arith.mulf %dot_general3A_386, %mul3A_388 : vector<128x128xf32>
    %dot_general3A_390 = arith.constant dense<0.000000e+00> : vector<128x1xf32>
    %dot_general3A_391 = tpu.matmul %get3A_364, %get3A_379, %dot_general3A_390 {dimension_numbers = #tpu.dot_dimension_numbers<[1], [1], [0], [0], [0, 0, 1, 0], [], []>, transpose_lhs_hint = false} : vector<128x128xf32>, vector<1x128xf32>, vector<128x1xf32> -> vector<128x1xf32>
    %mul3A_392 = arith.constant 1.250000e-01 : f32
    %mul3A_393 = vector.broadcast %mul3A_392 : f32 to vector<128x1xf32>
    %mul3A_394 = arith.mulf %dot_general3A_391, %mul3A_393 : vector<128x1xf32>
    %reduce_max3A_395 = arith.constant dense<0xFF800000> : vector<128xf32>
    %reduce_max3A_396 = vector.multi_reduction <maximumf>, %mul3A_389, %reduce_max3A_395 [1] : vector<128x128xf32> to vector<128xf32>
    %broadcast_in_dim3A_397 = vector.shape_cast %reduce_max3A_396 : vector<128xf32> to vector<128x1xf32>
    %max3A_398 = arith.maximumf %broadcast_in_dim3A_397, %mul3A_394 : vector<128x1xf32>
    %sub3A_399 = vector.broadcast %max3A_398 : vector<128x1xf32> to vector<128x128xf32>
    %sub3A_400 = arith.subf %mul3A_389, %sub3A_399 : vector<128x128xf32>
    %exp3A_401 = math.exp %sub3A_400 : vector<128x128xf32>
    %sub3A_402 = arith.subf %mul3A_394, %max3A_398 : vector<128x1xf32>
    %exp3A_403 = math.exp %sub3A_402 : vector<128x1xf32>
    %reduce_sum3A_404 = arith.constant dense<0.000000e+00> : vector<128xf32>
    %reduce_sum3A_405 = vector.multi_reduction <add>, %exp3A_401, %reduce_sum3A_404 [1] : vector<128x128xf32> to vector<128xf32>
    %broadcast_in_dim3A_406 = vector.shape_cast %reduce_sum3A_405 : vector<128xf32> to vector<128x1xf32>
    %add3A_407 = arith.addf %broadcast_in_dim3A_406, %exp3A_403 : vector<128x1xf32>
    %dot_general3A_408 = arith.constant dense<0.000000e+00> : vector<128x128xf32>
    %dot_general3A_409 = tpu.matmul %exp3A_401, %get3A_374, %dot_general3A_408 {dimension_numbers = #tpu.dot_dimension_numbers<[1], [0], [0], [1], [0, 0, 1, 1], [], []>, transpose_lhs_hint = false} : vector<128x128xf32>, vector<128x128xf32>, vector<128x128xf32> -> vector<128x128xf32>
    %mul3A_410 = vector.broadcast %exp3A_403 : vector<128x1xf32> to vector<128x128xf32>
    %mul3A_411 = vector.broadcast %get3A_384 : vector<1x128xf32> to vector<128x128xf32>
    %mul3A_412 = arith.mulf %mul3A_410, %mul3A_411 : vector<128x128xf32>
    %add3A_413 = arith.addf %dot_general3A_409, %mul3A_412 : vector<128x128xf32>
    %div3A_414 = vector.broadcast %add3A_407 : vector<128x1xf32> to vector<128x128xf32>
    %div3A_415 = arith.divf %add3A_413, %div3A_414 : vector<128x128xf32>
    %swap3A_416 = arith.constant 6 : index
    %swap3A_417 = arith.constant 0 : index
    %swap3A_418 = arith.constant 0 : index
    %swap3A_419 = vector.load %arg6[%swap3A_416, %swap3A_417, %swap3A_418] : memref<8x128x128xf32, #tpu.memory_space<vmem>>, vector<1x128x128xf32>
    %swap3A_420 = vector.shape_cast %swap3A_419 : vector<1x128x128xf32> to vector<128x128xf32>
    %swap3A_421 = vector.shape_cast %div3A_415 : vector<128x128xf32> to vector<1x128x128xf32>
    tpu.vector_store %arg6[%swap3A_416, %swap3A_417, %swap3A_418], %swap3A_421 {strides = array<i32>} : memref<8x128x128xf32, #tpu.memory_space<vmem>>, vector<1x128x128xf32>,
    %get3A_422 = arith.constant 7 : index
    %get3A_423 = arith.constant 0 : index
    %get3A_424 = arith.constant 0 : index
    %get3A_425 = vector.load %arg1[%get3A_422, %get3A_423, %get3A_424] : memref<8x128x128xf32, #tpu.memory_space<vmem>>, vector<1x128x128xf32>
    %get3A_426 = vector.shape_cast %get3A_425 : vector<1x128x128xf32> to vector<128x128xf32>
    %get3A_427 = arith.constant 7 : index
    %get3A_428 = arith.constant 0 : index
    %get3A_429 = arith.constant 0 : index
    %get3A_430 = vector.load %arg2[%get3A_427, %get3A_428, %get3A_429] : memref<8x128x128xf32, #tpu.memory_space<vmem>>, vector<1x128x128xf32>
    %get3A_431 = vector.shape_cast %get3A_430 : vector<1x128x128xf32> to vector<128x128xf32>
    %get3A_432 = arith.constant 7 : index
    %get3A_433 = arith.constant 0 : index
    %get3A_434 = arith.constant 0 : index
    %get3A_435 = vector.load %arg3[%get3A_432, %get3A_433, %get3A_434] : memref<8x128x128xf32, #tpu.memory_space<vmem>>, vector<1x128x128xf32>
    %get3A_436 = vector.shape_cast %get3A_435 : vector<1x128x128xf32> to vector<128x128xf32>
    %get3A_437 = arith.constant 7 : index
    %get3A_438 = arith.constant 0 : index
    %get3A_439 = arith.constant 0 : index
    %get3A_440 = vector.load %arg4[%get3A_437, %get3A_438, %get3A_439] : memref<8x1x128xf32, #tpu.memory_space<vmem>>, vector<1x1x128xf32>
    %get3A_441 = vector.shape_cast %get3A_440 : vector<1x1x128xf32> to vector<1x128xf32>
    %get3A_442 = arith.constant 7 : index
    %get3A_443 = arith.constant 0 : index
    %get3A_444 = arith.constant 0 : index
    %get3A_445 = vector.load %arg5[%get3A_442, %get3A_443, %get3A_444] : memref<8x1x128xf32, #tpu.memory_space<vmem>>, vector<1x1x128xf32>
    %get3A_446 = vector.shape_cast %get3A_445 : vector<1x1x128xf32> to vector<1x128xf32>
    %dot_general3A_447 = arith.constant dense<0.000000e+00> : vector<128x128xf32>
    %dot_general3A_448 = tpu.matmul %get3A_426, %get3A_431, %dot_general3A_447 {dimension_numbers = #tpu.dot_dimension_numbers<[1], [1], [0], [0], [0, 0, 1, 0], [], []>, transpose_lhs_hint = false} : vector<128x128xf32>, vector<128x128xf32>, vector<128x128xf32> -> vector<128x128xf32>
    %mul3A_449 = arith.constant 1.250000e-01 : f32
    %mul3A_450 = vector.broadcast %mul3A_449 : f32 to vector<128x128xf32>
    %mul3A_451 = arith.mulf %dot_general3A_448, %mul3A_450 : vector<128x128xf32>
    %dot_general3A_452 = arith.constant dense<0.000000e+00> : vector<128x1xf32>
    %dot_general3A_453 = tpu.matmul %get3A_426, %get3A_441, %dot_general3A_452 {dimension_numbers = #tpu.dot_dimension_numbers<[1], [1], [0], [0], [0, 0, 1, 0], [], []>, transpose_lhs_hint = false} : vector<128x128xf32>, vector<1x128xf32>, vector<128x1xf32> -> vector<128x1xf32>
    %mul3A_454 = arith.constant 1.250000e-01 : f32
    %mul3A_455 = vector.broadcast %mul3A_454 : f32 to vector<128x1xf32>
    %mul3A_456 = arith.mulf %dot_general3A_453, %mul3A_455 : vector<128x1xf32>
    %reduce_max3A_457 = arith.constant dense<0xFF800000> : vector<128xf32>
    %reduce_max3A_458 = vector.multi_reduction <maximumf>, %mul3A_451, %reduce_max3A_457 [1] : vector<128x128xf32> to vector<128xf32>
    %broadcast_in_dim3A_459 = vector.shape_cast %reduce_max3A_458 : vector<128xf32> to vector<128x1xf32>
    %max3A_460 = arith.maximumf %broadcast_in_dim3A_459, %mul3A_456 : vector<128x1xf32>
    %sub3A_461 = vector.broadcast %max3A_460 : vector<128x1xf32> to vector<128x128xf32>
    %sub3A_462 = arith.subf %mul3A_451, %sub3A_461 : vector<128x128xf32>
    %exp3A_463 = math.exp %sub3A_462 : vector<128x128xf32>
    %sub3A_464 = arith.subf %mul3A_456, %max3A_460 : vector<128x1xf32>
    %exp3A_465 = math.exp %sub3A_464 : vector<128x1xf32>
    %reduce_sum3A_466 = arith.constant dense<0.000000e+00> : vector<128xf32>
    %reduce_sum3A_467 = vector.multi_reduction <add>, %exp3A_463, %reduce_sum3A_466 [1] : vector<128x128xf32> to vector<128xf32>
    %broadcast_in_dim3A_468 = vector.shape_cast %reduce_sum3A_467 : vector<128xf32> to vector<128x1xf32>
    %add3A_469 = arith.addf %broadcast_in_dim3A_468, %exp3A_465 : vector<128x1xf32>
    %dot_general3A_470 = arith.constant dense<0.000000e+00> : vector<128x128xf32>
    %dot_general3A_471 = tpu.matmul %exp3A_463, %get3A_436, %dot_general3A_470 {dimension_numbers = #tpu.dot_dimension_numbers<[1], [0], [0], [1], [0, 0, 1, 1], [], []>, transpose_lhs_hint = false} : vector<128x128xf32>, vector<128x128xf32>, vector<128x128xf32> -> vector<128x128xf32>
    %mul3A_472 = vector.broadcast %exp3A_465 : vector<128x1xf32> to vector<128x128xf32>
    %mul3A_473 = vector.broadcast %get3A_446 : vector<1x128xf32> to vector<128x128xf32>
    %mul3A_474 = arith.mulf %mul3A_472, %mul3A_473 : vector<128x128xf32>
    %add3A_475 = arith.addf %dot_general3A_471, %mul3A_474 : vector<128x128xf32>
    %div3A_476 = vector.broadcast %add3A_469 : vector<128x1xf32> to vector<128x128xf32>
    %div3A_477 = arith.divf %add3A_475, %div3A_476 : vector<128x128xf32>
    %swap3A_478 = arith.constant 7 : index
    %swap3A_479 = arith.constant 0 : index
    %swap3A_480 = arith.constant 0 : index
    %swap3A_481 = vector.load %arg6[%swap3A_478, %swap3A_479, %swap3A_480] : memref<8x128x128xf32, #tpu.memory_space<vmem>>, vector<1x128x128xf32>
    %swap3A_482 = vector.shape_cast %swap3A_481 : vector<1x128x128xf32> to vector<128x128xf32>
    %swap3A_483 = vector.shape_cast %div3A_477 : vector<128x128xf32> to vector<1x128x128xf32>
    tpu.vector_store %arg6[%swap3A_478, %swap3A_479, %swap3A_480], %swap3A_483 {strides = array<i32>} : memref<8x128x128xf32, #tpu.memory_space<vmem>>, vector<1x128x128xf32>,
    return
  }
  func.func @transform_0(%arg0: i32) -> (i32, i32, i32) {
    %c0_i32 = arith.constant 0 : i32
    %c0_i32_0 = arith.constant 0 : i32
    %c0_i32_1 = arith.constant 0 : i32
    return %arg0, %c0_i32, %c0_i32_0 : i32, i32, i32
  }
  func.func @transform_1(%arg0: i32) -> (i32, i32, i32) {
    %c0_i32 = arith.constant 0 : i32
    %c0_i32_0 = arith.constant 0 : i32
    %c0_i32_1 = arith.constant 0 : i32
    return %arg0, %c0_i32, %c0_i32_0 : i32, i32, i32
  }
  func.func @transform_2(%arg0: i32) -> (i32, i32, i32) {
    %c0_i32 = arith.constant 0 : i32
    %c0_i32_0 = arith.constant 0 : i32
    %c0_i32_1 = arith.constant 0 : i32
    return %arg0, %c0_i32, %c0_i32_0 : i32, i32, i32
  }
  func.func @transform_3(%arg0: i32) -> (i32, i32, i32) {
    %jit3A = arith.constant 64 : i32
    %eq3A = arith.constant 0 : i32
    %eq3A_0 = arith.cmpi eq, %jit3A, %eq3A : i32
    %jit3A_1 = arith.constant 1 : i32
    %select_n3A = arith.select %eq3A_0, %jit3A_1, %jit3A : i32
    %rem3A = arith.remsi %arg0, %select_n3A : i32
    %ne3A = arith.constant 0 : i32
    %ne3A_2 = arith.cmpi ne, %rem3A, %ne3A : i32
    %lt3A = arith.constant 0 : i32
    %lt3A_3 = arith.cmpi slt, %rem3A, %lt3A : i32
    %lt3A_4 = arith.constant 0 : i32
    %lt3A_5 = arith.cmpi slt, %select_n3A, %lt3A_4 : i32
    %ne3A_6 = arith.xori %lt3A_3, %lt3A_5 : i1
    %and3A = arith.andi %ne3A_6, %ne3A_2 : i1
    %add3A = arith.addi %rem3A, %select_n3A : i32
    %select_n3A_7 = arith.select %and3A, %add3A, %rem3A : i32
    %c0_i32 = arith.constant 0 : i32
    %c0_i32_8 = arith.constant 0 : i32
    %c0_i32_9 = arith.constant 0 : i32
    return %select_n3A_7, %c0_i32, %c0_i32_8 : i32, i32, i32
  }
  func.func @transform_4(%arg0: i32) -> (i32, i32, i32) {
    %jit3A = arith.constant 64 : i32
    %eq3A = arith.constant 0 : i32
    %eq3A_0 = arith.cmpi eq, %jit3A, %eq3A : i32
    %jit3A_1 = arith.constant 1 : i32
    %select_n3A = arith.select %eq3A_0, %jit3A_1, %jit3A : i32
    %rem3A = arith.remsi %arg0, %select_n3A : i32
    %ne3A = arith.constant 0 : i32
    %ne3A_2 = arith.cmpi ne, %rem3A, %ne3A : i32
    %lt3A = arith.constant 0 : i32
    %lt3A_3 = arith.cmpi slt, %rem3A, %lt3A : i32
    %lt3A_4 = arith.constant 0 : i32
    %lt3A_5 = arith.cmpi slt, %select_n3A, %lt3A_4 : i32
    %ne3A_6 = arith.xori %lt3A_3, %lt3A_5 : i1
    %and3A = arith.andi %ne3A_6, %ne3A_2 : i1
    %add3A = arith.addi %rem3A, %select_n3A : i32
    %select_n3A_7 = arith.select %and3A, %add3A, %rem3A : i32
    %c0_i32 = arith.constant 0 : i32
    %c0_i32_8 = arith.constant 0 : i32
    %c0_i32_9 = arith.constant 0 : i32
    return %select_n3A_7, %c0_i32, %c0_i32_8 : i32, i32, i32
  }
  func.func @transform_5(%arg0: i32) -> (i32, i32, i32) {
    %c0_i32 = arith.constant 0 : i32
    %c0_i32_0 = arith.constant 0 : i32
    %c0_i32_1 = arith.constant 0 : i32
    return %arg0, %c0_i32, %c0_i32_0 : i32, i32, i32
  }
}

module attributes {stable_mosaic.version = 14 : i64} {
  func.func @_div_body(%arg0: i32, %arg1: memref<1x4096x128xf32, #tpu.memory_space<vmem>>, %arg2: memref<1x4096x1xf32, #tpu.memory_space<vmem>>, %arg3: memref<1x4096x64xf32, #tpu.memory_space<vmem>>) attributes {dimension_semantics = [#tpu.dimension_semantics<arbitrary>], iteration_bounds = array<i64: 32>, scalar_prefetch = 0 : i64, scratch_operands = 0 : i64, tpu.core_type = #tpu.core_type<tc>, window_params = [{transform_indices = @transform_0, window_bounds = array<i64: 1, 4096, 128>}, {transform_indices = @transform_1, window_bounds = array<i64: 1, 4096, 1>}, {transform_indices = @transform_2, window_bounds = array<i64: 1, 4096, 64>}]} {
    %get3A = arith.constant 0 : index
    %get3A_0 = arith.constant 0 : index
    %get3A_1 = arith.constant 0 : index
    %get3A_2 = vector.load %arg1[%get3A, %get3A_0, %get3A_1] : memref<1x4096x128xf32, #tpu.memory_space<vmem>>, vector<1x4096x128xf32>
    %get3A_3 = vector.shape_cast %get3A_2 : vector<1x4096x128xf32> to vector<4096x128xf32>
    %slice3A = vector.extract_strided_slice %get3A_3 {offsets = [0, 0], sizes = [4096, 64], strides = [1, 1]} : vector<4096x128xf32> to vector<4096x64xf32>
    %get3A_4 = arith.constant 0 : index
    %get3A_5 = arith.constant 0 : index
    %get3A_6 = arith.constant 0 : index
    %get3A_7 = vector.load %arg2[%get3A_4, %get3A_5, %get3A_6] : memref<1x4096x1xf32, #tpu.memory_space<vmem>>, vector<1x4096x1xf32>
    %get3A_8 = vector.shape_cast %get3A_7 : vector<1x4096x1xf32> to vector<4096x1xf32>
    %add3A = arith.constant 9.99999974E-6 : f32
    %add3A_9 = vector.broadcast %add3A : f32 to vector<4096x1xf32>
    %add3A_10 = arith.addf %get3A_8, %add3A_9 : vector<4096x1xf32>
    %div3A = vector.broadcast %add3A_10 : vector<4096x1xf32> to vector<4096x64xf32>
    %div3A_11 = arith.divf %slice3A, %div3A : vector<4096x64xf32>
    %swap3A = arith.constant 0 : index
    %swap3A_12 = arith.constant 0 : index
    %swap3A_13 = arith.constant 0 : index
    %swap3A_14 = vector.load %arg3[%swap3A, %swap3A_12, %swap3A_13] : memref<1x4096x64xf32, #tpu.memory_space<vmem>>, vector<1x4096x64xf32>
    %swap3A_15 = vector.shape_cast %swap3A_14 : vector<1x4096x64xf32> to vector<4096x64xf32>
    %swap3A_16 = vector.shape_cast %div3A_11 : vector<4096x64xf32> to vector<1x4096x64xf32>
    tpu.vector_store %arg3[%swap3A, %swap3A_12, %swap3A_13], %swap3A_16 {strides = array<i32>} : memref<1x4096x64xf32, #tpu.memory_space<vmem>>, vector<1x4096x64xf32>,
    return
  }
  func.func @transform_0(%arg0: i32) -> (i32, i32, i32) {
    %c0_i32 = arith.constant 0 : i32
    %c0_i32_0 = arith.constant 0 : i32
    %c0_i32_1 = arith.constant 0 : i32
    return %arg0, %c0_i32, %c0_i32_0 : i32, i32, i32
  }
  func.func @transform_1(%arg0: i32) -> (i32, i32, i32) {
    %c0_i32 = arith.constant 0 : i32
    %c0_i32_0 = arith.constant 0 : i32
    %c0_i32_1 = arith.constant 0 : i32
    return %arg0, %c0_i32, %c0_i32_0 : i32, i32, i32
  }
  func.func @transform_2(%arg0: i32) -> (i32, i32, i32) {
    %c0_i32 = arith.constant 0 : i32
    %c0_i32_0 = arith.constant 0 : i32
    %c0_i32_1 = arith.constant 0 : i32
    return %arg0, %c0_i32, %c0_i32_0 : i32, i32, i32
  }
}

</mosaic_0001>

<sc_bundles>
// kernel: kernel.10.cloned.1.call-start
scs
__scs_entry_jumppad:
0x0: {  	(pc) =	sbr.rel $0x88, $3  }
0x1: {  	(tag) =	ssettag $0x0;
	lr =	simm.s32 $0x1  }
0x2: {  	[smem:$0x3F9B] =	sst lr;
	_ =	strace $0xD0000000  }
0x3: {  	_ = 	snop  }
0x4: {  	_ = 	snop  }
0x5: {  	_ = 	snop  }
0x6: {  	_ = 	snop  }
0x7: {  	_ = 	snop  }
__scs_overlays_trampoline_lowered:
0x8: {  	[smem:$0x3FAA] =	sst s0  }
0x9: {  	[smem:$0x3FAB] =	sst s1  }
0xa: {  	[smem:$0x3FAC] =	sst s2  }
0xb: {  	[smem:$0x3FAD] =	sst s3  }
0xc: {  	[smem:$0x3FAE] =	sst s4  }
0xd: {  	[smem:$0x3FAF] =	sst s5  }
0xe: {  	[smem:$0x3FB0] =	sst s6  }
0xf: {  	[smem:$0x3FB1] =	sst s7  }
0x10: {  	[smem:$0x3FB2] =	sst s8  }
0x11: {  	[smem:$0x3FB3] =	sst s9;
	s0 =	simm.s32 @!p0 $0x0  }
0x12: {  	s1 =	sld [smem:$0x3F99];
	s0 =	simm.s32 @p0 $0x1  }
0x13: {  	[smem:$0x3FB4] =	sst s0;
	s0 =	simm.s32 @!p1 $0x0  }
0x14: {  	s2 =	sld [smem:$0x3F98];
	s0 =	simm.s32 @p1 $0x1  }
0x15: {  	[smem:$0x3FB5] =	sst s0;
	s0 =	simm.s32 @!p2 $0x0  }
0x16: {  	s3 =	sld [smem:$0x3FDB];
	s0 =	simm.s32 @p2 $0x1  }
0x17: {  	s4 =	simm.s32 $0x1BF5;
	[smem:$0x3FB7] =	sst s0  }
0x18: {  	s0 =	sld [smem:$0x3F9A];
	_ =	swait.ge [sflag:s4], $0x0  }
0x19: {  	s7 =	sld [smem:$0x3F9B]  }
0x1a: {  	s8 =	sadd.s32 $0xFFFFE003, lr  }
0x1b: {  	s9 =	sadd.s32 $0xFFFFFEF7, lr;
	s5 =	simm.s32 $0xFFFFFFFF;
	p2 =	slt.u32 s8, $0xFFFFF086  }
0x1c: {  	p1 =	slt.u32 s9, $0xF7A;
	s5 =	simm.s32 @!p2 $0x0  }
0x1d: {  	s5 =	simm.s32 @p1 $0x1;
	p0 =	seq.s32 s7, s2  }
0x1e: {  	s7 =	smul.u32 @!p0 $0xF7A, s2;
	p2 =	seq.s32 @!p0 s5, $0x0  }
0x1f: {  	s9 =	smul.u32 $0xF7A, s1;
	s8 =	simm.s32 @!p0 $0x1BF5;
	p2 =	por !p2, p0  }
0x20: {  	[sflag:s8] =	ssyncset.s32 @!p0 $0xFFFFF086;
	s6 =	sadd.s32 @!p0 s3, s7;
	s7 =	simm.s32 @!p0 $0x108  }
0x21: {  	s3 =	sadd.s32 s3, s9;
	s6 =	sadd.s32 @!p0 $0x88, s6;
	s7 =	simm.s32 @p2 $0x1082  }
0x22: {  	[simem:s7], [sflag:s8] =	dma.local @!p0 [hbm:s6], $0xF7A  }
0x23: {  	s9 =	sor.u32 $0xD0000000, s2;
	s6 =	simm.s32 $0x108;
	_ =	swait.ge @!p0 [sflag:s8], $0x0  }
0x24: {  	s3 =	sadd.s32 $0x88, s3;
	s6 =	simm.s32 @!p1 $0x1082;
	[sflag:s4] =	ssyncset.s32 $0xFFFFF086  }
0x25: {  	[simem:s6], [sflag:s4] =	dma.local [hbm:s3], $0xF7A  }
0x26: {  	[smem:$0x3F9B] =	sst s1;
	(tag) =	ssettag s2;
	_ =	strace s9  }
0x27: {  	s1 =	sld [smem:$0x3FAB]  }
0x28: {  	s2 =	sld [smem:$0x3FAC]  }
0x29: {  	s4 =	sld [smem:$0x3FAE]  }
0x2a: {  	p0 =	seq.s32 s5, $0x0;
	s5 =	sld [smem:$0x3FAF]  }
0x2b: {  	s6 =	sld [smem:$0x3FB0]  }
0x2c: {  	s7 =	sld [smem:$0x3FB1]  }
0x2d: {  	s3 =	simm.s32 $0x108;
	s8 =	sld [smem:$0x3FB2]  }
0x2e: {  	s3 =	simm.s32 @!p0 $0x1082;
	s9 =	sld [smem:$0x3FB3]  }
0x2f: {  	lr =	sadd.s32 s0, s3;
	s0 =	sld [smem:$0x3FAA]  }
0x30: {  	s3 =	sld [smem:$0x3FAD]  }
0x31: {  	[smem:$0x3FB6] =	sst s10  }
0x32: {  	s10 =	sld [smem:$0x3FB4];
	_ =	sdelay $0x3  }
0x33: {  	p0 =	seq.s32 s10, $0x1;
	s10 =	sld [smem:$0x3FB6];
	_ =	sdelay $0x3  }
0x34: {  	[smem:$0x3FB6] =	sst s10  }
0x35: {  	s10 =	sld [smem:$0x3FB5];
	_ =	sdelay $0x3  }
0x36: {  	p1 =	seq.s32 s10, $0x1;
	s10 =	sld [smem:$0x3FB6];
	_ =	sdelay $0x3  }
0x37: {  	[smem:$0x3FB6] =	sst s10  }
0x38: {  	s10 =	sld [smem:$0x3FB7]  }
0x39: {  	_ = 	snop;
	(pc) =	sbr.ind lr, $3  }
0x3a: {  	_ = 	snop  }
0x3b: {  	_ = 	snop  }
0x3c: {  	p2 =	seq.s32 s10, $0x1;
	s10 =	sld [smem:$0x3FB6]  }
0x3d: {  	_ =	shalt  }
0x3e: {  	_ =	shalt  }
0x3f: {  	_ =	shalt  }
0x40: {  	_ =	shalt  }
0x41: {  	_ =	shalt  }
0x42: {  	_ =	shalt  }
0x43: {  	_ =	shalt  }
0x44: {  	_ =	shalt  }
0x45: {  	_ =	shalt  }
0x46: {  	_ =	shalt  }
0x47: {  	_ =	shalt  }
0x48: {  	_ =	shalt  }
0x49: {  	_ =	shalt  }
0x4a: {  	_ =	shalt  }
0x4b: {  	_ =	shalt  }
0x4c: {  	_ =	shalt  }
0x4d: {  	_ =	shalt  }
0x4e: {  	_ =	shalt  }
0x4f: {  	_ =	shalt  }
0x50: {  	_ =	shalt  }
0x51: {  	_ =	shalt  }
0x52: {  	_ =	shalt  }
0x53: {  	_ =	shalt  }
0x54: {  	_ =	shalt  }
0x55: {  	_ =	shalt  }
0x56: {  	_ =	shalt  }
0x57: {  	_ =	shalt  }
0x58: {  	_ =	shalt  }
0x59: {  	_ =	shalt  }
0x5a: {  	_ =	shalt  }
0x5b: {  	_ =	shalt  }
0x5c: {  	_ =	shalt  }
0x5d: {  	_ =	shalt  }
0x5e: {  	_ =	shalt  }
0x5f: {  	_ =	shalt  }
0x60: {  	_ =	shalt  }
0x61: {  	_ =	shalt  }
0x62: {  	_ =	shalt  }
0x63: {  	_ =	shalt  }
0x64: {  	_ =	shalt  }
0x65: {  	_ =	shalt  }
0x66: {  	_ =	shalt  }
0x67: {  	_ =	shalt  }
0x68: {  	_ =	shalt  }
0x69: {  	_ =	shalt  }
0x6a: {  	_ =	shalt  }
0x6b: {  	_ =	shalt  }
0x6c: {  	_ =	shalt  }
0x6d: {  	_ =	shalt  }
0x6e: {  	_ =	shalt  }
0x6f: {  	_ =	shalt  }
0x70: {  	_ =	shalt  }
0x71: {  	_ =	shalt  }
0x72: {  	_ =	shalt  }
0x73: {  	_ =	shalt  }
0x74: {  	_ =	shalt  }
0x75: {  	_ =	shalt  }
0x76: {  	_ =	shalt  }
0x77: {  	_ =	shalt  }
0x78: {  	_ =	shalt  }
0x79: {  	_ =	shalt  }
0x7a: {  	_ =	shalt  }
0x7b: {  	_ =	shalt  }
0x7c: {  	_ =	shalt  }
0x7d: {  	_ =	shalt  }
0x7e: {  	_ =	shalt  }
0x7f: {  	_ =	shalt  }
0x80: {  	_ =	shalt  }
0x81: {  	_ =	shalt  }
0x82: {  	_ =	shalt  }
0x83: {  	_ =	shalt  }
0x84: {  	_ =	shalt  }
0x85: {  	_ =	shalt  }
0x86: {  	_ =	shalt  }
0x87: {  	_ =	shalt  }
.Lfunc_end0:
.L_simem_size_0:
called_computation.2_lowered:
.L_overlay_start_0:
0x88: {  	s2 =	sld [smem:$0x3FD9]  }
0x89: {  	s3 =	sld [smem:$0x3FFE];
	_ =	sdelay $0x1  }
0x8a: {  	s1 =	srdreg.scid  }
0x8b: {  	s0 =	sand.u32 $0x1, s1  }
0x8c: {  	s14 =	sshll.u32 s0, $0xA;
	s2 =	sadd.s32 s3, s2  }
0x8d: {  	s2 =	sadd.s32 s2, s14  }
0x8e: {  	[smem:$0x3FC2] =	sst s2  }
0x8f: {  	_ = 	snop  }
0x90: {  	s2 =	sld [smem:$0x3FD0];
	_ =	sdelay $0x2  }
0x91: {  	s15 =	simm.s32 $0xA;
	s4 =	simm.s32 $0x10  }
0x92: {  	[smem:s4], [sflag:s15] =	dma.local [hbm:s2], $0x1  }
0x93: {  	_ =	swait.eq [sflag:s15], $0x1  }
0x94: {  	[sflag:s15] =	ssyncset.done $0x0  }
0x95: {  	[sflag:s15] =	ssyncadd.s32 $0xFFFFFFFF  }
0x96: {  	s16 =	sld [smem:$0x10];
	(tm) =	ssettm $0x1  }
0x97: {  	s17 =	sld [smem:$0x3FFB];
	_ =	sdelay $0x3  }
0x98: {  	_ =	strace s17  }
0x99: {  	s3 =	sld [smem:$0x3FFC];
	_ =	sdelay $0x3  }
0x9a: {  	_ =	strace s3  }
0x9b: {  	s3 =	sld [smem:$0x3FFD];
	_ =	sdelay $0x3  }
0x9c: {  	_ =	strace s3  }
0x9d: {  	_ =	strace $0x8FFFFFFF  }
0x9e: {  	s18 =	sld [smem:$0x3FDB];
	_ =	sdelay $0x1  }
0x9f: {  	s19 =	simm.s32 $_scs_section_size  }
0xa0: {  	s5 =	simm.s32 $_size__tile_overlayer_lowered;
	s6 =	simm.s32 $_tile_overlayer_lowered  }
0xa1: {  	s22 =	simm.s32 $0x1BFF;
	s21 =	sshll.u32 s6, $0x1;
	s3 =	sadd.s32 s19, s18  }
0xa2: {  	s7 =	simm.s32 $0x0;
	s20 =	sshll.u32 s5, $0x1;
	s5 =	sadd.s32 s21, s3  }
0xa3: {  	[timem:s7], [sflag:s22] =	dma.local [hbm:s5], s20  }
0xa4: {  	_ =	swait.ge [sflag:s22], s20  }
0xa5: {  	s4 =	ssub.s32 $0x0, s20;
	[sflag:s22] =	ssyncset.done $0x0  }
0xa6: {  	[sflag:s22] =	ssyncadd.s32 s4;
	_ =	sdelay $0x1  }
0xa7: {  	s23 =	simm.s32 $0x1B8B  }
0xa8: {  	_ =	swait.ge [sflag:s23], $0x1  }
0xa9: {  	[sflag:s23] =	ssyncset.done $0x0  }
0xaa: {  	s25 =	simm.s32 $0x1B8E;
	s24 =	sld [smem:$0x3FFE];
	[sflag:s23] =	ssyncadd.s32 $0xFFFFFFFF  }
0xab: {  	s26 =	simm.s32 $execute0_lowered;
	[smem:$0x3FD2] =	sst s25  }
0xac: {  	s5 =	sshll.u32 s26, $0x1;
	_ =	strace $0x80000049;
	[dreg:$0x1] =	wrdreg $0xFFFFFFFF  }
0xad: {  	s28 =	simm.s32 $_size_execute0_lowered;
	s3 =	sadd.s32 s3, s5;
	[dreg:$0x0] =	wrdreg $0x0  }
0xae: {  	s5 =	sshll.u32 s28, $0x1;
	[dreg:$0x2] =	wrdreg s3  }
0xaf: {  	[dreg:$0x3] =	wrdreg s5  }
0xb0: {  	[dreg:$0x4] =	wrdreg $0xC0  }
0xb1: {  	_ =	task [dreg:s7], $0x5FFFF  }
0xb2: {  	[dreg:$0x1] =	wrdreg $0xFFFFFFFF  }
0xb3: {  	[dreg:$0x0] =	wrdreg $0x60  }
0xb4: {  	[dreg:$0x2] =	wrdreg s24  }
0xb5: {  	[dreg:$0x3] =	wrdreg s16  }
0xb6: {  	[dreg:$0x4] =	wrdreg $0x101000  }
0xb7: {  	[dreg:$0x5] =	wrdreg $0x9  }
0xb8: {  	_ =	task.clear_ibuf [dreg:s7], $0x6FFFF;
	_ =	strace $0x90000049  }
0xb9: {  	s29 =	simm.s32 $0x9;
	_ =	strace $0x8000004B  }
0xba: {  	_ =	swait.ge [sflag:s29], $0x1  }
0xbb: {  	[sflag:s29] =	ssyncadd.s32 $0xFFFFFFFF  }
0xbc: {  	_ =	strace $0x9000004B  }
0xbd: {  	_ =	sfence  }
0xbe: {  	s30 =	sld [smem:$0x0];
	_ =	sdelay $0x2  }
0xbf: {  	s31 =	sshll.u32 s1, $0xD;
	s1 =	sshrl.u32 s1, $0x2  }
0xc0: {  	s3 =	sand.u32 $0x4000, s31;
	s1 =	sadd.s32 s1, s30  }
0xc1: {  	s0 =	sor.u32 s3, s0;
	s1 =	sshll.u32 s1, $0x11  }
0xc2: {  	s0 =	sor.u32 s1, s0  }
0xc3: {  	s0 =	sadd.s32 $0x8F2B, s0  }
0xc4: {  	[sflag:s0] =	ssyncadd.remote.s32 $0x1  }
0xc5: {  	_ =	sfence.sel $0xFFFF  }
0xc6: {  	[dreg:$0x0] =	wrdreg $0xFFFFFFFF;
	(pc) =	sbr.abs _section_cstart, $3  }
0xc7: {  	[dreg:$0x1] =	wrdreg $0xFFFFFFFF  }
0xc8: {  	_ =	task.clear_ibuf [dreg:s7], $0x2FFFF;
	_ =	strace $0x9FFFFFFF  }
0xc9: {  	(tm) =	ssettm $0x7FFFFFFF  }
tec
execute0_lowered:
.L_overlay_start_1:
0x0: {  	(tag) =	ssettag $0x1  }
0x1: {  	s5 =	rddreg [dreg:$0x0]  }
0x2: {  	s1 =	rddreg [dreg:$0x1]  }
0x3: {  	s2 =	rddreg [dreg:$0x2]  }
0x4: {  	s4 =	srdreg.scid;
	s0 =	rddreg [dreg:$0x3]  }
0x5: {  	s3 =	simm.s32 $0x0;
	s12 =	simm.s32 $0x1;
	s13 =	simm.s32 $0x8000  }
0x6: {  	s14 =	simm.s32 $0x80;
	s15 =	simm.s32 $0x8080;
	s16 =	simm.s32 $0x4000  }
0x7: {  	s17 =	simm.s32 $0x0;
	s6 =	sand.u32 $0x1, s4;
	[smem:$0x7FF] =	sst s3  }
0x8: {  	s4 =	sshll.u32 s6, $0x14;
	_ =	strace $0x8000004A;
	s7 =	sshll.u32 s6, $0xD  }
0x9: {  	s6 =	ssub.s32 $0x2, s6;
	s9 =	sadd.s32 s4, s5;
	s4 =	stileid.u32  }
0xa: {  	s7 =	sadd.s32 s7, s5;
	s29 =	sshrl.u32 s6, $0x1;
	s8 =	sshll.u32 s4, $0xF  }
0xb: {  	s10 =	ssub.s32 s6, s29;
	s30 =	sshll.u32 s4, $0x5;
	s11 =	sshll.u32 s4, $0xC  }
0xc: {  	s5 =	sadd.s32 s8, s2;
	s8 =	sadd.s32 s30, s7;
	s7 =	smax.u32 s10, $0x1  }
0xd: {  	s31 =	sadd.s32 s11, s9;
	s11 =	simm.s32 $0x8100;
	s8 =	sadd.s32 $0x281C00, s8  }
0xe: {  	s6 =	sadd.s32 $0x4000, s5;
	s9 =	sadd.s32 $0x81C00, s31;
	s10 =	sadd.s32 $0xA01A00, s31  }
.LBB2_1:
0xf: {  	[tilespmem:s11], [sflag:$0x1] =	stream.linear.gather [hbm4b:s1+s3], $0x8000, $0x38;
	[tilespmem:$0x18100] =	vst v63  }
0x10: {  	_ =	swait.ge [sflag:s12], $0x8000  }
0x11: {  	[sflag:s12] =	ssyncset.done $0x0  }
0x12: {  	[sflag:s12] =	ssyncadd.s32 $0xFFFF8000  }
0x13: {  	[spmem:s5] =	stream.linear.scatter [tilespmem:s11], [sflag:$0x1], $0x8000, $0x38;
	[tilespmem:$0x18100] =	vst v63  }
0x14: {  	_ =	swait.ge [sflag:s12], $0x8000  }
0x15: {  	[sflag:s12] =	ssyncset.done $0x0  }
0x16: {  	[sflag:s12] =	ssyncadd.s32 $0xFFFF8000  }
0x17: {  	s18 =	sadd.s32 $0x0, s10;
	[bflag:$0x0] =	sbarrier.arrive $0xFFFF  }
0x18: {  	[tilespmem:s3], [sflag:$0x1] =	stream.linear.gather [hbm4b:s18+s3], $0x8000, $0x38;
	[tilespmem:$0x18100] =	vst v63  }
0x19: {  	_ =	swait.ge [sflag:s12], $0x8000  }
0x1a: {  	[sflag:s12] =	ssyncset.done $0x0  }
0x1b: {  	[sflag:s12] =	ssyncadd.s32 $0xFFFF8000  }
0x1c: {  	[tilespmem:s13], [sflag:$0x1] =	stream.linear.gather [hbm4b:s8+s3], $0x100, $0x38;
	[tilespmem:$0x18100] =	vst v63  }
0x1d: {  	_ =	swait.ge [sflag:s12], $0x100  }
0x1e: {  	[sflag:s12] =	ssyncset.done $0x0  }
0x1f: {  	[sflag:s12] =	ssyncadd.s32 $0xFFFFFF00  }
0x20: {  	[spmem:s2] =	stream.indirect.scatter.add.f32 [tilespmem:s3], [sflag:$0x1], $0x80, s13, s14, $0xb8;
	[tilespmem:$0x18100] =	vst v63  }
0x21: {  	_ =	swait.ge [sflag:s12], $0x4000  }
0x22: {  	[sflag:s12] =	ssyncset.done $0x0  }
0x23: {  	[sflag:s12] =	ssyncadd.s32 $0xFFFFC000  }
0x24: {  	[spmem:s2] =	stream.indirect.scatter.add.f32 [tilespmem:s16], [sflag:$0x1], $0x80, s15, s14, $0xb8;
	[tilespmem:$0x18100] =	vst v63  }
0x25: {  	_ =	swait.ge [sflag:s12], $0x4000  }
0x26: {  	[sflag:s12] =	ssyncset.done $0x0  }
0x27: {  	[sflag:s12] =	ssyncadd.s32 $0xFFFFC000  }
0x28: {  	[bflag:$0x0] =	sbarrier.arrive $0xFFFF  }
0x29: {  	[tilespmem:s3], [sflag:$0x1] =	stream.linear.gather [spmem:s5], $0x4000, $0x38;
	[tilespmem:$0x18100] =	vst v63  }
0x2a: {  	_ =	swait.ge [sflag:s12], $0x4000  }
0x2b: {  	[sflag:s12] =	ssyncset.done $0x0  }
0x2c: {  	s31 =	sadd.s32 $0x0, s9;
	[sflag:s12] =	ssyncadd.s32 $0xFFFFC000  }
0x2d: {  	[hbm4b:s31+s3] =	stream.linear.scatter [tilespmem:s3], [sflag:$0x1], $0x4000, $0x38;
	[tilespmem:$0x18100] =	vst v63  }
0x2e: {  	_ =	swait.ge [sflag:s12], $0x4000  }
0x2f: {  	[sflag:s12] =	ssyncset.done $0x0  }
0x30: {  	[sflag:s12] =	ssyncadd.s32 $0xFFFFC000  }
0x31: {  	[tilespmem:s16], [sflag:$0x1] =	stream.linear.gather [spmem:s6], $0x4000, $0x38;
	[tilespmem:$0x18100] =	vst v63  }
0x32: {  	_ =	swait.ge [sflag:s12], $0x4000  }
0x33: {  	[sflag:s12] =	ssyncset.done $0x0  }
0x34: {  	s18 =	sadd.s32 $0x800, s31;
	[sflag:s12] =	ssyncadd.s32 $0xFFFFC000  }
0x35: {  	[hbm4b:s18+s3] =	stream.linear.scatter [tilespmem:s16], [sflag:$0x1], $0x4000, $0x38;
	[tilespmem:$0x18100] =	vst v63  }
0x36: {  	_ =	swait.ge [sflag:s12], $0x4000  }
0x37: {  	s19 =	smov.u32 s8;
	s18 =	simm.s32 $0x10000;
	[sflag:s12] =	ssyncset.done $0x0  }
.LBB2_2:
0x38: {  	p0 =	sne.s32 s18, $0xF0000;
	[sflag:s12] =	ssyncadd.s32 $0xFFFFC000;
	s19 =	sadd.s32 $0x200, s19  }
0x39: {  	[spmem:s5] =	stream.linear.scatter [tilespmem:s11], [sflag:$0x1], $0x8000, $0x38;
	[tilespmem:$0x18100] =	vst v63  }
0x3a: {  	s20 =	smov.u32 s18;
	s18 =	sadd.s32 $0x10000, s18;
	_ =	swait.ge [sflag:s12], $0x8000  }
0x3b: {  	[sflag:s12] =	ssyncset.done $0x0  }
0x3c: {  	[sflag:s12] =	ssyncadd.s32 $0xFFFF8000  }
0x3d: {  	s21 =	sadd.s32 s20, s10;
	[bflag:$0x0] =	sbarrier.arrive $0xFFFF  }
0x3e: {  	[tilespmem:s3], [sflag:$0x1] =	stream.linear.gather [hbm4b:s21+s3], $0x8000, $0x38;
	[tilespmem:$0x18100] =	vst v63  }
0x3f: {  	_ =	swait.ge [sflag:s12], $0x8000  }
0x40: {  	[sflag:s12] =	ssyncset.done $0x0  }
0x41: {  	[sflag:s12] =	ssyncadd.s32 $0xFFFF8000  }
0x42: {  	[tilespmem:s13], [sflag:$0x1] =	stream.linear.gather [hbm4b:s19+s3], $0x100, $0x38;
	[tilespmem:$0x18100] =	vst v63  }
0x43: {  	_ =	swait.ge [sflag:s12], $0x100  }
0x44: {  	[sflag:s12] =	ssyncset.done $0x0  }
0x45: {  	[sflag:s12] =	ssyncadd.s32 $0xFFFFFF00  }
0x46: {  	[spmem:s2] =	stream.indirect.scatter.add.f32 [tilespmem:s3], [sflag:$0x1], $0x80, s13, s14, $0xb8;
	[tilespmem:$0x18100] =	vst v63  }
0x47: {  	_ =	swait.ge [sflag:s12], $0x4000  }
0x48: {  	[sflag:s12] =	ssyncset.done $0x0  }
0x49: {  	[sflag:s12] =	ssyncadd.s32 $0xFFFFC000  }
0x4a: {  	[spmem:s2] =	stream.indirect.scatter.add.f32 [tilespmem:s16], [sflag:$0x1], $0x80, s15, s14, $0xb8;
	[tilespmem:$0x18100] =	vst v63  }
0x4b: {  	_ =	swait.ge [sflag:s12], $0x4000  }
0x4c: {  	[sflag:s12] =	ssyncset.done $0x0  }
0x4d: {  	[sflag:s12] =	ssyncadd.s32 $0xFFFFC000  }
0x4e: {  	[bflag:$0x0] =	sbarrier.arrive $0xFFFF  }
0x4f: {  	[tilespmem:s3], [sflag:$0x1] =	stream.linear.gather [spmem:s5], $0x4000, $0x38;
	[tilespmem:$0x18100] =	vst v63  }
0x50: {  	_ =	swait.ge [sflag:s12], $0x4000  }
0x51: {  	[sflag:s12] =	ssyncset.done $0x0  }
0x52: {  	s20 =	sadd.s32 s20, s9;
	[sflag:s12] =	ssyncadd.s32 $0xFFFFC000  }
0x53: {  	[hbm4b:s20+s3] =	stream.linear.scatter [tilespmem:s3], [sflag:$0x1], $0x4000, $0x38;
	[tilespmem:$0x18100] =	vst v63  }
0x54: {  	_ =	swait.ge [sflag:s12], $0x4000  }
0x55: {  	[sflag:s12] =	ssyncset.done $0x0  }
0x56: {  	[sflag:s12] =	ssyncadd.s32 $0xFFFFC000  }
0x57: {  	[tilespmem:s16], [sflag:$0x1] =	stream.linear.gather [spmem:s6], $0x4000, $0x38;
	[tilespmem:$0x18100] =	vst v63  }
0x58: {  	_ =	swait.ge [sflag:s12], $0x4000  }
.Ltmp0:
0x59: {  	[sflag:s12] =	ssyncset.done $0x0;
	(pc) =	sbr.rel @p0 .LBB2_2-.Ltmp0, $4  }
0x5a: {  	s20 =	sadd.s32 $0x800, s20;
	[sflag:s12] =	ssyncadd.s32 $0xFFFFC000  }
0x5b: {  	[hbm4b:s20+s3] =	stream.linear.scatter [tilespmem:s16], [sflag:$0x1], $0x4000, $0x38;
	[tilespmem:$0x18100] =	vst v63  }
0x5c: {  	_ =	swait.ge [sflag:s12], $0x4000  }
0x5d: {  	[sflag:s12] =	ssyncset.done $0x0  }
0x5e: {  	s17 =	sadd.s32 $0x1, s17  }
0x5f: {  	p0 =	sne.s32 s17, s7  }
.Ltmp1:
0x60: {  	_ = 	snop;
	(pc) =	sbr.rel @p0 .LBB2_1-.Ltmp1, $2  }
0x61: {  	_ =	sdelay $0x2  }
0x62: {  	[sflag:s12] =	ssyncadd.s32 $0xFFFFC000  }
0x63: {  	_ =	sfence.sel $0x180000  }
0x64: {  	[bflag:$0x0] =	sbarrier.arrive $0xFFFF  }
0x65: {  	p0 =	sne.s32 s4, $0x0;
	_ =	strace $0x9000004A  }
0x66: {  	s0 =	sadd.s32 @!p0 $0x100000, s0;
	[bflag:$0x2] =	sbarrier.arrive $0xFFFF  }
0x67: {  	[sflag:s0] =	ssyncadd.tile.s32 @!p0 $0x1;
	_ =	shalt  }
.Lfunc_end2:
_tile_overlayer_lowered:
.L_overlay_start_2:
0x68: {  	(tag) =	ssettag $0x2  }
0x69: {  	s0 =	rddreg [dreg:$0x0];
	s2 =	stileid.u32  }
0x6a: {  	s1 =	rddreg [dreg:$0x1];
	p0 =	sne.s32 s2, $0x0  }
0x6b: {  	s3 =	rddreg [dreg:$0x2];
	[bflag:$0x3] =	sbarrier.arrive $0xFFFF;
	s2 =	simm.s32 @!p0 $0x1C01  }
0x6c: {  	[timem:s3], [sflag:s2] =	dma.local @!p0 [hbm:s0], s1  }
0x6d: {  	s0 =	simm.s32 @!p0 $0x1  }
0x6e: {  	_ =	swait.ge @!p0 [sflag:s0], s1  }
0x6f: {  	s1 =	ssub.s32 @!p0 $0x0, s1;
	[sflag:s0] =	ssyncset.done @!p0 $0x0  }
0x70: {  	[sflag:s0] =	ssyncadd.s32 @!p0 s1  }
0x71: {  	[bflag:$0x3] =	sbarrier.arrive $0xFFFF  }
0x72: {  	_ =	shalt  }

// kernel: kernel.7.cloned.1.call-start
scs
__scs_entry_jumppad:
0x0: {  	(pc) =	sbr.rel $0x88, $3  }
0x1: {  	(tag) =	ssettag $0x0;
	lr =	simm.s32 $0x1  }
0x2: {  	[smem:$0x3F9B] =	sst lr;
	_ =	strace $0xD0000000  }
0x3: {  	_ = 	snop  }
0x4: {  	_ = 	snop  }
0x5: {  	_ = 	snop  }
0x6: {  	_ = 	snop  }
0x7: {  	_ = 	snop  }
__scs_overlays_trampoline_lowered:
0x8: {  	[smem:$0x3FAA] =	sst s0  }
0x9: {  	[smem:$0x3FAB] =	sst s1  }
0xa: {  	[smem:$0x3FAC] =	sst s2  }
0xb: {  	[smem:$0x3FAD] =	sst s3  }
0xc: {  	[smem:$0x3FAE] =	sst s4  }
0xd: {  	[smem:$0x3FAF] =	sst s5  }
0xe: {  	[smem:$0x3FB0] =	sst s6  }
0xf: {  	[smem:$0x3FB1] =	sst s7  }
0x10: {  	[smem:$0x3FB2] =	sst s8  }
0x11: {  	[smem:$0x3FB3] =	sst s9;
	s0 =	simm.s32 @!p0 $0x0  }
0x12: {  	s1 =	sld [smem:$0x3F99];
	s0 =	simm.s32 @p0 $0x1  }
0x13: {  	[smem:$0x3FB4] =	sst s0;
	s0 =	simm.s32 @!p1 $0x0  }
0x14: {  	s2 =	sld [smem:$0x3F98];
	s0 =	simm.s32 @p1 $0x1  }
0x15: {  	[smem:$0x3FB5] =	sst s0;
	s0 =	simm.s32 @!p2 $0x0  }
0x16: {  	s3 =	sld [smem:$0x3FDB];
	s0 =	simm.s32 @p2 $0x1  }
0x17: {  	s4 =	simm.s32 $0x1BF5;
	[smem:$0x3FB7] =	sst s0  }
0x18: {  	s0 =	sld [smem:$0x3F9A];
	_ =	swait.ge [sflag:s4], $0x0  }
0x19: {  	s7 =	sld [smem:$0x3F9B]  }
0x1a: {  	s8 =	sadd.s32 $0xFFFFE003, lr  }
0x1b: {  	s9 =	sadd.s32 $0xFFFFFEF7, lr;
	s5 =	simm.s32 $0xFFFFFFFF;
	p2 =	slt.u32 s8, $0xFFFFF086  }
0x1c: {  	p1 =	slt.u32 s9, $0xF7A;
	s5 =	simm.s32 @!p2 $0x0  }
0x1d: {  	s5 =	simm.s32 @p1 $0x1;
	p0 =	seq.s32 s7, s2  }
0x1e: {  	s7 =	smul.u32 @!p0 $0xF7A, s2;
	p2 =	seq.s32 @!p0 s5, $0x0  }
0x1f: {  	s9 =	smul.u32 $0xF7A, s1;
	s8 =	simm.s32 @!p0 $0x1BF5;
	p2 =	por !p2, p0  }
0x20: {  	[sflag:s8] =	ssyncset.s32 @!p0 $0xFFFFF086;
	s6 =	sadd.s32 @!p0 s3, s7;
	s7 =	simm.s32 @!p0 $0x108  }
0x21: {  	s3 =	sadd.s32 s3, s9;
	s6 =	sadd.s32 @!p0 $0x88, s6;
	s7 =	simm.s32 @p2 $0x1082  }
0x22: {  	[simem:s7], [sflag:s8] =	dma.local @!p0 [hbm:s6], $0xF7A  }
0x23: {  	s9 =	sor.u32 $0xD0000000, s2;
	s6 =	simm.s32 $0x108;
	_ =	swait.ge @!p0 [sflag:s8], $0x0  }
0x24: {  	s3 =	sadd.s32 $0x88, s3;
	s6 =	simm.s32 @!p1 $0x1082;
	[sflag:s4] =	ssyncset.s32 $0xFFFFF086  }
0x25: {  	[simem:s6], [sflag:s4] =	dma.local [hbm:s3], $0xF7A  }
0x26: {  	[smem:$0x3F9B] =	sst s1;
	(tag) =	ssettag s2;
	_ =	strace s9  }
0x27: {  	s1 =	sld [smem:$0x3FAB]  }
0x28: {  	s2 =	sld [smem:$0x3FAC]  }
0x29: {  	s4 =	sld [smem:$0x3FAE]  }
0x2a: {  	p0 =	seq.s32 s5, $0x0;
	s5 =	sld [smem:$0x3FAF]  }
0x2b: {  	s6 =	sld [smem:$0x3FB0]  }
0x2c: {  	s7 =	sld [smem:$0x3FB1]  }
0x2d: {  	s3 =	simm.s32 $0x108;
	s8 =	sld [smem:$0x3FB2]  }
0x2e: {  	s3 =	simm.s32 @!p0 $0x1082;
	s9 =	sld [smem:$0x3FB3]  }
0x2f: {  	lr =	sadd.s32 s0, s3;
	s0 =	sld [smem:$0x3FAA]  }
0x30: {  	s3 =	sld [smem:$0x3FAD]  }
0x31: {  	[smem:$0x3FB6] =	sst s10  }
0x32: {  	s10 =	sld [smem:$0x3FB4];
	_ =	sdelay $0x3  }
0x33: {  	p0 =	seq.s32 s10, $0x1;
	s10 =	sld [smem:$0x3FB6];
	_ =	sdelay $0x3  }
0x34: {  	[smem:$0x3FB6] =	sst s10  }
0x35: {  	s10 =	sld [smem:$0x3FB5];
	_ =	sdelay $0x3  }
0x36: {  	p1 =	seq.s32 s10, $0x1;
	s10 =	sld [smem:$0x3FB6];
	_ =	sdelay $0x3  }
0x37: {  	[smem:$0x3FB6] =	sst s10  }
0x38: {  	s10 =	sld [smem:$0x3FB7]  }
0x39: {  	_ = 	snop;
	(pc) =	sbr.ind lr, $3  }
0x3a: {  	_ = 	snop  }
0x3b: {  	_ = 	snop  }
0x3c: {  	p2 =	seq.s32 s10, $0x1;
	s10 =	sld [smem:$0x3FB6]  }
0x3d: {  	_ =	shalt  }
0x3e: {  	_ =	shalt  }
0x3f: {  	_ =	shalt  }
0x40: {  	_ =	shalt  }
0x41: {  	_ =	shalt  }
0x42: {  	_ =	shalt  }
0x43: {  	_ =	shalt  }
0x44: {  	_ =	shalt  }
0x45: {  	_ =	shalt  }
0x46: {  	_ =	shalt  }
0x47: {  	_ =	shalt  }
0x48: {  	_ =	shalt  }
0x49: {  	_ =	shalt  }
0x4a: {  	_ =	shalt  }
0x4b: {  	_ =	shalt  }
0x4c: {  	_ =	shalt  }
0x4d: {  	_ =	shalt  }
0x4e: {  	_ =	shalt  }
0x4f: {  	_ =	shalt  }
0x50: {  	_ =	shalt  }
0x51: {  	_ =	shalt  }
0x52: {  	_ =	shalt  }
0x53: {  	_ =	shalt  }
0x54: {  	_ =	shalt  }
0x55: {  	_ =	shalt  }
0x56: {  	_ =	shalt  }
0x57: {  	_ =	shalt  }
0x58: {  	_ =	shalt  }
0x59: {  	_ =	shalt  }
0x5a: {  	_ =	shalt  }
0x5b: {  	_ =	shalt  }
0x5c: {  	_ =	shalt  }
0x5d: {  	_ =	shalt  }
0x5e: {  	_ =	shalt  }
0x5f: {  	_ =	shalt  }
0x60: {  	_ =	shalt  }
0x61: {  	_ =	shalt  }
0x62: {  	_ =	shalt  }
0x63: {  	_ =	shalt  }
0x64: {  	_ =	shalt  }
0x65: {  	_ =	shalt  }
0x66: {  	_ =	shalt  }
0x67: {  	_ =	shalt  }
0x68: {  	_ =	shalt  }
0x69: {  	_ =	shalt  }
0x6a: {  	_ =	shalt  }
0x6b: {  	_ =	shalt  }
0x6c: {  	_ =	shalt  }
0x6d: {  	_ =	shalt  }
0x6e: {  	_ =	shalt  }
0x6f: {  	_ =	shalt  }
0x70: {  	_ =	shalt  }
0x71: {  	_ =	shalt  }
0x72: {  	_ =	shalt  }
0x73: {  	_ =	shalt  }
0x74: {  	_ =	shalt  }
0x75: {  	_ =	shalt  }
0x76: {  	_ =	shalt  }
0x77: {  	_ =	shalt  }
0x78: {  	_ =	shalt  }
0x79: {  	_ =	shalt  }
0x7a: {  	_ =	shalt  }
0x7b: {  	_ =	shalt  }
0x7c: {  	_ =	shalt  }
0x7d: {  	_ =	shalt  }
0x7e: {  	_ =	shalt  }
0x7f: {  	_ =	shalt  }
0x80: {  	_ =	shalt  }
0x81: {  	_ =	shalt  }
0x82: {  	_ =	shalt  }
0x83: {  	_ =	shalt  }
0x84: {  	_ =	shalt  }
0x85: {  	_ =	shalt  }
0x86: {  	_ =	shalt  }
0x87: {  	_ =	shalt  }
.Lfunc_end0:
.L_simem_size_0:
called_computation.1_lowered:
.L_overlay_start_0:
0x88: {  	s2 =	sld [smem:$0x3FD9]  }
0x89: {  	s3 =	sld [smem:$0x3FFE];
	_ =	sdelay $0x1  }
0x8a: {  	s1 =	srdreg.scid  }
0x8b: {  	s0 =	sand.u32 $0x1, s1  }
0x8c: {  	s14 =	sshll.u32 s0, $0xA;
	s2 =	sadd.s32 s3, s2  }
0x8d: {  	s2 =	sadd.s32 s2, s14  }
0x8e: {  	[smem:$0x3FC2] =	sst s2  }
0x8f: {  	_ = 	snop  }
0x90: {  	s2 =	sld [smem:$0x3FD0];
	_ =	sdelay $0x2  }
0x91: {  	s15 =	simm.s32 $0xA;
	s4 =	simm.s32 $0x10  }
0x92: {  	[smem:s4], [sflag:s15] =	dma.local [hbm:s2], $0x1  }
0x93: {  	_ =	swait.eq [sflag:s15], $0x1  }
0x94: {  	[sflag:s15] =	ssyncset.done $0x0  }
0x95: {  	[sflag:s15] =	ssyncadd.s32 $0xFFFFFFFF  }
0x96: {  	s16 =	sld [smem:$0x10];
	(tm) =	ssettm $0x1  }
0x97: {  	s17 =	sld [smem:$0x3FFB];
	_ =	sdelay $0x3  }
0x98: {  	_ =	strace s17  }
0x99: {  	s3 =	sld [smem:$0x3FFC];
	_ =	sdelay $0x3  }
0x9a: {  	_ =	strace s3  }
0x9b: {  	s3 =	sld [smem:$0x3FFD];
	_ =	sdelay $0x3  }
0x9c: {  	_ =	strace s3  }
0x9d: {  	_ =	strace $0x8FFFFFFF  }
0x9e: {  	s18 =	sld [smem:$0x3FDB];
	_ =	sdelay $0x1  }
0x9f: {  	s19 =	simm.s32 $_scs_section_size  }
0xa0: {  	s5 =	simm.s32 $_size__tile_overlayer_lowered;
	s6 =	simm.s32 $_tile_overlayer_lowered  }
0xa1: {  	s22 =	simm.s32 $0x1BFF;
	s21 =	sshll.u32 s6, $0x1;
	s3 =	sadd.s32 s19, s18  }
0xa2: {  	s7 =	simm.s32 $0x0;
	s20 =	sshll.u32 s5, $0x1;
	s5 =	sadd.s32 s21, s3  }
0xa3: {  	[timem:s7], [sflag:s22] =	dma.local [hbm:s5], s20  }
0xa4: {  	_ =	swait.ge [sflag:s22], s20  }
0xa5: {  	s4 =	ssub.s32 $0x0, s20;
	[sflag:s22] =	ssyncset.done $0x0  }
0xa6: {  	[sflag:s22] =	ssyncadd.s32 s4;
	_ =	sdelay $0x1  }
0xa7: {  	s23 =	simm.s32 $0x1B8B  }
0xa8: {  	_ =	swait.ge [sflag:s23], $0x1  }
0xa9: {  	[sflag:s23] =	ssyncset.done $0x0  }
0xaa: {  	s25 =	simm.s32 $0x1B8E;
	s24 =	sld [smem:$0x3FFE];
	[sflag:s23] =	ssyncadd.s32 $0xFFFFFFFF  }
0xab: {  	s26 =	simm.s32 $execute0_lowered;
	[smem:$0x3FD2] =	sst s25  }
0xac: {  	s5 =	sshll.u32 s26, $0x1;
	_ =	strace $0x80000046;
	[dreg:$0x1] =	wrdreg $0xFFFFFFFF  }
0xad: {  	s28 =	simm.s32 $_size_execute0_lowered;
	s3 =	sadd.s32 s3, s5;
	[dreg:$0x0] =	wrdreg $0x0  }
0xae: {  	s5 =	sshll.u32 s28, $0x1;
	[dreg:$0x2] =	wrdreg s3  }
0xaf: {  	[dreg:$0x3] =	wrdreg s5  }
0xb0: {  	[dreg:$0x4] =	wrdreg $0xC0  }
0xb1: {  	_ =	task [dreg:s7], $0x5FFFF  }
0xb2: {  	[dreg:$0x1] =	wrdreg $0xFFFFFFFF  }
0xb3: {  	[dreg:$0x0] =	wrdreg $0x60  }
0xb4: {  	[dreg:$0x2] =	wrdreg s24  }
0xb5: {  	[dreg:$0x3] =	wrdreg s16  }
0xb6: {  	[dreg:$0x4] =	wrdreg $0x9  }
0xb7: {  	_ =	task.clear_ibuf [dreg:s7], $0x5FFFF;
	_ =	strace $0x90000046  }
0xb8: {  	s29 =	simm.s32 $0x9;
	_ =	strace $0x80000048  }
0xb9: {  	_ =	swait.ge [sflag:s29], $0x1  }
0xba: {  	[sflag:s29] =	ssyncadd.s32 $0xFFFFFFFF  }
0xbb: {  	_ =	strace $0x90000048  }
0xbc: {  	_ =	sfence  }
0xbd: {  	s30 =	sld [smem:$0x0];
	_ =	sdelay $0x2  }
0xbe: {  	s31 =	sshll.u32 s1, $0xD;
	s1 =	sshrl.u32 s1, $0x2  }
0xbf: {  	s3 =	sand.u32 $0x4000, s31;
	s1 =	sadd.s32 s1, s30  }
0xc0: {  	s0 =	sor.u32 s3, s0;
	s1 =	sshll.u32 s1, $0x11  }
0xc1: {  	s0 =	sor.u32 s1, s0  }
0xc2: {  	s0 =	sadd.s32 $0x8F2B, s0  }
0xc3: {  	[sflag:s0] =	ssyncadd.remote.s32 $0x1  }
0xc4: {  	_ =	sfence.sel $0xFFFF  }
0xc5: {  	[dreg:$0x0] =	wrdreg $0xFFFFFFFF;
	(pc) =	sbr.abs _section_cstart, $3  }
0xc6: {  	[dreg:$0x1] =	wrdreg $0xFFFFFFFF  }
0xc7: {  	_ =	task.clear_ibuf [dreg:s7], $0x2FFFF;
	_ =	strace $0x9FFFFFFF  }
0xc8: {  	(tm) =	ssettm $0x7FFFFFFF  }
0xc9: {  	_ =	shalt  }
tec
execute0_lowered:
.L_overlay_start_1:
0x0: {  	(tag) =	ssettag $0x1  }
0x1: {  	s0 =	rddreg [dreg:$0x0]  }
0x2: {  	s4 =	rddreg [dreg:$0x1];
	s2 =	simm.s32 $0x0  }
0x3: {  	s24 =	srdreg.scid;
	s5 =	stileid.u32;
	s18 =	simm.s32 $0x80  }
0x4: {  	s19 =	simm.s32 $0x400;
	s21 =	simm.s32 $0x4;
	s22 =	simm.s32 $0x4000  }
0x5: {  	s28 =	simm.s32 $0x5;
	s29 =	simm.s32 $0x4100;
	s30 =	simm.s32 $0x8180  }
0x6: {  	s31 =	simm.s32 $0xC180;
	[smem:$0x7FF] =	sst s2;
	s1 =	sadd.s32 $0x401A00, s0  }
0x7: {  	s14 =	sadd.s32 $0x1A00, s0;
	s23 =	sadd.s32 $0x601A00, s0;
	s7 =	sadd.s32 $0xA01A00, s0  }
0x8: {  	s8 =	sadd.s32 $0x281C00, s0;
	s9 =	sadd.s32 $0x81C00, s0;
	s6 =	sshll.u32 s5, $0x6  }
0x9: {  	s10 =	sadd.s32 $0xC01A00, s0;
	_ =	strace $0x80000047;
	[dreg:$0x3] =	wrdreg s1  }
0xa: {  	s12 =	sadd.s32 $0xE01A00, s0;
	[dreg:$0x4] =	wrdreg s23;
	s1 =	sand.u32 $0x1, s24  }
0xb: {  	s5 =	smov.u32 s14;
	s3 =	ssub.s32 $0x2, s1;
	s1 =	sshll.u32 s1, $0x5  }
0xc: {  	s23 =	simm.s32 $0x1;
	s13 =	sshrl.u32 s3, $0x1;
	s11 =	sor.u32 s1, s6  }
0xd: {  	s6 =	simm.s32 $0x3;
	s25 =	ssub.s32 s3, s13;
	s1 =	sshll.u32 s11, $0x9  }
0xe: {  	s13 =	sor.u32 $0x1F, s11;
	s16 =	sshrl.u32 s11, $0x5;
	s26 =	sadd.s32 s14, s1  }
0xf: {  	s3 =	simm.s32 $0x0;
	s1 =	sadd.s32 s4, s1;
	[dreg:$0x5] =	wrdreg s26  }
0x10: {  	s0 =	smax.u32 s25, $0x1;
	s25 =	simm.s32 $0x4180;
	[dreg:$0x6] =	wrdreg s1  }
0x11: {  	v0 =	vlaneseq.u32;
	[dreg:$0x7] =	wrdreg s0;
	s26 =	simm.s32 $0x6;
	s0 =	simm.s32 $0x2  }
.LBB2_1:
0x12: {  	[dreg:$0x8] =	wrdreg s3  }
0x13: {  	s1 =	rddreg [dreg:$0x5]  }
0x14: {  	s20 =	rddreg [dreg:$0x6]  }
0x15: {  	[tilespmem:s2], [sflag:$0x4] =	stream.strided.gather [hbm4b:s1+s18], $0x1000, s19, s18, $0x38;
	[tilespmem:$0x10180] =	vst v63  }
0x16: {  	s24 =	simm.s32 $0x2000;
	s14 =	simm.s32 $0x0;
	s15 =	simm.s32 $0x0  }
0x17: {  	[tilespmem:s24], [sflag:$0x5] =	stream.strided.gather [hbm4b:s20+s18], $0x1000, s19, s18, $0x38;
	[tilespmem:$0x10180] =	vst v63  }
.LBB2_2:
0x18: {  	_ =	swait.ge [sflag:s21], $0x1000;
	s20 =	simm.s32 $0x0;
	s1 =	sadd.s32 $0x0, s14  }
0x19: {  	[sflag:s21] =	ssyncset.done $0x0;
	s1 =	sand.u32 $0x1F80, s1;
	s3 =	sand.u32 $0x70, s20  }
0x1a: {  	[sflag:s21] =	ssyncadd.s32 $0xFFFFF000;
	s1 =	sor.u32 s3, s1  }
0x1b: {  	v1 =	vld [tilespmem:s1+$0x0];
	_ =	sdelay $0x4  }
0x1c: {  	vm0 =	vgt.s32 v1, $0xFFFFFFFF;
	_ =	sdelay $0x3  }
0x1d: {  	s17 =	simm.s32 $0x10;
	s24 =	sadd.s32 $0x10, s14;
	s1 =	simm.s32 $0x20  }
.LBB2_3:
0x1e: {  	p0 =	sne.s32 s1, $0xFF0;
	s3 =	sand.u32 $0x1F80, s24;
	s24 =	sand.u32 $0x70, s17;
	v2 =	vor.u32 s20, v0  }
0x1f: {  	s20 =	smov.u32 s17;
	s17 =	smov.u32 s1;
	s3 =	sor.u32 s24, s3;
	[tilespmem:v1+s22+$0x0] =	vst.idx.msk vm0, v2  }
0x20: {  	v1 =	vld [tilespmem:s3+$0x0];
	_ =	sdelay $0x4  }
.Ltmp0:
0x21: {  	vm0 =	vgt.s32 v1, $0xFFFFFFFF;
	(pc) =	sbr.rel @p0 .LBB2_3-.Ltmp0, $2  }
0x22: {  	_ =	sdelay $0x2  }
0x23: {  	s1 =	sadd.s32 $0x10, s1;
	s24 =	sadd.s32 s17, s14  }
0x24: {  	_ =	sdelay $0x3  }
0x25: {  	s1 =	sand.u32 $0x1F80, s24;
	s3 =	sand.u32 $0x70, s17;
	v2 =	vor.u32 s20, v0  }
0x26: {  	s1 =	sor.u32 s3, s1;
	[tilespmem:v1+s22+$0x0] =	vst.idx.msk vm0, v2  }
0x27: {  	v1 =	vld [tilespmem:s1+$0x0];
	_ =	sdelay $0x4  }
0x28: {  	vm0 =	vgt.s32 v1, $0xFFFFFFFF;
	_ =	sdelay $0x4  }
0x29: {  	v2 =	vor.u32 s17, v0;
	s17 =	sor.u32 s11, s15  }
0x2a: {  	p1 =	sne.s32 s15, $0x0;
	p0 =	seq.s32 s17, $0x0;
	[tilespmem:v1+s22+$0x0] =	vst.idx.msk vm0, v2  }
0x2b: {  	p0 =	por !p1, !p0;
	v1 =	vld [tilespmem:$0x4000]  }
0x2c: {  	s1 =	simm.s32 $0x1;
	p0 =	por !p0, !p0;
	v2 =	vld [tilespmem:$0x4010]  }
0x2d: {  	s1 =	simm.s32 @!p0 $0x0;
	v3 =	vld [tilespmem:$0x4020]  }
0x2e: {  	s1 =	ssub.s32 s16, s1;
	v4 =	vld [tilespmem:$0x4030]  }
0x2f: {  	s1 =	sshll.u32 s1, $0xC;
	v5 =	vld [tilespmem:$0x4040]  }
0x30: {  	v6 =	vld [tilespmem:$0x4050];
	v1 =	vadd.s32 s1, v1  }
0x31: {  	[tilespmem:$0x4080] =	vst v1;
	v1 =	vadd.s32 s1, v2;
	v2 =	vld [tilespmem:$0x4060]  }
0x32: {  	[tilespmem:$0x4090] =	vst v1;
	v1 =	vadd.s32 s1, v3;
	v3 =	vld [tilespmem:$0x4070]  }
0x33: {  	[tilespmem:$0x40A0] =	vst v1;
	v1 =	vadd.s32 s1, v4  }
0x34: {  	[tilespmem:$0x40B0] =	vst v1;
	v1 =	vadd.s32 s1, v5  }
0x35: {  	[tilespmem:$0x40C0] =	vst v1;
	v1 =	vadd.s32 s1, v6  }
0x36: {  	[tilespmem:$0x40D0] =	vst v1;
	v1 =	vadd.s32 s1, v2  }
0x37: {  	[tilespmem:$0x40E0] =	vst v1;
	v1 =	vadd.s32 s1, v3  }
0x38: {  	s4 =	rddreg [dreg:$0x3];
	s24 =	simm.s32 $0x4080;
	s3 =	sshll.u32 s15, $0x4;
	[tilespmem:$0x40F0] =	vst v1  }
0x39: {  	[tilespmem:s25], [sflag:$0x1] =	stream.indirect.gather [hbm4b:s4+s18], $0x80, s24, s18, $0xb8;
	[tilespmem:$0x10180] =	vst v63  }
0x3a: {  	s3 =	sand.u32 $0x70, s3;
	s4 =	sshll.u32 s17, $0x4  }
0x3b: {  	s3 =	sadd.s32 s8, s3;
	s20 =	sand.u32 $0x3F80, s4  }
0x3c: {  	s3 =	sadd.s32 s20, s3;
	s20 =	simm.s32 $0x0  }
0x3d: {  	[hbm4b:s3+s20] =	stream.linear.scatter [tilespmem:s22], [sflag:$0x6], $0x80, $0x38;
	[tilespmem:$0x10180] =	vst v63  }
0x3e: {  	_ =	swait.ge [sflag:s26], $0x80  }
0x3f: {  	[sflag:s26] =	ssyncset.done $0x0  }
0x40: {  	[sflag:s26] =	ssyncadd.s32 $0xFFFFFF80  }
0x41: {  	s24 =	sadd.s32 $0x0, s14;
	_ =	swait.ge [sflag:s28], $0x1000  }
0x42: {  	s3 =	sand.u32 $0x1F80, s24;
	s4 =	sand.u32 $0x70, s20;
	[sflag:s28] =	ssyncset.done $0x0  }
0x43: {  	s3 =	sor.u32 s4, s3;
	[sflag:s28] =	ssyncadd.s32 $0xFFFFF000  }
0x44: {  	v2 =	vld [tilespmem:s3+$0x2000];
	_ =	sdelay $0x4  }
0x45: {  	vm0 =	vgt.s32 v2, $0xFFFFFFFF;
	_ =	sdelay $0x3  }
0x46: {  	v1 =	vmov s1;
	s1 =	simm.s32 $0x10;
	s24 =	simm.s32 $0x20;
	s3 =	sadd.s32 $0x10, s14  }
.LBB2_5:
0x47: {  	p0 =	sne.s32 s24, $0xFF0;
	s3 =	sand.u32 $0x1F80, s3;
	s4 =	sand.u32 $0x70, s1;
	v3 =	vor.u32 s20, v0  }
0x48: {  	s20 =	smov.u32 s1;
	s1 =	smov.u32 s24;
	s3 =	sor.u32 s4, s3;
	[tilespmem:v2+s29+$0x0] =	vst.idx.msk vm0, v3  }
0x49: {  	v2 =	vld [tilespmem:s3+$0x2000];
	_ =	sdelay $0x4  }
.Ltmp1:
0x4a: {  	vm0 =	vgt.s32 v2, $0xFFFFFFFF;
	(pc) =	sbr.rel @p0 .LBB2_5-.Ltmp1, $2  }
0x4b: {  	_ =	sdelay $0x2  }
0x4c: {  	s24 =	sadd.s32 $0x10, s24;
	s3 =	sadd.s32 s1, s14  }
0x4d: {  	_ =	sdelay $0x3  }
0x4e: {  	s3 =	sand.u32 $0x1F80, s3;
	s4 =	sand.u32 $0x70, s1;
	v3 =	vor.u32 s20, v0  }
0x4f: {  	s3 =	sor.u32 s4, s3;
	[tilespmem:v2+s29+$0x0] =	vst.idx.msk vm0, v3  }
0x50: {  	v2 =	vld [tilespmem:s3+$0x2000];
	_ =	sdelay $0x4  }
0x51: {  	vm15 =	vgt.s32 v2, $0xFFFFFFFF;
	_ =	sdelay $0x4  }
0x52: {  	v3 =	vor.u32 s1, v0  }
0x53: {  	[tilespmem:v2+s29+$0x0] =	vst.idx.msk vm15, v3  }
0x54: {  	v2 =	vld [tilespmem:$0x4100]  }
0x55: {  	v3 =	vld [tilespmem:$0x4110]  }
0x56: {  	v4 =	vld [tilespmem:$0x4120]  }
0x57: {  	v5 =	vld [tilespmem:$0x4130]  }
0x58: {  	v6 =	vld [tilespmem:$0x4140]  }
0x59: {  	v7 =	vld [tilespmem:$0x4150];
	v2 =	vadd.s32 v1, v2  }
0x5a: {  	[tilespmem:$0x4100] =	vst v2;
	v2 =	vadd.s32 v1, v3;
	v3 =	vld [tilespmem:$0x4160]  }
0x5b: {  	v63 =	vld [tilespmem:$0x4170];
	[tilespmem:$0x4110] =	vst v2;
	v2 =	vadd.s32 v1, v4  }
0x5c: {  	[tilespmem:$0x4120] =	vst v2;
	v2 =	vadd.s32 v1, v5  }
0x5d: {  	s1 =	sadd.s32 $0x1, s17;
	[tilespmem:$0x4130] =	vst v2;
	v2 =	vadd.s32 v1, v6  }
0x5e: {  	p0 =	slt.s32 s1, s13;
	s3 =	smov.u32 s13;
	[tilespmem:$0x4140] =	vst v2;
	v2 =	vadd.s32 v1, v7  }
0x5f: {  	s3 =	smov.u32 @p0 s1;
	[tilespmem:$0x4150] =	vst v2;
	v2 =	vadd.s32 v1, v3  }
0x60: {  	s24 =	rddreg [dreg:$0x4];
	s1 =	sshll.u32 s3, $0x9;
	s3 =	sshll.u32 s3, $0x4;
	v1 =	vadd.s32 v1, v63;
	[tilespmem:$0x4160] =	vst v2  }
0x61: {  	s15 =	sadd.s32 $0x1, s15;
	s1 =	sand.u32 $0xFFFF000, s1;
	s3 =	sand.u32 $0x70, s3;
	[tilespmem:$0x4170] =	vst v1  }
0x62: {  	[tilespmem:s30], [sflag:$0x2] =	stream.indirect.gather [hbm4b:s24+s18], $0x80, s29, s18, $0xb8;
	[tilespmem:$0x10180] =	vst v63  }
0x63: {  	s4 =	sshll.u32 s15, $0xC;
	s1 =	sor.u32 s3, s1  }
0x64: {  	[tilespmem:s31], [sflag:$0x3] =	stream.indirect.gather [hbm4b:s7+s18], $0x80, s29, s18, $0xb8;
	[tilespmem:$0x10180] =	vst v63  }
0x65: {  	s3 =	sand.u32 $0x1000, s4;
	s20 =	sadd.s32 s5, s1;
	s24 =	rddreg [dreg:$0x1]  }
0x66: {  	[tilespmem:s3], [sflag:$0x4] =	stream.strided.gather [hbm4b:s20+s18], $0x1000, s19, s18, $0x38;
	[tilespmem:$0x10180] =	vst v63  }
0x67: {  	s1 =	sadd.s32 s24, s1;
	s3 =	sor.u32 $0x2000, s3  }
0x68: {  	[tilespmem:s3], [sflag:$0x5] =	stream.strided.gather [hbm4b:s1+s18], $0x1000, s19, s18, $0x38;
	[tilespmem:$0x10180] =	vst v63  }
0x69: {  	_ =	swait.ge [sflag:s23], $0x4000  }
0x6a: {  	s17 =	sshll.u32 s17, $0xB;
	[sflag:s23] =	ssyncset.done $0x0  }
0x6b: {  	s20 =	sadd.s32 s9, s17;
	[sflag:s23] =	ssyncadd.s32 $0xFFFFC000  }
0x6c: {  	[hbm4b:s20+s2] =	stream.linear.scatter [tilespmem:s25], [sflag:$0x6], $0x4000, $0x38;
	[tilespmem:$0x10180] =	vst v63  }
0x6d: {  	_ =	swait.ge [sflag:s26], $0x4000  }
0x6e: {  	[sflag:s26] =	ssyncset.done $0x0  }
0x6f: {  	[sflag:s26] =	ssyncadd.s32 $0xFFFFC000  }
0x70: {  	_ =	swait.ge [sflag:s0], $0x4000  }
0x71: {  	[sflag:s0] =	ssyncset.done $0x0  }
0x72: {  	s24 =	sadd.s32 s10, s17;
	[sflag:s0] =	ssyncadd.s32 $0xFFFFC000  }
0x73: {  	[hbm4b:s24+s2] =	stream.linear.scatter [tilespmem:s30], [sflag:$0x6], $0x4000, $0x38;
	[tilespmem:$0x10180] =	vst v63  }
0x74: {  	_ =	swait.ge [sflag:s26], $0x4000  }
0x75: {  	[sflag:s26] =	ssyncset.done $0x0  }
0x76: {  	[sflag:s26] =	ssyncadd.s32 $0xFFFFC000  }
0x77: {  	_ =	swait.ge [sflag:s6], $0x4000  }
0x78: {  	p0 =	sne.s32 s15, $0x20;
	[sflag:s6] =	ssyncset.done $0x0  }
.Ltmp2:
0x79: {  	s1 =	sadd.s32 s12, s17;
	[sflag:s6] =	ssyncadd.s32 $0xFFFFC000;
	(pc) =	sbr.rel @p0 .LBB2_2-.Ltmp2, $4  }
0x7a: {  	[hbm4b:s1+s2] =	stream.linear.scatter [tilespmem:s31], [sflag:$0x6], $0x4000, $0x38;
	[tilespmem:$0x10180] =	vst v63  }
0x7b: {  	_ =	swait.ge [sflag:s26], $0x4000  }
0x7c: {  	[sflag:s26] =	ssyncset.done $0x0  }
0x7d: {  	s14 =	sadd.s32 $0x1000, s14;
	[sflag:s26] =	ssyncadd.s32 $0xFFFFC000  }
0x7e: {  	_ =	swait.ge [sflag:s21], $0x1000  }
0x7f: {  	[sflag:s21] =	ssyncset.done $0x0  }
0x80: {  	[sflag:s21] =	ssyncadd.s32 $0xFFFFF000  }
0x81: {  	_ =	swait.ge [sflag:s28], $0x1000  }
0x82: {  	s3 =	rddreg [dreg:$0x8]  }
0x83: {  	s1 =	rddreg [dreg:$0x7];
	s3 =	sadd.s32 $0x1, s3  }
0x84: {  	p0 =	sne.s32 s3, s1  }
.Ltmp3:
0x85: {  	_ = 	snop;
	(pc) =	sbr.rel @p0 .LBB2_1-.Ltmp3, $3  }
0x86: {  	_ =	sdelay $0x1  }
0x87: {  	[sflag:s28] =	ssyncset.done $0x0  }
0x88: {  	[sflag:s28] =	ssyncadd.s32 $0xFFFFF000  }
0x89: {  	_ =	sfence.sel $0x180000  }
0x8a: {  	[bflag:$0x0] =	sbarrier.arrive $0xFFFF  }
0x8b: {  	_ =	strace $0x90000047  }
0x8c: {  	s0 =	stileid.u32;
	[bflag:$0x2] =	sbarrier.arrive $0xFFFF  }
0x8d: {  	p0 =	sne.s32 s0, $0x0;
	s0 =	rddreg [dreg:$0x2]  }
0x8e: {  	s0 =	sadd.s32 @!p0 $0x100000, s0  }
0x8f: {  	[sflag:s0] =	ssyncadd.tile.s32 @!p0 $0x1;
	_ =	shalt  }
.Lfunc_end2:
_tile_overlayer_lowered:
.L_overlay_start_2:
0x90: {  	(tag) =	ssettag $0x2  }
0x91: {  	s0 =	rddreg [dreg:$0x0];
	s2 =	stileid.u32  }
0x92: {  	s1 =	rddreg [dreg:$0x1];
	p0 =	sne.s32 s2, $0x0  }
0x93: {  	s3 =	rddreg [dreg:$0x2];
	[bflag:$0x3] =	sbarrier.arrive $0xFFFF;
	s2 =	simm.s32 @!p0 $0x1C06  }
0x94: {  	[timem:s3], [sflag:s2] =	dma.local @!p0 [hbm:s0], s1  }
0x95: {  	s0 =	simm.s32 @!p0 $0x6  }
0x96: {  	_ =	swait.ge @!p0 [sflag:s0], s1  }
0x97: {  	s1 =	ssub.s32 @!p0 $0x0, s1;
	[sflag:s0] =	ssyncset.done @!p0 $0x0  }
0x98: {  	[sflag:s0] =	ssyncadd.s32 @!p0 s1  }
0x99: {  	[bflag:$0x3] =	sbarrier.arrive $0xFFFF  }
0x9a: {  	_ =	shalt  }

// kernel: sparse-core-data-format-call.cloned.1.call-start
scs
called_computation_lowered:
.L_overlay_start_0:
0x0: {  	s2 =	sld [smem:$0x3FD9]  }
0x1: {  	s3 =	sld [smem:$0x3FFE];
	_ =	sdelay $0x1  }
0x2: {  	s1 =	srdreg.scid  }
0x3: {  	s0 =	sand.u32 $0x1, s1  }
0x4: {  	s15 =	sshll.u32 s0, $0xA;
	s2 =	sadd.s32 s3, s2  }
0x5: {  	s2 =	sadd.s32 s2, s15  }
0x6: {  	[smem:$0x3FC2] =	sst s2  }
0x7: {  	_ = 	snop  }
0x8: {  	s2 =	sld [smem:$0x3FD0];
	_ =	sdelay $0x2  }
0x9: {  	s16 =	simm.s32 $0xA;
	s4 =	simm.s32 $0x10  }
0xa: {  	[smem:s4], [sflag:s16] =	dma.local [hbm:s2], $0x1  }
0xb: {  	_ =	swait.eq [sflag:s16], $0x1  }
0xc: {  	[sflag:s16] =	ssyncset.done $0x0  }
0xd: {  	[sflag:s16] =	ssyncadd.s32 $0xFFFFFFFF  }
0xe: {  	s17 =	sld [smem:$0x10];
	(tm) =	ssettm $0x1  }
0xf: {  	s18 =	sld [smem:$0x3FFB];
	_ =	sdelay $0x3  }
0x10: {  	_ =	strace s18  }
0x11: {  	s3 =	sld [smem:$0x3FFC];
	_ =	sdelay $0x3  }
0x12: {  	_ =	strace s3  }
0x13: {  	s3 =	sld [smem:$0x3FFD];
	_ =	sdelay $0x3  }
0x14: {  	_ =	strace s3  }
0x15: {  	_ =	strace $0x8FFFFFFF  }
0x16: {  	s19 =	sld [smem:$0x3FDB];
	_ =	sdelay $0x1  }
0x17: {  	s20 =	simm.s32 $_scs_section_size  }
0x18: {  	s5 =	simm.s32 $_size__tile_overlayer_lowered;
	s6 =	simm.s32 $_tile_overlayer_lowered  }
0x19: {  	s23 =	simm.s32 $0x1BFF;
	s22 =	sshll.u32 s6, $0x1;
	s3 =	sadd.s32 s20, s19  }
0x1a: {  	s7 =	simm.s32 $0x0;
	s21 =	sshll.u32 s5, $0x1;
	s5 =	sadd.s32 s22, s3  }
0x1b: {  	[timem:s7], [sflag:s23] =	dma.local [hbm:s5], s21  }
0x1c: {  	_ =	swait.ge [sflag:s23], s21  }
0x1d: {  	s4 =	ssub.s32 $0x0, s21;
	[sflag:s23] =	ssyncset.done $0x0  }
0x1e: {  	[sflag:s23] =	ssyncadd.s32 s4;
	_ =	sdelay $0x1  }
0x1f: {  	s24 =	simm.s32 $0x1B8B  }
0x20: {  	_ =	swait.ge [sflag:s24], $0x1  }
0x21: {  	[sflag:s24] =	ssyncset.done $0x0  }
0x22: {  	s26 =	simm.s32 $0x1B8E;
	s25 =	sld [smem:$0x3FFE];
	[sflag:s24] =	ssyncadd.s32 $0xFFFFFFFF  }
0x23: {  	s27 =	simm.s32 $execute0_lowered;
	[smem:$0x3FD2] =	sst s26  }
0x24: {  	s5 =	sshll.u32 s27, $0x1;
	_ =	strace $0x8000004C;
	[dreg:$0x1] =	wrdreg $0xFFFFFFFF  }
0x25: {  	s28 =	simm.s32 $_size_execute0_lowered;
	s3 =	sadd.s32 s3, s5;
	[dreg:$0x0] =	wrdreg $0x0  }
0x26: {  	s5 =	sshll.u32 s28, $0x1;
	[dreg:$0x2] =	wrdreg s3  }
0x27: {  	[dreg:$0x3] =	wrdreg s5  }
0x28: {  	[dreg:$0x4] =	wrdreg $0xC0  }
0x29: {  	_ =	task [dreg:s7], $0x5FFFF  }
0x2a: {  	[dreg:$0x1] =	wrdreg $0xFFFFFFFF  }
0x2b: {  	[dreg:$0x0] =	wrdreg $0x60  }
0x2c: {  	[dreg:$0x2] =	wrdreg s25  }
0x2d: {  	[dreg:$0x3] =	wrdreg s17  }
0x2e: {  	[dreg:$0x4] =	wrdreg $0x9  }
0x2f: {  	_ =	task.clear_ibuf [dreg:s7], $0x5FFFF;
	_ =	strace $0x9000004C  }
0x30: {  	s29 =	simm.s32 $0x9;
	_ =	strace $0x8000004E  }
0x31: {  	_ =	swait.ge [sflag:s29], $0x1  }
0x32: {  	[sflag:s29] =	ssyncadd.s32 $0xFFFFFFFF  }
0x33: {  	_ =	strace $0x9000004E  }
0x34: {  	_ =	sfence  }
0x35: {  	s30 =	sld [smem:$0x0];
	_ =	sdelay $0x2  }
0x36: {  	s31 =	sshll.u32 s1, $0xD;
	s1 =	sshrl.u32 s1, $0x2  }
0x37: {  	s3 =	sand.u32 $0x4000, s31;
	s1 =	sadd.s32 s1, s30  }
0x38: {  	s0 =	sor.u32 s3, s0;
	s1 =	sshll.u32 s1, $0x11  }
0x39: {  	s0 =	sor.u32 s1, s0  }
0x3a: {  	s0 =	sadd.s32 $0x8F2B, s0  }
0x3b: {  	[sflag:s0] =	ssyncadd.remote.s32 $0x1  }
0x3c: {  	_ =	sfence.sel $0xFFFF  }
0x3d: {  	[dreg:$0x0] =	wrdreg $0xFFFFFFFF;
	(pc) =	sbr.abs _section_cstart, $3  }
0x3e: {  	[dreg:$0x1] =	wrdreg $0xFFFFFFFF  }
0x3f: {  	_ =	task.clear_ibuf [dreg:s7], $0x2FFFF;
	_ =	strace $0x9FFFFFFF  }
0x40: {  	(tm) =	ssettm $0x7FFFFFFF  }
0x41: {  	_ =	shalt  }
tec
execute0_lowered:
.L_overlay_start_1:
0x0: {  	(tag) =	ssettag $0x1  }
0x1: {  	s9 =	rddreg [dreg:$0x0]  }
0x2: {  	s1 =	rddreg [dreg:$0x1];
	s0 =	stileid.u32  }
0x3: {  	s4 =	srdreg.scid;
	s31 =	simm.s32 $0x2;
	s16 =	simm.s32 $0x0  }
0x4: {  	s11 =	simm.s32 $0x8000;
	s17 =	simm.s32 $0x0;
	s18 =	simm.s32 $0x0  }
0x5: {  	s15 =	simm.s32 $0x0;
	s2 =	sand.u32 $0x1, s0;
	s3 =	sand.u32 $0xE, s0  }
0x6: {  	s4 =	sshll.u32 s4, $0x7;
	s5 =	ssub.s32 $0x2, s2;
	s6 =	ssub.s32 $0x10, s3  }
0x7: {  	s4 =	sand.u32 $0x80, s4;
	s13 =	smov.u32 s3;
	s8 =	sand.u32 $0xE, s6  }
0x8: {  	s7 =	sshrl.u32 s5, $0x1;
	p0 =	sne.s32 s8, $0x0;
	s8 =	simm.s32 $0x1  }
0x9: {  	s5 =	sand.u32 $0x1, s5;
	s6 =	sshrl.u32 s6, $0x4;
	s8 =	simm.s32 @!p0 $0x0  }
0xa: {  	s10 =	ssub.s32 $0x1000, s4;
	s5 =	sadd.s32 s5, s7;
	s6 =	sadd.s32 s8, s6  }
0xb: {  	s14 =	smov.u32 s2;
	s28 =	sshrl.u32 s10, $0x7;
	s30 =	smul.u32 s5, s6  }
.Ltmp0:
0xc: {  	s29 =	sshrl.u32 s10, $0x8;
	s7 =	sand.u32 $0x1, s28;
	(pc) =	sbr.rel .LBB1_1-.Ltmp0, $4  }
0xd: {  	s12 =	smov.u32 s4;
	s7 =	sadd.s32 s29, s7;
	s5 =	rddreg [dreg:$0x2]  }
0xe: {  	_ =	strace $0x8000004D;
	s6 =	simm.s32 $0x1;
	s7 =	smul.u32 s7, s30  }
0xf: {  	p0 =	por $0x0, $0x0;
	s8 =	sadd.s32 $0x281C00, s9;
	[sflag:s6] =	ssyncpa.u1 $0x0  }
0x10: {  	s9 =	sadd.s32 $0x291C00, s9;
	[sflag:s31] =	ssyncpa.u1 $0x0;
	s10 =	sadd.s32 $0x1, s7  }
.LBB1_7:
0x11: {  	s19 =	sadd.s32 $0x100, s12  }
0x12: {  	s16 =	sadd.s32 $0x10, s13;
	s20 =	smov.u32 s13;
	p2 =	sgt.s32 s19, $0xFFF  }
0x13: {  	s20 =	smov.u32 @p2 s16  }
0x14: {  	s22 =	smov.u32 s14;
	s16 =	sadd.s32 $0x2, s14;
	p3 =	sgt.s32 s20, $0xF  }
0x15: {  	s22 =	smov.u32 @p3 s16  }
0x16: {  	s19 =	smov.u32 @p2 s4;
	p2 =	sgt.s32 s22, $0x1  }
0x17: {  	p1 =	slt.u32 s15, $0x2;
	s22 =	smov.u32 @p2 s2;
	p2 =	sne.s32 s15, s10  }
.Ltmp1:
0x18: {  	s21 =	simm.s32 @!p1 $0x2;
	(pc) =	sbr.rel @!p2 .LBB1_8-.Ltmp1, $4  }
0x19: {  	s17 =	smov.u32 s13;
	s18 =	smov.u32 s14;
	_ =	swait.ge @!p1 [sflag:s21], $0x4000  }
0x1a: {  	p0 =	por !p0, !p0;
	[sflag:s21] =	ssyncset.done @!p1 $0x0;
	s20 =	smov.u32 @p3 s3  }
0x1b: {  	s16 =	smov.u32 s12;
	[sflag:s21] =	ssyncadd.s32 @!p1 $0xFFFFC000;
	s12 =	smov.u32 s19  }
0x1c: {  	s13 =	smov.u32 s20;
	s15 =	sadd.s32 $0x1, s15;
	s14 =	smov.u32 s22  }
.LBB1_1:
0x1d: {  	p1 =	sge.u32 s15, s7  }
0x1e: {  	s19 =	sxor.u32 @!p1 $0xFFFFFFFF, s15;
	s20 =	sshll.u32 @!p1 s14, $0x14  }
0x1f: {  	s21 =	sshll.u32 @!p1 s13, $0x10;
	s23 =	sshll.u32 @!p1 s12, $0x4;
	s24 =	simm.s32 @!p1 $0x40  }
0x20: {  	s25 =	simm.s32 @!p1 $0x80;
	s19 =	sshll.u32 @!p1 s19, $0xE;
	s22 =	sadd.s32 @!p1 s20, s21  }
0x21: {  	s23 =	sand.u32 @!p1 $0xFFF0, s23;
	s20 =	sadd.s32 @!p1 s20, s9;
	s22 =	sadd.s32 @!p1 s8, s22  }
0x22: {  	s19 =	sand.u32 @!p1 $0x4000, s19;
	s20 =	sadd.s32 @!p1 s21, s20;
	s22 =	sadd.s32 @!p1 s23, s22  }
0x23: {  	[tilespmem:s19], [sflag:$0x1] =	stream.strided.gather @!p1 [hbm4b:s22+s24], $0x2000, s25, s24, $0x38;
	[tilespmem:$0x10100] =	vst v63  }
0x24: {  	s31 =	sadd.s32 $0xFFFFFFFF, s15;
	s20 =	sadd.s32 @!p1 s23, s20;
	s19 =	sor.u32 @!p1 $0x2000, s19  }
0x25: {  	[tilespmem:s19], [sflag:$0x1] =	stream.strided.gather @!p1 [hbm4b:s20+s24], $0x2000, s25, s24, $0x38;
	[tilespmem:$0x10100] =	vst v63  }
0x26: {  	p1 =	sge.u32 s31, s7  }
.Ltmp2:
0x27: {  	_ = 	snop;
	(pc) =	sbr.rel @p1 .LBB1_7-.Ltmp2, $1  }
0x28: {  	_ =	sdelay $0x3  }
0x29: {  	s19 =	simm.s32 $0x1;
	s21 =	sand.u32 $0x1, s15  }
0x2a: {  	_ =	swait.ge [sflag:s6], $0x4000;
	s19 =	simm.s32 @!p0 $0x0;
	s21 =	smul.u32 $0x10200, s21  }
0x2b: {  	p2 =	por $0x1, $0x1;
	[sflag:s6] =	ssyncset.done $0x0;
	s20 =	smul.u32 $0x10200, s19  }
0x2c: {  	s22 =	sshll.u32 s19, $0x10;
	[sflag:s6] =	ssyncadd.s32 $0xFFFFC000;
	s30 =	sshrl.u32 s21, $0x2  }
0x2d: {  	s31 =	sshrl.u32 s22, $0x2;
	s22 =	simm.s32 $0x0;
	s20 =	sshrl.u32 s20, $0x2  }
0x2e: {  	s19 =	sor.u32 $0x8000, s30;
	s21 =	sadd.s32 $0x20, s31;
	s20 =	sor.u32 $0x8000, s20  }
.LBB1_3:
0x2f: {  	s23 =	sshll.u32 s22, $0xD  }
0x30: {  	s23 =	sand.u32 $0x3FFFE000, s23  }
0x31: {  	s25 =	sadd.s32 s23, s21  }
0x32: {  	s31 =	smul.u32 $0x8100, s22;
	v3 =	vld [tilespmem:s25+$0x10]  }
0x33: {  	v1 =	vld [tilespmem:s25+$0xFFFFFFF0]  }
0x34: {  	s22 =	sshra.s32 s31, $0x2;
	v0 =	vld [tilespmem:s25+$0x0]  }
0x35: {  	s22 =	sadd.s32 s22, s20;
	v2 =	vld [tilespmem:s25+$0xFFFFFFE0]  }
0x36: {  	s23 =	sadd.s32 $0x0, s22  }
0x37: {  	p1 =	por p2, p2;
	s24 =	simm.s32 $0x4;
	s25 =	sadd.s32 $0x40, s25;
	[tilespmem:s23+$0x1830 ss:$0x81] =	vst.msk $0xffff, v3  }
.LBB1_4:
0x38: {  	v3 =	vld [tilespmem:s25+$0x10];
	p2 =	sne.s32 s24, $0x1FC;
	[tilespmem:s23+$0x810 ss:$0x81] =	vst.msk $0xffff, v1;
	s26 =	smov.u32 s24;
	s24 =	sadd.s32 $0x4, s24  }
.Ltmp3:
0x39: {  	v1 =	vld [tilespmem:s25+$0xFFFFFFF0];
	[tilespmem:s23+$0x1020 ss:$0x81] =	vst.msk $0xffff, v0;
	(pc) =	sbr.rel @p2 .LBB1_4-.Ltmp3, $4  }
0x3a: {  	v0 =	vld [tilespmem:s25+$0x0];
	[tilespmem:s23+$0x0 ss:$0x81] =	vst.msk $0xffff, v2  }
0x3b: {  	s23 =	sshra.s32 s26, $0x2;
	v2 =	vld [tilespmem:s25+$0xFFFFFFE0]  }
0x3c: {  	s23 =	sadd.s32 s23, s22  }
0x3d: {  	s25 =	sadd.s32 $0x40, s25;
	[tilespmem:s23+$0x1830 ss:$0x81] =	vst.msk $0xffff, v3  }
.Ltmp4:
0x3e: {  	(pc) =	sbr.rel @p1 .LBB1_3-.Ltmp4, $4  }
0x3f: {  	_ = 	snop  }
0x40: {  	[tilespmem:s23+$0x810 ss:$0x81] =	vst.msk $0xffff, v1  }
0x41: {  	[tilespmem:s23+$0x1020 ss:$0x81] =	vst.msk $0xffff, v0  }
0x42: {  	s22 =	simm.s32 $0x1;
	p2 =	por $0x0, $0x0;
	[tilespmem:s23+$0x0 ss:$0x81] =	vst.msk $0xffff, v2  }
0x43: {  	s20 =	sshll.u32 s16, $0x3;
	s21 =	sand.u32 $0x78, s16  }
0x44: {  	s18 =	sshll.u32 s18, $0x13;
	s17 =	sshll.u32 s17, $0xF;
	s29 =	sand.u32 $0x7E00, s16  }
.Ltmp5:
0x45: {  	s20 =	sand.u32 $0xC00, s20;
	s18 =	sadd.s32 s1, s18;
	(pc) =	sbr.rel .LBB1_7-.Ltmp5, $4  }
0x46: {  	s30 =	sand.u32 $0x7, s16;
	s20 =	sor.u32 s21, s20;
	s17 =	sadd.s32 s17, s18  }
0x47: {  	s16 =	sshll.u32 s30, $0x12;
	s31 =	sshrl.u32 s20, $0x3;
	s17 =	sadd.s32 s29, s17  }
0x48: {  	s16 =	sor.u32 $0x400, s16;
	s17 =	sadd.s32 s31, s17  }
0x49: {  	[hbm4b:s17+s16] =	stream.strided.scatter [tilespmem:s19], [sflag:$0x2], $0x4000, s11, s16, $0x20;
	[tilespmem:$0x10100] =	vst v63  }
.LBB1_8:
0x4a: {  	_ =	sfence.sel $0x180000  }
0x4b: {  	s1 =	simm.s32 $0x1;
	[bflag:$0x0] =	sbarrier.arrive $0xFFFF  }
0x4c: {  	s31 =	simm.s32 $0x2;
	[sflag:s1] =	ssyncpa.u1 $0x1  }
0x4d: {  	[sflag:s31] =	ssyncpa.u1 $0x1  }
0x4e: {  	p0 =	sne.s32 s0, $0x0;
	_ =	strace $0x9000004D  }
0x4f: {  	s0 =	sadd.s32 @!p0 $0x100000, s5;
	[bflag:$0x2] =	sbarrier.arrive $0xFFFF  }
0x50: {  	[sflag:s0] =	ssyncadd.tile.s32 @!p0 $0x1;
	_ =	shalt  }
.Lfunc_end1:
_tile_overlayer_lowered:
.L_overlay_start_2:
0x51: {  	(tag) =	ssettag $0x2  }
0x52: {  	s0 =	rddreg [dreg:$0x0];
	s2 =	stileid.u32  }
0x53: {  	s1 =	rddreg [dreg:$0x1];
	p0 =	sne.s32 s2, $0x0  }
0x54: {  	s3 =	rddreg [dreg:$0x2];
	[bflag:$0x3] =	sbarrier.arrive $0xFFFF;
	s2 =	simm.s32 @!p0 $0x1C01  }
0x55: {  	[timem:s3], [sflag:s2] =	dma.local @!p0 [hbm:s0], s1  }
0x56: {  	s0 =	simm.s32 @!p0 $0x1  }
0x57: {  	_ =	swait.ge @!p0 [sflag:s0], s1  }
0x58: {  	s1 =	ssub.s32 @!p0 $0x0, s1;
	[sflag:s0] =	ssyncset.done @!p0 $0x0  }
0x59: {  	[sflag:s0] =	ssyncadd.s32 @!p0 s1  }
0x5a: {  	[bflag:$0x3] =	sbarrier.arrive $0xFFFF  }
0x5b: {  	_ =	shalt  }

</sc_bundles>
